<compile_context>
chip_gen: v7x
topology: tpu7x:2x2x1
jax: 0.10.2.dev20260603
libtpu: 0.0.44.dev20260713+nightly
codegen_flags: <defaults>
</compile_context>

<pallas_src>
import functools

import jax
import jax.numpy as jnp
from jax import lax
from jax.experimental import pallas as pl
from jax.experimental.pallas import tpu as pltpu
from jax.experimental.pallas import tpu_sc as plsc

_N = 100000
_E = 3200000
_REST_MULT = 1.0
_D = 16
_SKEW = 17
_NW = 32
_C = 512
_BPC = _C // 128
_NCH = _E // _C
_NT = (_NCH + _NW - 1) // _NW
_NSUB = 4
_CSUB = _C // _NSUB


_CN = 2000
_NCH_TP = _N // _CN
_TP_ROUNDS = (_NCH_TP + _NW - 1) // _NW


def _make_pack_kernel():
    mesh = plsc.VectorSubcoreMesh(core_axis_name="c", subcore_axis_name="s")

    @functools.partial(
        pl.kernel,
        mesh=mesh,
        compiler_params=pltpu.CompilerParams(
            use_tc_tiling_on_sc=False, needs_layout_passes=False),
        out_type=(
            jax.ShapeDtypeStruct((_N, _D), jnp.float32),
            jax.ShapeDtypeStruct((_N, _D), jnp.float32),
        ),
        scratch_types=[
            pltpu.VMEM((3 * _CN,), jnp.float32),
            pltpu.VMEM((3 * _CN,), jnp.float32),
            pltpu.VMEM((_CN,), jnp.float32),
            pltpu.VMEM((_CN,), jnp.float32),
            pltpu.VMEM((_CN,), jnp.float32),
            pltpu.VMEM((_SKEW * _CN,), jnp.float32),
            pltpu.VMEM((_CN, _D), jnp.float32),
            pltpu.VMEM((_CN, _D), jnp.float32),
            pltpu.SemaphoreType.DMA,
            pltpu.SemaphoreType.DMA,
        ],
    )
    def table_pack(pos_hbm, rest_hbm, mu_hbm, lam_hbm, bend_hbm,
                   ta_hbm, tb_hbm,
                   pos_v, rest_v, mu_v, lam_v, bend_v,
                   ska, ta_v, tb_v, sem_in, sem_out):
        wid = lax.axis_index("s") * 2 + lax.axis_index("c")
        iota = lax.iota(jnp.int32, 16)
        pat3 = iota * 3
        pat17 = iota * _SKEW
        sgn = jnp.where((iota >= 3) & (iota < 9), -1.0, 1.0)

        def do_chunk(c):
            base = c * _CN
            pltpu.async_copy(pos_hbm.at[pl.ds(3 * base, 3 * _CN)], pos_v, sem_in)
            pltpu.async_copy(rest_hbm.at[pl.ds(3 * base, 3 * _CN)], rest_v, sem_in)
            pltpu.async_copy(mu_hbm.at[pl.ds(base, _CN)], mu_v, sem_in)
            pltpu.async_copy(lam_hbm.at[pl.ds(base, _CN)], lam_v, sem_in)
            pltpu.async_copy(bend_hbm.at[pl.ds(base, _CN)], bend_v, sem_in)
            pltpu.make_async_copy(pos_hbm.at[pl.ds(0, 3 * _CN)], pos_v, sem_in).wait()
            pltpu.make_async_copy(rest_hbm.at[pl.ds(0, 3 * _CN)], rest_v, sem_in).wait()
            pltpu.make_async_copy(mu_hbm.at[pl.ds(0, _CN)], mu_v, sem_in).wait()
            pltpu.make_async_copy(lam_hbm.at[pl.ds(0, _CN)], lam_v, sem_in).wait()
            pltpu.make_async_copy(bend_hbm.at[pl.ds(0, _CN)], bend_v, sem_in).wait()

            @plsc.parallel_loop(0, _CN // 16, step=1, unroll=2)
            def _(q):
                nb = q * 16
                skoff = q * (16 * _SKEW) + pat17
                for f, src in ((0, mu_v), (1, lam_v), (2, bend_v)):
                    v = src[pl.ds(nb, 16)] * 0.5
                    plsc.store_scatter(ska, [skoff + f], v)
                for c3 in range(3):
                    vp = plsc.load_gather(pos_v, [q * 48 + pat3 + c3])
                    plsc.store_scatter(ska, [skoff + 3 + c3], vp)
                    vr = plsc.load_gather(rest_v, [q * 48 + pat3 + c3]) * _REST_MULT
                    plsc.store_scatter(ska, [skoff + 6 + c3], vr)
                zero = vp * 0.0
                for f in range(9, _D):
                    plsc.store_scatter(ska, [skoff + f], zero)

            @plsc.parallel_loop(0, _CN, step=1, unroll=8)
            def _(j):
                v = plsc.load_gather(ska, [j * _SKEW + iota])
                ta_v[j] = v
                tb_v[j] = v * sgn

            pltpu.async_copy(ta_v, ta_hbm.at[pl.ds(base, _CN)], sem_out)
            pltpu.async_copy(tb_v, tb_hbm.at[pl.ds(base, _CN)], sem_out)
            pltpu.make_async_copy(ta_v, ta_hbm.at[pl.ds(0, _CN)], sem_out).wait()
            pltpu.make_async_copy(tb_v, tb_hbm.at[pl.ds(0, _CN)], sem_out).wait()

        def round_body(t, carry):
            c = wid + t * _NW

            @pl.when(c < _NCH_TP)
            def _():
                do_chunk(c)

            return carry

        lax.fori_loop(0, _TP_ROUNDS, round_body, 0)

    return table_pack


def _make_gather_kernel():
    mesh = plsc.VectorSubcoreMesh(core_axis_name="c", subcore_axis_name="s")

    @functools.partial(
        pl.kernel,
        mesh=mesh,
        compiler_params=pltpu.CompilerParams(
            use_tc_tiling_on_sc=False, needs_layout_passes=False),
        out_type=(
            jax.ShapeDtypeStruct((_E,), jnp.float32),
            jax.ShapeDtypeStruct((_E,), jnp.float32),
            jax.ShapeDtypeStruct((_E,), jnp.float32),
            jax.ShapeDtypeStruct((_E // 128, 4, 128), jnp.float32),
            jax.ShapeDtypeStruct((_E // 128, 4, 128), jnp.float32),
        ),
        scratch_types=[
            pltpu.VMEM((_C,), jnp.int32), pltpu.VMEM((_C,), jnp.int32),
            pltpu.VMEM((_C,), jnp.int32), pltpu.VMEM((_C,), jnp.int32),
            pltpu.VMEM((_C, _D), jnp.float32), pltpu.VMEM((_C, _D), jnp.float32),
            pltpu.VMEM((_C, _D), jnp.float32), pltpu.VMEM((_C, _D), jnp.float32),
            pltpu.VMEM((_SKEW * _C,), jnp.float32),
            pltpu.VMEM((_C,), jnp.float32), pltpu.VMEM((_C,), jnp.float32),
            pltpu.VMEM((_C,), jnp.float32), pltpu.VMEM((_C,), jnp.float32),
            pltpu.VMEM((_C,), jnp.float32), pltpu.VMEM((_C,), jnp.float32),
            pltpu.VMEM((_BPC, 4, 128), jnp.float32), pltpu.VMEM((_BPC, 4, 128), jnp.float32),
            pltpu.VMEM((_BPC, 4, 128), jnp.float32), pltpu.VMEM((_BPC, 4, 128), jnp.float32),
        ] + [pltpu.SemaphoreType.DMA] * 10,
    )
    def edge_gather(ta_hbm, tb_hbm, ei_hbm,
                    mu_hbm, lam_hbm, bend_hbm, rr_hbm, rp_hbm,
                    is0, is1, id0, id1, ra0, ra1, rb0, rb1, skb,
                    mu0, mu1, la0, la1, be0, be1, rp0, rp1, rr0, rr1,
                    sis0, sis1, sid0, sid1, sga0, sga1, sgb0, sgb1,
                    swb0, swb1):
        idx_s = (is0, is1)
        idx_d = (id0, id1)
        ra = (ra0, ra1)
        rb = (rb0, rb1)
        mu_st = (mu0, mu1)
        lam_st = (la0, la1)
        bend_st = (be0, be1)
        rp_st = (rp0, rp1)
        rr_st = (rr0, rr1)
        sis = (sis0, sis1)
        sid = (sid0, sid1)
        sga = (sga0, sga1)
        sgb = (sgb0, sgb1)
        swb = (swb0, swb1)

        wid = lax.axis_index("s") * 2 + lax.axis_index("c")

        iota = lax.iota(jnp.int32, 16)
        skew_pat = iota * _SKEW

        def chunk_of(t):
            return wid + t * _NW

        def issue_idx(t, p):
            base = chunk_of(t) * _C
            pltpu.async_copy(ei_hbm.at[pl.ds(base, _C)], idx_s[p], sis[p])
            pltpu.async_copy(ei_hbm.at[pl.ds(_E + base, _C)], idx_d[p], sid[p])

        def wait_idx(p):
            pltpu.make_async_copy(ei_hbm.at[pl.ds(0, _C)], idx_s[p], sis[p]).wait()
            pltpu.make_async_copy(ei_hbm.at[pl.ds(0, _C)], idx_d[p], sid[p]).wait()

        def issue_gathers(p):
            for s in range(_NSUB):
                sl = pl.ds(s * _CSUB, _CSUB)
                pltpu.async_copy(ta_hbm.at[idx_s[p].at[sl]], ra[p].at[sl], sga[p])
                pltpu.async_copy(tb_hbm.at[idx_d[p].at[sl]], rb[p].at[sl], sgb[p])

        def wait_gathers(p):
            for s in range(_NSUB):
                sl = pl.ds(s * _CSUB, _CSUB)
                pltpu.make_async_copy(ta_hbm.at[idx_s[p].at[sl]], ra[p].at[sl], sga[p]).wait()
                pltpu.make_async_copy(tb_hbm.at[idx_d[p].at[sl]], rb[p].at[sl], sgb[p]).wait()

        def wb_descs(t, p):
            ch = chunk_of(t)
            base = ch * _C
            return (
                pltpu.make_async_copy(mu_st[p], mu_hbm.at[pl.ds(base, _C)], swb[p]),
                pltpu.make_async_copy(lam_st[p], lam_hbm.at[pl.ds(base, _C)], swb[p]),
                pltpu.make_async_copy(bend_st[p], bend_hbm.at[pl.ds(base, _C)], swb[p]),
                pltpu.make_async_copy(rp_st[p], rp_hbm.at[pl.ds(ch * _BPC, _BPC)], swb[p]),
                pltpu.make_async_copy(rr_st[p], rr_hbm.at[pl.ds(ch * _BPC, _BPC)], swb[p]),
            )

        def issue_wb(t, p):
            for d in wb_descs(t, p):
                d.start()

        def wait_wb(p):
            for d in wb_descs(0, p):
                d.wait()

        issue_idx(0, 0)
        issue_idx(1, 1)
        wait_idx(0)
        issue_gathers(0)

        def outer_body(t2, carry):
            for b in (0, 1):
                t = 2 * t2 + b

                @pl.when(chunk_of(t) < _NCH)
                def _():
                    wait_gathers(b)

                @pl.when(chunk_of(t + 2) < _NCH)
                def _():
                    issue_idx(t + 2, b)

                @pl.when((t >= 1) & (chunk_of(t - 1) < _NCH))
                def _():
                    wait_wb(1 - b)

                @pl.when(chunk_of(t + 1) < _NCH)
                def _():
                    wait_idx(1 - b)
                    issue_gathers(1 - b)

                @pl.when(chunk_of(t) < _NCH)
                def _():
                    rap = ra[b]
                    rbp = rb[b]

                    @plsc.parallel_loop(0, _C, step=1, unroll=8)
                    def _(j):
                        v = rap[j] + rbp[j]
                        plsc.store_scatter(skb, [j * _SKEW + iota], v)

                    mup = mu_st[b]
                    lamp = lam_st[b]
                    bendp = bend_st[b]
                    rpp = rp_st[b]
                    rrp = rr_st[b]

                    @plsc.parallel_loop(0, _C // 16, step=1, unroll=2)
                    def _(q):
                        gbase = q * (16 * _SKEW) + skew_pat
                        obase = q * 16
                        mup[pl.ds(obase, 16)] = plsc.load_gather(skb, [gbase])
                        lamp[pl.ds(obase, 16)] = plsc.load_gather(skb, [gbase + 1])
                        bendp[pl.ds(obase, 16)] = plsc.load_gather(skb, [gbase + 2])
                        b3 = q // 8
                        lane = (q % 8) * 16
                        for c in range(3):
                            vpos = plsc.load_gather(skb, [gbase + (3 + c)])
                            rpp[b3, c, pl.ds(lane, 16)] = vpos
                            vrest = plsc.load_gather(skb, [gbase + (6 + c)])
                            rrp[b3, c, pl.ds(lane, 16)] = vrest

                    issue_wb(t, b)
            return carry

        lax.fori_loop(0, _NT // 2, outer_body, 0)

        @pl.when(chunk_of(_NT - 1) < _NCH)
        def _():
            wait_wb(1)

    return edge_gather


_gather_call_cache = []


def kernel(pos, rest_pos, lame_mu_input, lame_lambda_input,
           bending_coeff_input, edge_index):
    if not _gather_call_cache:
        _gather_call_cache.append((_make_pack_kernel(), _make_gather_kernel()))
    _pack_call, _gather_call = _gather_call_cache[0]
    ta, tb = _pack_call(
        pos.reshape(3 * _N),
        rest_pos.reshape(3 * _N),
        lame_mu_input.reshape(_N),
        lame_lambda_input.reshape(_N),
        bending_coeff_input.reshape(_N),
    )
    mu_e, lam_e, bend_e, rr3, rp3 = _gather_call(
        ta, tb, edge_index.reshape(2 * _E))
    rel_rest = rr3.transpose(0, 2, 1).reshape(_E, 4)[:, :3]
    rel_pos = rp3.transpose(0, 2, 1).reshape(_E, 4)[:, :3]
    return (
        mu_e.reshape(_E, 1),
        lam_e.reshape(_E, 1),
        bend_e.reshape(_E, 1),
        rel_rest,
        rel_pos,
    )

# --- scband reference (transcript-rebuilt; emitter-appended) ---
"""Pipeline reference for scband-material-stack-45938970198033 (READ-ONLY COPY).

The authoritative reference and input builder live on the scoring server;
editing this copy changes nothing except your own understanding.
"""

import jax, jax.numpy as jnp
import numpy as np

N_NODES = 100000
N_EDGES = 3200000
REST_MULT = 1.0

def setup_inputs(seed: int = 0) -> dict:
    key = jax.random.key(seed)
    ks = jax.random.split(key, 6)
    pos = jax.random.normal(ks[0], (N_NODES, 3), dtype=jnp.float32)
    rest_pos = jax.random.normal(ks[1], (N_NODES, 3), dtype=jnp.float32)
    lame_mu_input = jax.random.uniform(ks[2], (N_NODES, 1), dtype=jnp.float32)
    lame_lambda_input = jax.random.uniform(ks[3], (N_NODES, 1), dtype=jnp.float32)
    bending_coeff_input = jax.random.uniform(ks[4], (N_NODES, 1), dtype=jnp.float32)
    edge_index = jax.random.randint(ks[5], (2, N_EDGES), 0, N_NODES, dtype=jnp.int32)
    return {
        "pos": pos,
        "rest_pos": rest_pos,
        "lame_mu_input": lame_mu_input,
        "lame_lambda_input": lame_lambda_input,
        "bending_coeff_input": bending_coeff_input,
        "edge_index": edge_index,
    }

def _get_relative_pos(pos, edge_index):
    # original: gather pos at [E,2] edges, senders - receivers
    pos_senders = jnp.take(pos, edge_index[0], axis=0)
    pos_receivers = jnp.take(pos, edge_index[1], axis=0)
    return pos_senders - pos_receivers

def reference(pos, rest_pos, lame_mu_input, lame_lambda_input, bending_coeff_input, edge_index):
    # _apply_edges_multigarment core kernel:
    # per-edge mean of node material scalars (mvec[edge_index].mean(-2))
    eiT = edge_index.T  # [E, 2]
    mu_edge = jnp.take(lame_mu_input, eiT, axis=0).mean(axis=-2)          # [E, 1]
    lam_edge = jnp.take(lame_lambda_input, eiT, axis=0).mean(axis=-2)     # [E, 1]
    bend_edge = jnp.take(bending_coeff_input, eiT, axis=0).mean(axis=-2)  # [E, 1]
    # relative rest positions scaled by rest multiplier
    relative_rest_pos = _get_relative_pos(rest_pos, edge_index) * REST_MULT  # [E, 3]
    # relative current positions (get_relative_pos on pos)
    relative_pos = _get_relative_pos(pos, edge_index)                        # [E, 3]
    return (mu_edge, lam_edge, bend_edge, relative_rest_pos, relative_pos)

if __name__ == "__main__":
    import jax
    _d = setup_inputs()
    print(jax.jit(kernel)(*tuple(_d.values())))

</pallas_src>

<mosaic_0001>
#map = affine_map<(d0, d1) -> (0)>
#map1 = affine_map<(d0, d1) -> (0, 0)>
module attributes {stable_mosaic.version = 14 : i64} {
  func.func @table_pack(%arg0: i32, %arg1: i32, %arg2: memref<300000xf32, #tpu.memory_space<hbm>>, %arg3: memref<300000xf32, #tpu.memory_space<hbm>>, %arg4: memref<100000xf32, #tpu.memory_space<hbm>>, %arg5: memref<100000xf32, #tpu.memory_space<hbm>>, %arg6: memref<100000xf32, #tpu.memory_space<hbm>>, %arg7: memref<100000x16xf32, #tpu.memory_space<hbm>>, %arg8: memref<100000x16xf32, #tpu.memory_space<hbm>>, %arg9: memref<6000xf32, #tpu.memory_space<vmem>>, %arg10: memref<6000xf32, #tpu.memory_space<vmem>>, %arg11: memref<2000xf32, #tpu.memory_space<vmem>>, %arg12: memref<2000xf32, #tpu.memory_space<vmem>>, %arg13: memref<2000xf32, #tpu.memory_space<vmem>>, %arg14: memref<34000xf32, #tpu.memory_space<vmem>>, %arg15: memref<2000x16xf32, #tpu.memory_space<vmem>>, %arg16: memref<2000x16xf32, #tpu.memory_space<vmem>>, %arg17: memref<!tpu.dma_semaphore, #tpu.memory_space<semaphore_mem>>, %arg18: memref<!tpu.dma_semaphore, #tpu.memory_space<semaphore_mem>>) attributes {dimension_semantics = [#tpu.dimension_semantics<core_parallel>, #tpu.dimension_semantics<subcore_parallel>], iteration_bounds = array<i64: 2, 16>, scalar_prefetch = 0 : i64, scratch_operands = 10 : i64, tpu.core_type = #tpu.core_type<sc_vector_subcore>, window_params = [{transform_indices = #map}, {transform_indices = #map}, {transform_indices = #map}, {transform_indices = #map}, {transform_indices = #map}, {transform_indices = #map1}, {transform_indices = #map1}]} {
    %mul3A = arith.constant 2 : i32
    %mul3A_0 = arith.muli %arg1, %mul3A : i32
    %add3A = arith.addi %mul3A_0, %arg0 : i32
    %iota3A = tpu.iota {dimensions = array<i32: 0>} : vector<16xi32>
    %mul3A_1 = arith.constant 3 : i32
    %mul3A_2 = vector.broadcast %mul3A_1 : i32 to vector<16xi32>
    %mul3A_3 = arith.muli %iota3A, %mul3A_2 : vector<16xi32>
    %mul3A_4 = arith.constant 17 : i32
    %mul3A_5 = vector.broadcast %mul3A_4 : i32 to vector<16xi32>
    %mul3A_6 = arith.muli %iota3A, %mul3A_5 : vector<16xi32>
    %ge3A = arith.constant 3 : i32
    %ge3A_7 = vector.broadcast %ge3A : i32 to vector<16xi32>
    %ge3A_8 = arith.cmpi sge, %iota3A, %ge3A_7 : vector<16xi32>
    %lt3A = arith.constant 9 : i32
    %lt3A_9 = vector.broadcast %lt3A : i32 to vector<16xi32>
    %lt3A_10 = arith.cmpi slt, %iota3A, %lt3A_9 : vector<16xi32>
    %and3A = arith.andi %ge3A_8, %lt3A_10 : vector<16xi1>
    %jit3A = arith.constant -1.000000e+00 : f32
    %jit3A_11 = arith.constant 1.000000e+00 : f32
    %broadcast_in_dim3A = vector.broadcast %jit3A : f32 to vector<16xf32>
    %broadcast_in_dim3A_12 = vector.broadcast %jit3A_11 : f32 to vector<16xf32>
    %select_n3A = arith.select %and3A, %broadcast_in_dim3A, %broadcast_in_dim3A_12 : vector<16xi1>, vector<16xf32>
    %scan3A = arith.constant 0 : i32
    %scan3A_13 = arith.constant 0 : i32
    %scan3A_14 = arith.constant 2 : i32
    %scan3A_15 = arith.addi %scan3A_13, %scan3A_14 : i32
    %scan3A_16 = arith.constant 1 : i32
    scf.for %scan3A_18 = %scan3A_13 to %scan3A_15 step %scan3A_16  : i32 {
      %mul3A_19 = arith.constant 32 : i32
      %mul3A_20 = arith.muli %scan3A_18, %mul3A_19 : i32
      %add3A_21 = arith.addi %add3A, %mul3A_20 : i32
      %lt3A_22 = arith.constant 50 : i32
      %lt3A_23 = arith.cmpi slt, %add3A_21, %lt3A_22 : i32
      %convert_element_type3A = arith.extui %lt3A_23 : i1 to i32
      %cond3A = arith.constant 0 : i32
      %cond3A_24 = arith.cmpi ne, %convert_element_type3A, %cond3A : i32
      scf.if %cond3A_24 {
        %mul3A_25 = arith.constant 2000 : i32
        %mul3A_26 = arith.muli %add3A_21, %mul3A_25 : i32
        %mul3A_27 = arith.constant 3 : i32
        %mul3A_28 = arith.muli %mul3A_27, %mul3A_26 : i32
        %dma_start3A = tpu.memref_slice %arg2[%mul3A_28] : memref<300000xf32, #tpu.memory_space<hbm>> -> memref<6000xf32, #tpu.memory_space<hbm>>
        %dma_start3A_29 = tpu.memref_slice %arg2[%mul3A_28] : memref<300000xf32, #tpu.memory_space<hbm>> -> memref<6000xf32, #tpu.memory_space<hbm>>
        tpu.enqueue_dma source(%dma_start3A_29 : memref<6000xf32, #tpu.memory_space<hbm>>) target(%arg9 : memref<6000xf32, #tpu.memory_space<vmem>>) target_semaphore(%arg17 : memref<!tpu.dma_semaphore, #tpu.memory_space<semaphore_mem>>)
        %mul3A_30 = arith.constant 3 : i32
        %mul3A_31 = arith.muli %mul3A_30, %mul3A_26 : i32
        %dma_start3A_32 = tpu.memref_slice %arg3[%mul3A_31] : memref<300000xf32, #tpu.memory_space<hbm>> -> memref<6000xf32, #tpu.memory_space<hbm>>
        %dma_start3A_33 = tpu.memref_slice %arg3[%mul3A_31] : memref<300000xf32, #tpu.memory_space<hbm>> -> memref<6000xf32, #tpu.memory_space<hbm>>
        tpu.enqueue_dma source(%dma_start3A_33 : memref<6000xf32, #tpu.memory_space<hbm>>) target(%arg10 : memref<6000xf32, #tpu.memory_space<vmem>>) target_semaphore(%arg17 : memref<!tpu.dma_semaphore, #tpu.memory_space<semaphore_mem>>)
        %dma_start3A_34 = tpu.memref_slice %arg4[%mul3A_26] : memref<100000xf32, #tpu.memory_space<hbm>> -> memref<2000xf32, #tpu.memory_space<hbm>>
        %dma_start3A_35 = tpu.memref_slice %arg4[%mul3A_26] : memref<100000xf32, #tpu.memory_space<hbm>> -> memref<2000xf32, #tpu.memory_space<hbm>>
        tpu.enqueue_dma source(%dma_start3A_35 : memref<2000xf32, #tpu.memory_space<hbm>>) target(%arg11 : memref<2000xf32, #tpu.memory_space<vmem>>) target_semaphore(%arg17 : memref<!tpu.dma_semaphore, #tpu.memory_space<semaphore_mem>>)
        %dma_start3A_36 = tpu.memref_slice %arg5[%mul3A_26] : memref<100000xf32, #tpu.memory_space<hbm>> -> memref<2000xf32, #tpu.memory_space<hbm>>
        %dma_start3A_37 = tpu.memref_slice %arg5[%mul3A_26] : memref<100000xf32, #tpu.memory_space<hbm>> -> memref<2000xf32, #tpu.memory_space<hbm>>
        tpu.enqueue_dma source(%dma_start3A_37 : memref<2000xf32, #tpu.memory_space<hbm>>) target(%arg12 : memref<2000xf32, #tpu.memory_space<vmem>>) target_semaphore(%arg17 : memref<!tpu.dma_semaphore, #tpu.memory_space<semaphore_mem>>)
        %dma_start3A_38 = tpu.memref_slice %arg6[%mul3A_26] : memref<100000xf32, #tpu.memory_space<hbm>> -> memref<2000xf32, #tpu.memory_space<hbm>>
        %dma_start3A_39 = tpu.memref_slice %arg6[%mul3A_26] : memref<100000xf32, #tpu.memory_space<hbm>> -> memref<2000xf32, #tpu.memory_space<hbm>>
        tpu.enqueue_dma source(%dma_start3A_39 : memref<2000xf32, #tpu.memory_space<hbm>>) target(%arg13 : memref<2000xf32, #tpu.memory_space<vmem>>) target_semaphore(%arg17 : memref<!tpu.dma_semaphore, #tpu.memory_space<semaphore_mem>>)
        %dma_wait3A = arith.constant 0 : i32
        %dma_wait3A_40 = tpu.memref_slice %arg2[%dma_wait3A] : memref<300000xf32, #tpu.memory_space<hbm>> -> memref<6000xf32, #tpu.memory_space<hbm>>
        %dma_wait3A_41 = arith.constant 0 : i32
        %dma_wait3A_42 = tpu.memref_slice %arg2[%dma_wait3A_41] : memref<300000xf32, #tpu.memory_space<hbm>> -> memref<6000xf32, #tpu.memory_space<hbm>>
        tpu.wait_dma2 semaphore(%arg17 : memref<!tpu.dma_semaphore, #tpu.memory_space<semaphore_mem>>) src(%dma_wait3A_42 : memref<6000xf32, #tpu.memory_space<hbm>>) dst(%arg9 : memref<6000xf32, #tpu.memory_space<vmem>>)
        %dma_wait3A_43 = arith.constant 0 : i32
        %dma_wait3A_44 = tpu.memref_slice %arg3[%dma_wait3A_43] : memref<300000xf32, #tpu.memory_space<hbm>> -> memref<6000xf32, #tpu.memory_space<hbm>>
        %dma_wait3A_45 = arith.constant 0 : i32
        %dma_wait3A_46 = tpu.memref_slice %arg3[%dma_wait3A_45] : memref<300000xf32, #tpu.memory_space<hbm>> -> memref<6000xf32, #tpu.memory_space<hbm>>
        tpu.wait_dma2 semaphore(%arg17 : memref<!tpu.dma_semaphore, #tpu.memory_space<semaphore_mem>>) src(%dma_wait3A_46 : memref<6000xf32, #tpu.memory_space<hbm>>) dst(%arg10 : memref<6000xf32, #tpu.memory_space<vmem>>)
        %dma_wait3A_47 = arith.constant 0 : i32
        %dma_wait3A_48 = tpu.memref_slice %arg4[%dma_wait3A_47] : memref<100000xf32, #tpu.memory_space<hbm>> -> memref<2000xf32, #tpu.memory_space<hbm>>
        %dma_wait3A_49 = arith.constant 0 : i32
        %dma_wait3A_50 = tpu.memref_slice %arg4[%dma_wait3A_49] : memref<100000xf32, #tpu.memory_space<hbm>> -> memref<2000xf32, #tpu.memory_space<hbm>>
        tpu.wait_dma2 semaphore(%arg17 : memref<!tpu.dma_semaphore, #tpu.memory_space<semaphore_mem>>) src(%dma_wait3A_50 : memref<2000xf32, #tpu.memory_space<hbm>>) dst(%arg11 : memref<2000xf32, #tpu.memory_space<vmem>>)
        %dma_wait3A_51 = arith.constant 0 : i32
        %dma_wait3A_52 = tpu.memref_slice %arg5[%dma_wait3A_51] : memref<100000xf32, #tpu.memory_space<hbm>> -> memref<2000xf32, #tpu.memory_space<hbm>>
        %dma_wait3A_53 = arith.constant 0 : i32
        %dma_wait3A_54 = tpu.memref_slice %arg5[%dma_wait3A_53] : memref<100000xf32, #tpu.memory_space<hbm>> -> memref<2000xf32, #tpu.memory_space<hbm>>
        tpu.wait_dma2 semaphore(%arg17 : memref<!tpu.dma_semaphore, #tpu.memory_space<semaphore_mem>>) src(%dma_wait3A_54 : memref<2000xf32, #tpu.memory_space<hbm>>) dst(%arg12 : memref<2000xf32, #tpu.memory_space<vmem>>)
        %dma_wait3A_55 = arith.constant 0 : i32
        %dma_wait3A_56 = tpu.memref_slice %arg6[%dma_wait3A_55] : memref<100000xf32, #tpu.memory_space<hbm>> -> memref<2000xf32, #tpu.memory_space<hbm>>
        %dma_wait3A_57 = arith.constant 0 : i32
        %dma_wait3A_58 = tpu.memref_slice %arg6[%dma_wait3A_57] : memref<100000xf32, #tpu.memory_space<hbm>> -> memref<2000xf32, #tpu.memory_space<hbm>>
        tpu.wait_dma2 semaphore(%arg17 : memref<!tpu.dma_semaphore, #tpu.memory_space<semaphore_mem>>) src(%dma_wait3A_58 : memref<2000xf32, #tpu.memory_space<hbm>>) dst(%arg13 : memref<2000xf32, #tpu.memory_space<vmem>>)
        %parallel_loop3A = arith.constant 0 : i32
        %parallel_loop3A_59 = arith.constant 125 : i32
        %parallel_loop3A_60 = arith.constant 1 : i32
        scf.for %parallel_loop3A_84 = %parallel_loop3A to %parallel_loop3A_59 step %parallel_loop3A_60  : i32 {
          %parallel_loop3A_85 = arith.constant 16 : i32
          %parallel_loop3A_86 = arith.muli %parallel_loop3A_84, %parallel_loop3A_85 : i32
          %parallel_loop3A_87 = arith.constant 272 : i32
          %parallel_loop3A_88 = arith.muli %parallel_loop3A_84, %parallel_loop3A_87 : i32
          %parallel_loop3A_89 = vector.broadcast %parallel_loop3A_88 : i32 to vector<16xi32>
          %parallel_loop3A_90 = arith.addi %parallel_loop3A_89, %mul3A_6 : vector<16xi32>
          %parallel_loop3A_91 = arith.index_cast %parallel_loop3A_86 : i32 to index
          %parallel_loop3A_92 = tpu.vector_load %arg11[%parallel_loop3A_91] {strides = array<i32>} : memref<2000xf32, #tpu.memory_space<vmem>>, vector<16xf32>,
          %parallel_loop3A_93 = arith.constant 5.000000e-01 : f32
          %parallel_loop3A_94 = vector.broadcast %parallel_loop3A_93 : f32 to vector<16xf32>
          %parallel_loop3A_95 = arith.mulf %parallel_loop3A_92, %parallel_loop3A_94 : vector<16xf32>
          %parallel_loop3A_96 = arith.constant 0 : i32
          %parallel_loop3A_97 = vector.broadcast %parallel_loop3A_96 : i32 to vector<16xi32>
          %parallel_loop3A_98 = arith.addi %parallel_loop3A_90, %parallel_loop3A_97 : vector<16xi32>
          tpu.vector_store_idx %arg14[%parallel_loop3A_98], %parallel_loop3A_95 : memref<34000xf32, #tpu.memory_space<vmem>>[vector<16xi32>], vector<16xf32>,
          %parallel_loop3A_99 = arith.index_cast %parallel_loop3A_86 : i32 to index
          %parallel_loop3A_100 = tpu.vector_load %arg12[%parallel_loop3A_99] {strides = array<i32>} : memref<2000xf32, #tpu.memory_space<vmem>>, vector<16xf32>,
          %parallel_loop3A_101 = arith.constant 5.000000e-01 : f32
          %parallel_loop3A_102 = vector.broadcast %parallel_loop3A_101 : f32 to vector<16xf32>
          %parallel_loop3A_103 = arith.mulf %parallel_loop3A_100, %parallel_loop3A_102 : vector<16xf32>
          %parallel_loop3A_104 = arith.constant 1 : i32
          %parallel_loop3A_105 = vector.broadcast %parallel_loop3A_104 : i32 to vector<16xi32>
          %parallel_loop3A_106 = arith.addi %parallel_loop3A_90, %parallel_loop3A_105 : vector<16xi32>
          tpu.vector_store_idx %arg14[%parallel_loop3A_106], %parallel_loop3A_103 : memref<34000xf32, #tpu.memory_space<vmem>>[vector<16xi32>], vector<16xf32>,
          %parallel_loop3A_107 = arith.index_cast %parallel_loop3A_86 : i32 to index
          %parallel_loop3A_108 = tpu.vector_load %arg13[%parallel_loop3A_107] {strides = array<i32>} : memref<2000xf32, #tpu.memory_space<vmem>>, vector<16xf32>,
          %parallel_loop3A_109 = arith.constant 5.000000e-01 : f32
          %parallel_loop3A_110 = vector.broadcast %parallel_loop3A_109 : f32 to vector<16xf32>
          %parallel_loop3A_111 = arith.mulf %parallel_loop3A_108, %parallel_loop3A_110 : vector<16xf32>
          %parallel_loop3A_112 = arith.constant 2 : i32
          %parallel_loop3A_113 = vector.broadcast %parallel_loop3A_112 : i32 to vector<16xi32>
          %parallel_loop3A_114 = arith.addi %parallel_loop3A_90, %parallel_loop3A_113 : vector<16xi32>
          tpu.vector_store_idx %arg14[%parallel_loop3A_114], %parallel_loop3A_111 : memref<34000xf32, #tpu.memory_space<vmem>>[vector<16xi32>], vector<16xf32>,
          %parallel_loop3A_115 = arith.constant 48 : i32
          %parallel_loop3A_116 = arith.muli %parallel_loop3A_84, %parallel_loop3A_115 : i32
          %parallel_loop3A_117 = vector.broadcast %parallel_loop3A_116 : i32 to vector<16xi32>
          %parallel_loop3A_118 = arith.addi %parallel_loop3A_117, %mul3A_3 : vector<16xi32>
          %parallel_loop3A_119 = arith.constant 0 : i32
          %parallel_loop3A_120 = vector.broadcast %parallel_loop3A_119 : i32 to vector<16xi32>
          %parallel_loop3A_121 = arith.addi %parallel_loop3A_118, %parallel_loop3A_120 : vector<16xi32>
          %parallel_loop3A_122 = tpu.vector_load_idx %arg9[%parallel_loop3A_121] : memref<6000xf32, #tpu.memory_space<vmem>>[vector<16xi32>], vector<16xf32>,
          %parallel_loop3A_123 = arith.constant 3 : i32
          %parallel_loop3A_124 = vector.broadcast %parallel_loop3A_123 : i32 to vector<16xi32>
          %parallel_loop3A_125 = arith.addi %parallel_loop3A_90, %parallel_loop3A_124 : vector<16xi32>
          %parallel_loop3A_126 = arith.constant 0 : i32
          %parallel_loop3A_127 = vector.broadcast %parallel_loop3A_126 : i32 to vector<16xi32>
          %parallel_loop3A_128 = arith.addi %parallel_loop3A_125, %parallel_loop3A_127 : vector<16xi32>
          tpu.vector_store_idx %arg14[%parallel_loop3A_128], %parallel_loop3A_122 : memref<34000xf32, #tpu.memory_space<vmem>>[vector<16xi32>], vector<16xf32>,
          %parallel_loop3A_129 = arith.constant 48 : i32
          %parallel_loop3A_130 = arith.muli %parallel_loop3A_84, %parallel_loop3A_129 : i32
          %parallel_loop3A_131 = vector.broadcast %parallel_loop3A_130 : i32 to vector<16xi32>
          %parallel_loop3A_132 = arith.addi %parallel_loop3A_131, %mul3A_3 : vector<16xi32>
          %parallel_loop3A_133 = arith.constant 0 : i32
          %parallel_loop3A_134 = vector.broadcast %parallel_loop3A_133 : i32 to vector<16xi32>
          %parallel_loop3A_135 = arith.addi %parallel_loop3A_132, %parallel_loop3A_134 : vector<16xi32>
          %parallel_loop3A_136 = tpu.vector_load_idx %arg10[%parallel_loop3A_135] : memref<6000xf32, #tpu.memory_space<vmem>>[vector<16xi32>], vector<16xf32>,
          %parallel_loop3A_137 = arith.constant 1.000000e+00 : f32
          %parallel_loop3A_138 = vector.broadcast %parallel_loop3A_137 : f32 to vector<16xf32>
          %parallel_loop3A_139 = arith.mulf %parallel_loop3A_136, %parallel_loop3A_138 : vector<16xf32>
          %parallel_loop3A_140 = arith.constant 6 : i32
          %parallel_loop3A_141 = vector.broadcast %parallel_loop3A_140 : i32 to vector<16xi32>
          %parallel_loop3A_142 = arith.addi %parallel_loop3A_90, %parallel_loop3A_141 : vector<16xi32>
          %parallel_loop3A_143 = arith.constant 0 : i32
          %parallel_loop3A_144 = vector.broadcast %parallel_loop3A_143 : i32 to vector<16xi32>
          %parallel_loop3A_145 = arith.addi %parallel_loop3A_142, %parallel_loop3A_144 : vector<16xi32>
          tpu.vector_store_idx %arg14[%parallel_loop3A_145], %parallel_loop3A_139 : memref<34000xf32, #tpu.memory_space<vmem>>[vector<16xi32>], vector<16xf32>,
          %parallel_loop3A_146 = arith.constant 48 : i32
          %parallel_loop3A_147 = arith.muli %parallel_loop3A_84, %parallel_loop3A_146 : i32
          %parallel_loop3A_148 = vector.broadcast %parallel_loop3A_147 : i32 to vector<16xi32>
          %parallel_loop3A_149 = arith.addi %parallel_loop3A_148, %mul3A_3 : vector<16xi32>
          %parallel_loop3A_150 = arith.constant 1 : i32
          %parallel_loop3A_151 = vector.broadcast %parallel_loop3A_150 : i32 to vector<16xi32>
          %parallel_loop3A_152 = arith.addi %parallel_loop3A_149, %parallel_loop3A_151 : vector<16xi32>
          %parallel_loop3A_153 = tpu.vector_load_idx %arg9[%parallel_loop3A_152] : memref<6000xf32, #tpu.memory_space<vmem>>[vector<16xi32>], vector<16xf32>,
          %parallel_loop3A_154 = arith.constant 3 : i32
          %parallel_loop3A_155 = vector.broadcast %parallel_loop3A_154 : i32 to vector<16xi32>
          %parallel_loop3A_156 = arith.addi %parallel_loop3A_90, %parallel_loop3A_155 : vector<16xi32>
          %parallel_loop3A_157 = arith.constant 1 : i32
          %parallel_loop3A_158 = vector.broadcast %parallel_loop3A_157 : i32 to vector<16xi32>
          %parallel_loop3A_159 = arith.addi %parallel_loop3A_156, %parallel_loop3A_158 : vector<16xi32>
          tpu.vector_store_idx %arg14[%parallel_loop3A_159], %parallel_loop3A_153 : memref<34000xf32, #tpu.memory_space<vmem>>[vector<16xi32>], vector<16xf32>,
          %parallel_loop3A_160 = arith.constant 48 : i32
          %parallel_loop3A_161 = arith.muli %parallel_loop3A_84, %parallel_loop3A_160 : i32
          %parallel_loop3A_162 = vector.broadcast %parallel_loop3A_161 : i32 to vector<16xi32>
          %parallel_loop3A_163 = arith.addi %parallel_loop3A_162, %mul3A_3 : vector<16xi32>
          %parallel_loop3A_164 = arith.constant 1 : i32
          %parallel_loop3A_165 = vector.broadcast %parallel_loop3A_164 : i32 to vector<16xi32>
          %parallel_loop3A_166 = arith.addi %parallel_loop3A_163, %parallel_loop3A_165 : vector<16xi32>
          %parallel_loop3A_167 = tpu.vector_load_idx %arg10[%parallel_loop3A_166] : memref<6000xf32, #tpu.memory_space<vmem>>[vector<16xi32>], vector<16xf32>,
          %parallel_loop3A_168 = arith.constant 1.000000e+00 : f32
          %parallel_loop3A_169 = vector.broadcast %parallel_loop3A_168 : f32 to vector<16xf32>
          %parallel_loop3A_170 = arith.mulf %parallel_loop3A_167, %parallel_loop3A_169 : vector<16xf32>
          %parallel_loop3A_171 = arith.constant 6 : i32
          %parallel_loop3A_172 = vector.broadcast %parallel_loop3A_171 : i32 to vector<16xi32>
          %parallel_loop3A_173 = arith.addi %parallel_loop3A_90, %parallel_loop3A_172 : vector<16xi32>
          %parallel_loop3A_174 = arith.constant 1 : i32
          %parallel_loop3A_175 = vector.broadcast %parallel_loop3A_174 : i32 to vector<16xi32>
          %parallel_loop3A_176 = arith.addi %parallel_loop3A_173, %parallel_loop3A_175 : vector<16xi32>
          tpu.vector_store_idx %arg14[%parallel_loop3A_176], %parallel_loop3A_170 : memref<34000xf32, #tpu.memory_space<vmem>>[vector<16xi32>], vector<16xf32>,
          %parallel_loop3A_177 = arith.constant 48 : i32
          %parallel_loop3A_178 = arith.muli %parallel_loop3A_84, %parallel_loop3A_177 : i32
          %parallel_loop3A_179 = vector.broadcast %parallel_loop3A_178 : i32 to vector<16xi32>
          %parallel_loop3A_180 = arith.addi %parallel_loop3A_179, %mul3A_3 : vector<16xi32>
          %parallel_loop3A_181 = arith.constant 2 : i32
          %parallel_loop3A_182 = vector.broadcast %parallel_loop3A_181 : i32 to vector<16xi32>
          %parallel_loop3A_183 = arith.addi %parallel_loop3A_180, %parallel_loop3A_182 : vector<16xi32>
          %parallel_loop3A_184 = tpu.vector_load_idx %arg9[%parallel_loop3A_183] : memref<6000xf32, #tpu.memory_space<vmem>>[vector<16xi32>], vector<16xf32>,
          %parallel_loop3A_185 = arith.constant 3 : i32
          %parallel_loop3A_186 = vector.broadcast %parallel_loop3A_185 : i32 to vector<16xi32>
          %parallel_loop3A_187 = arith.addi %parallel_loop3A_90, %parallel_loop3A_186 : vector<16xi32>
          %parallel_loop3A_188 = arith.constant 2 : i32
          %parallel_loop3A_189 = vector.broadcast %parallel_loop3A_188 : i32 to vector<16xi32>
          %parallel_loop3A_190 = arith.addi %parallel_loop3A_187, %parallel_loop3A_189 : vector<16xi32>
          tpu.vector_store_idx %arg14[%parallel_loop3A_190], %parallel_loop3A_184 : memref<34000xf32, #tpu.memory_space<vmem>>[vector<16xi32>], vector<16xf32>,
          %parallel_loop3A_191 = arith.constant 48 : i32
          %parallel_loop3A_192 = arith.muli %parallel_loop3A_84, %parallel_loop3A_191 : i32
          %parallel_loop3A_193 = vector.broadcast %parallel_loop3A_192 : i32 to vector<16xi32>
          %parallel_loop3A_194 = arith.addi %parallel_loop3A_193, %mul3A_3 : vector<16xi32>
          %parallel_loop3A_195 = arith.constant 2 : i32
          %parallel_loop3A_196 = vector.broadcast %parallel_loop3A_195 : i32 to vector<16xi32>
          %parallel_loop3A_197 = arith.addi %parallel_loop3A_194, %parallel_loop3A_196 : vector<16xi32>
          %parallel_loop3A_198 = tpu.vector_load_idx %arg10[%parallel_loop3A_197] : memref<6000xf32, #tpu.memory_space<vmem>>[vector<16xi32>], vector<16xf32>,
          %parallel_loop3A_199 = arith.constant 1.000000e+00 : f32
          %parallel_loop3A_200 = vector.broadcast %parallel_loop3A_199 : f32 to vector<16xf32>
          %parallel_loop3A_201 = arith.mulf %parallel_loop3A_198, %parallel_loop3A_200 : vector<16xf32>
          %parallel_loop3A_202 = arith.constant 6 : i32
          %parallel_loop3A_203 = vector.broadcast %parallel_loop3A_202 : i32 to vector<16xi32>
          %parallel_loop3A_204 = arith.addi %parallel_loop3A_90, %parallel_loop3A_203 : vector<16xi32>
          %parallel_loop3A_205 = arith.constant 2 : i32
          %parallel_loop3A_206 = vector.broadcast %parallel_loop3A_205 : i32 to vector<16xi32>
          %parallel_loop3A_207 = arith.addi %parallel_loop3A_204, %parallel_loop3A_206 : vector<16xi32>
          tpu.vector_store_idx %arg14[%parallel_loop3A_207], %parallel_loop3A_201 : memref<34000xf32, #tpu.memory_space<vmem>>[vector<16xi32>], vector<16xf32>,
          %parallel_loop3A_208 = arith.constant 0.000000e+00 : f32
          %parallel_loop3A_209 = vector.broadcast %parallel_loop3A_208 : f32 to vector<16xf32>
          %parallel_loop3A_210 = arith.mulf %parallel_loop3A_184, %parallel_loop3A_209 : vector<16xf32>
          %parallel_loop3A_211 = arith.constant 9 : i32
          %parallel_loop3A_212 = vector.broadcast %parallel_loop3A_211 : i32 to vector<16xi32>
          %parallel_loop3A_213 = arith.addi %parallel_loop3A_90, %parallel_loop3A_212 : vector<16xi32>
          tpu.vector_store_idx %arg14[%parallel_loop3A_213], %parallel_loop3A_210 : memref<34000xf32, #tpu.memory_space<vmem>>[vector<16xi32>], vector<16xf32>,
          %parallel_loop3A_214 = arith.constant 10 : i32
          %parallel_loop3A_215 = vector.broadcast %parallel_loop3A_214 : i32 to vector<16xi32>
          %parallel_loop3A_216 = arith.addi %parallel_loop3A_90, %parallel_loop3A_215 : vector<16xi32>
          tpu.vector_store_idx %arg14[%parallel_loop3A_216], %parallel_loop3A_210 : memref<34000xf32, #tpu.memory_space<vmem>>[vector<16xi32>], vector<16xf32>,
          %parallel_loop3A_217 = arith.constant 11 : i32
          %parallel_loop3A_218 = vector.broadcast %parallel_loop3A_217 : i32 to vector<16xi32>
          %parallel_loop3A_219 = arith.addi %parallel_loop3A_90, %parallel_loop3A_218 : vector<16xi32>
          tpu.vector_store_idx %arg14[%parallel_loop3A_219], %parallel_loop3A_210 : memref<34000xf32, #tpu.memory_space<vmem>>[vector<16xi32>], vector<16xf32>,
          %parallel_loop3A_220 = arith.constant 12 : i32
          %parallel_loop3A_221 = vector.broadcast %parallel_loop3A_220 : i32 to vector<16xi32>
          %parallel_loop3A_222 = arith.addi %parallel_loop3A_90, %parallel_loop3A_221 : vector<16xi32>
          tpu.vector_store_idx %arg14[%parallel_loop3A_222], %parallel_loop3A_210 : memref<34000xf32, #tpu.memory_space<vmem>>[vector<16xi32>], vector<16xf32>,
          %parallel_loop3A_223 = arith.constant 13 : i32
          %parallel_loop3A_224 = vector.broadcast %parallel_loop3A_223 : i32 to vector<16xi32>
          %parallel_loop3A_225 = arith.addi %parallel_loop3A_90, %parallel_loop3A_224 : vector<16xi32>
          tpu.vector_store_idx %arg14[%parallel_loop3A_225], %parallel_loop3A_210 : memref<34000xf32, #tpu.memory_space<vmem>>[vector<16xi32>], vector<16xf32>,
          %parallel_loop3A_226 = arith.constant 14 : i32
          %parallel_loop3A_227 = vector.broadcast %parallel_loop3A_226 : i32 to vector<16xi32>
          %parallel_loop3A_228 = arith.addi %parallel_loop3A_90, %parallel_loop3A_227 : vector<16xi32>
          tpu.vector_store_idx %arg14[%parallel_loop3A_228], %parallel_loop3A_210 : memref<34000xf32, #tpu.memory_space<vmem>>[vector<16xi32>], vector<16xf32>,
          %parallel_loop3A_229 = arith.constant 15 : i32
          %parallel_loop3A_230 = vector.broadcast %parallel_loop3A_229 : i32 to vector<16xi32>
          %parallel_loop3A_231 = arith.addi %parallel_loop3A_90, %parallel_loop3A_230 : vector<16xi32>
          tpu.vector_store_idx %arg14[%parallel_loop3A_231], %parallel_loop3A_210 : memref<34000xf32, #tpu.memory_space<vmem>>[vector<16xi32>], vector<16xf32>,
        } {sc.loop_unroll_factor = 2 : i64, sc.parallel_access}
        %parallel_loop3A_61 = arith.constant 0 : i32
        %parallel_loop3A_62 = arith.constant 2000 : i32
        %parallel_loop3A_63 = arith.constant 1 : i32
        scf.for %parallel_loop3A_84 = %parallel_loop3A_61 to %parallel_loop3A_62 step %parallel_loop3A_63  : i32 {
          %parallel_loop3A_85 = arith.constant 17 : i32
          %parallel_loop3A_86 = arith.muli %parallel_loop3A_84, %parallel_loop3A_85 : i32
          %parallel_loop3A_87 = vector.broadcast %parallel_loop3A_86 : i32 to vector<16xi32>
          %parallel_loop3A_88 = arith.addi %parallel_loop3A_87, %iota3A : vector<16xi32>
          %parallel_loop3A_89 = tpu.vector_load_idx %arg14[%parallel_loop3A_88] : memref<34000xf32, #tpu.memory_space<vmem>>[vector<16xi32>], vector<16xf32>,
          %parallel_loop3A_90 = arith.index_cast %parallel_loop3A_84 : i32 to index
          %parallel_loop3A_91 = arith.constant 0 : index
          %parallel_loop3A_92 = tpu.vector_load %arg15[%parallel_loop3A_90, %parallel_loop3A_91] {strides = array<i32>} : memref<2000x16xf32, #tpu.memory_space<vmem>>, vector<16xf32>,
          tpu.vector_store %arg15[%parallel_loop3A_90, %parallel_loop3A_91], %parallel_loop3A_89 {strides = array<i32>} : memref<2000x16xf32, #tpu.memory_space<vmem>>, vector<16xf32>,
          %parallel_loop3A_93 = arith.mulf %parallel_loop3A_89, %select_n3A : vector<16xf32>
          %parallel_loop3A_94 = arith.index_cast %parallel_loop3A_84 : i32 to index
          %parallel_loop3A_95 = arith.constant 0 : index
          %parallel_loop3A_96 = tpu.vector_load %arg16[%parallel_loop3A_94, %parallel_loop3A_95] {strides = array<i32>} : memref<2000x16xf32, #tpu.memory_space<vmem>>, vector<16xf32>,
          tpu.vector_store %arg16[%parallel_loop3A_94, %parallel_loop3A_95], %parallel_loop3A_93 {strides = array<i32>} : memref<2000x16xf32, #tpu.memory_space<vmem>>, vector<16xf32>,
        } {sc.loop_unroll_factor = 8 : i64, sc.parallel_access}
        %dma_start3A_64 = arith.constant 0 : i32
        %dma_start3A_65 = tpu.memref_slice %arg7[%mul3A_26, %dma_start3A_64] : memref<100000x16xf32, #tpu.memory_space<hbm>> -> memref<2000x16xf32, #tpu.memory_space<hbm>>
        %dma_start3A_66 = arith.constant 0 : i32
        %dma_start3A_67 = tpu.memref_slice %arg7[%mul3A_26, %dma_start3A_66] : memref<100000x16xf32, #tpu.memory_space<hbm>> -> memref<2000x16xf32, #tpu.memory_space<hbm>>
        tpu.enqueue_dma source(%arg15 : memref<2000x16xf32, #tpu.memory_space<vmem>>) target(%dma_start3A_67 : memref<2000x16xf32, #tpu.memory_space<hbm>>) target_semaphore(%arg18 : memref<!tpu.dma_semaphore, #tpu.memory_space<semaphore_mem>>)
        %dma_start3A_68 = arith.constant 0 : i32
        %dma_start3A_69 = tpu.memref_slice %arg8[%mul3A_26, %dma_start3A_68] : memref<100000x16xf32, #tpu.memory_space<hbm>> -> memref<2000x16xf32, #tpu.memory_space<hbm>>
        %dma_start3A_70 = arith.constant 0 : i32
        %dma_start3A_71 = tpu.memref_slice %arg8[%mul3A_26, %dma_start3A_70] : memref<100000x16xf32, #tpu.memory_space<hbm>> -> memref<2000x16xf32, #tpu.memory_space<hbm>>
        tpu.enqueue_dma source(%arg16 : memref<2000x16xf32, #tpu.memory_space<vmem>>) target(%dma_start3A_71 : memref<2000x16xf32, #tpu.memory_space<hbm>>) target_semaphore(%arg18 : memref<!tpu.dma_semaphore, #tpu.memory_space<semaphore_mem>>)
        %dma_wait3A_72 = arith.constant 0 : i32
        %dma_wait3A_73 = arith.constant 0 : i32
        %dma_wait3A_74 = tpu.memref_slice %arg7[%dma_wait3A_72, %dma_wait3A_73] : memref<100000x16xf32, #tpu.memory_space<hbm>> -> memref<2000x16xf32, #tpu.memory_space<hbm>>
        %dma_wait3A_75 = arith.constant 0 : i32
        %dma_wait3A_76 = arith.constant 0 : i32
        %dma_wait3A_77 = tpu.memref_slice %arg7[%dma_wait3A_75, %dma_wait3A_76] : memref<100000x16xf32, #tpu.memory_space<hbm>> -> memref<2000x16xf32, #tpu.memory_space<hbm>>
        tpu.wait_dma2 semaphore(%arg18 : memref<!tpu.dma_semaphore, #tpu.memory_space<semaphore_mem>>) src(%arg15 : memref<2000x16xf32, #tpu.memory_space<vmem>>) dst(%dma_wait3A_77 : memref<2000x16xf32, #tpu.memory_space<hbm>>)
        %dma_wait3A_78 = arith.constant 0 : i32
        %dma_wait3A_79 = arith.constant 0 : i32
        %dma_wait3A_80 = tpu.memref_slice %arg8[%dma_wait3A_78, %dma_wait3A_79] : memref<100000x16xf32, #tpu.memory_space<hbm>> -> memref<2000x16xf32, #tpu.memory_space<hbm>>
        %dma_wait3A_81 = arith.constant 0 : i32
        %dma_wait3A_82 = arith.constant 0 : i32
        %dma_wait3A_83 = tpu.memref_slice %arg8[%dma_wait3A_81, %dma_wait3A_82] : memref<100000x16xf32, #tpu.memory_space<hbm>> -> memref<2000x16xf32, #tpu.memory_space<hbm>>
        tpu.wait_dma2 semaphore(%arg18 : memref<!tpu.dma_semaphore, #tpu.memory_space<semaphore_mem>>) src(%arg16 : memref<2000x16xf32, #tpu.memory_space<vmem>>) dst(%dma_wait3A_83 : memref<2000x16xf32, #tpu.memory_space<hbm>>)
      } else {
      }
    }
    %scan3A_17 = arith.constant 2 : i32
    return
  }
}

#map = affine_map<(d0, d1) -> (0, 0)>
#map1 = affine_map<(d0, d1) -> (0)>
#map2 = affine_map<(d0, d1) -> (0, 0, 0)>
module attributes {stable_mosaic.version = 14 : i64} {
  func.func @edge_gather(%arg0: i32, %arg1: i32, %arg2: memref<100000x16xf32, #tpu.memory_space<hbm>>, %arg3: memref<100000x16xf32, #tpu.memory_space<hbm>>, %arg4: memref<6400000xi32, #tpu.memory_space<hbm>>, %arg5: memref<3200000xf32, #tpu.memory_space<hbm>>, %arg6: memref<3200000xf32, #tpu.memory_space<hbm>>, %arg7: memref<3200000xf32, #tpu.memory_space<hbm>>, %arg8: memref<25000x4x128xf32, #tpu.memory_space<hbm>>, %arg9: memref<25000x4x128xf32, #tpu.memory_space<hbm>>, %arg10: memref<512xi32, #tpu.memory_space<vmem>>, %arg11: memref<512xi32, #tpu.memory_space<vmem>>, %arg12: memref<512xi32, #tpu.memory_space<vmem>>, %arg13: memref<512xi32, #tpu.memory_space<vmem>>, %arg14: memref<512x16xf32, #tpu.memory_space<vmem>>, %arg15: memref<512x16xf32, #tpu.memory_space<vmem>>, %arg16: memref<512x16xf32, #tpu.memory_space<vmem>>, %arg17: memref<512x16xf32, #tpu.memory_space<vmem>>, %arg18: memref<8704xf32, #tpu.memory_space<vmem>>, %arg19: memref<512xf32, #tpu.memory_space<vmem>>, %arg20: memref<512xf32, #tpu.memory_space<vmem>>, %arg21: memref<512xf32, #tpu.memory_space<vmem>>, %arg22: memref<512xf32, #tpu.memory_space<vmem>>, %arg23: memref<512xf32, #tpu.memory_space<vmem>>, %arg24: memref<512xf32, #tpu.memory_space<vmem>>, %arg25: memref<4x4x128xf32, #tpu.memory_space<vmem>>, %arg26: memref<4x4x128xf32, #tpu.memory_space<vmem>>, %arg27: memref<4x4x128xf32, #tpu.memory_space<vmem>>, %arg28: memref<4x4x128xf32, #tpu.memory_space<vmem>>, %arg29: memref<!tpu.dma_semaphore, #tpu.memory_space<semaphore_mem>>, %arg30: memref<!tpu.dma_semaphore, #tpu.memory_space<semaphore_mem>>, %arg31: memref<!tpu.dma_semaphore, #tpu.memory_space<semaphore_mem>>, %arg32: memref<!tpu.dma_semaphore, #tpu.memory_space<semaphore_mem>>, %arg33: memref<!tpu.dma_semaphore, #tpu.memory_space<semaphore_mem>>, %arg34: memref<!tpu.dma_semaphore, #tpu.memory_space<semaphore_mem>>, %arg35: memref<!tpu.dma_semaphore, #tpu.memory_space<semaphore_mem>>, %arg36: memref<!tpu.dma_semaphore, #tpu.memory_space<semaphore_mem>>, %arg37: memref<!tpu.dma_semaphore, #tpu.memory_space<semaphore_mem>>, %arg38: memref<!tpu.dma_semaphore, #tpu.memory_space<semaphore_mem>>) attributes {dimension_semantics = [#tpu.dimension_semantics<core_parallel>, #tpu.dimension_semantics<subcore_parallel>], iteration_bounds = array<i64: 2, 16>, scalar_prefetch = 0 : i64, scratch_operands = 29 : i64, tpu.core_type = #tpu.core_type<sc_vector_subcore>, window_params = [{transform_indices = #map}, {transform_indices = #map}, {transform_indices = #map1}, {transform_indices = #map1}, {transform_indices = #map1}, {transform_indices = #map1}, {transform_indices = #map2}, {transform_indices = #map2}]} {
    %mul3A = arith.constant 2 : i32
    %mul3A_0 = arith.muli %arg1, %mul3A : i32
    %add3A = arith.addi %mul3A_0, %arg0 : i32
    %iota3A = tpu.iota {dimensions = array<i32: 0>} : vector<16xi32>
    %mul3A_1 = arith.constant 17 : i32
    %mul3A_2 = vector.broadcast %mul3A_1 : i32 to vector<16xi32>
    %mul3A_3 = arith.muli %iota3A, %mul3A_2 : vector<16xi32>
    %add3A_4 = arith.constant 0 : i32
    %add3A_5 = arith.addi %add3A, %add3A_4 : i32
    %mul3A_6 = arith.constant 512 : i32
    %mul3A_7 = arith.muli %add3A_5, %mul3A_6 : i32
    %dma_start3A = tpu.memref_slice %arg4[%mul3A_7] : memref<6400000xi32, #tpu.memory_space<hbm>> -> memref<512xi32, #tpu.memory_space<hbm>>
    %dma_start3A_8 = tpu.memref_slice %arg4[%mul3A_7] : memref<6400000xi32, #tpu.memory_space<hbm>> -> memref<512xi32, #tpu.memory_space<hbm>>
    tpu.enqueue_dma source(%dma_start3A_8 : memref<512xi32, #tpu.memory_space<hbm>>) target(%arg10 : memref<512xi32, #tpu.memory_space<vmem>>) target_semaphore(%arg29 : memref<!tpu.dma_semaphore, #tpu.memory_space<semaphore_mem>>)
    %add3A_9 = arith.constant 3200000 : i32
    %add3A_10 = arith.addi %add3A_9, %mul3A_7 : i32
    %dma_start3A_11 = tpu.memref_slice %arg4[%add3A_10] : memref<6400000xi32, #tpu.memory_space<hbm>> -> memref<512xi32, #tpu.memory_space<hbm>>
    %dma_start3A_12 = tpu.memref_slice %arg4[%add3A_10] : memref<6400000xi32, #tpu.memory_space<hbm>> -> memref<512xi32, #tpu.memory_space<hbm>>
    tpu.enqueue_dma source(%dma_start3A_12 : memref<512xi32, #tpu.memory_space<hbm>>) target(%arg12 : memref<512xi32, #tpu.memory_space<vmem>>) target_semaphore(%arg31 : memref<!tpu.dma_semaphore, #tpu.memory_space<semaphore_mem>>)
    %add3A_13 = arith.constant 32 : i32
    %add3A_14 = arith.addi %add3A, %add3A_13 : i32
    %mul3A_15 = arith.constant 512 : i32
    %mul3A_16 = arith.muli %add3A_14, %mul3A_15 : i32
    %dma_start3A_17 = tpu.memref_slice %arg4[%mul3A_16] : memref<6400000xi32, #tpu.memory_space<hbm>> -> memref<512xi32, #tpu.memory_space<hbm>>
    %dma_start3A_18 = tpu.memref_slice %arg4[%mul3A_16] : memref<6400000xi32, #tpu.memory_space<hbm>> -> memref<512xi32, #tpu.memory_space<hbm>>
    tpu.enqueue_dma source(%dma_start3A_18 : memref<512xi32, #tpu.memory_space<hbm>>) target(%arg11 : memref<512xi32, #tpu.memory_space<vmem>>) target_semaphore(%arg30 : memref<!tpu.dma_semaphore, #tpu.memory_space<semaphore_mem>>)
    %add3A_19 = arith.constant 3200000 : i32
    %add3A_20 = arith.addi %add3A_19, %mul3A_16 : i32
    %dma_start3A_21 = tpu.memref_slice %arg4[%add3A_20] : memref<6400000xi32, #tpu.memory_space<hbm>> -> memref<512xi32, #tpu.memory_space<hbm>>
    %dma_start3A_22 = tpu.memref_slice %arg4[%add3A_20] : memref<6400000xi32, #tpu.memory_space<hbm>> -> memref<512xi32, #tpu.memory_space<hbm>>
    tpu.enqueue_dma source(%dma_start3A_22 : memref<512xi32, #tpu.memory_space<hbm>>) target(%arg13 : memref<512xi32, #tpu.memory_space<vmem>>) target_semaphore(%arg32 : memref<!tpu.dma_semaphore, #tpu.memory_space<semaphore_mem>>)
    %dma_wait3A = arith.constant 0 : i32
    %dma_wait3A_23 = tpu.memref_slice %arg4[%dma_wait3A] : memref<6400000xi32, #tpu.memory_space<hbm>> -> memref<512xi32, #tpu.memory_space<hbm>>
    %dma_wait3A_24 = arith.constant 0 : i32
    %dma_wait3A_25 = tpu.memref_slice %arg4[%dma_wait3A_24] : memref<6400000xi32, #tpu.memory_space<hbm>> -> memref<512xi32, #tpu.memory_space<hbm>>
    tpu.wait_dma2 semaphore(%arg29 : memref<!tpu.dma_semaphore, #tpu.memory_space<semaphore_mem>>) src(%dma_wait3A_25 : memref<512xi32, #tpu.memory_space<hbm>>) dst(%arg10 : memref<512xi32, #tpu.memory_space<vmem>>)
    %dma_wait3A_26 = arith.constant 0 : i32
    %dma_wait3A_27 = tpu.memref_slice %arg4[%dma_wait3A_26] : memref<6400000xi32, #tpu.memory_space<hbm>> -> memref<512xi32, #tpu.memory_space<hbm>>
    %dma_wait3A_28 = arith.constant 0 : i32
    %dma_wait3A_29 = tpu.memref_slice %arg4[%dma_wait3A_28] : memref<6400000xi32, #tpu.memory_space<hbm>> -> memref<512xi32, #tpu.memory_space<hbm>>
    tpu.wait_dma2 semaphore(%arg31 : memref<!tpu.dma_semaphore, #tpu.memory_space<semaphore_mem>>) src(%dma_wait3A_29 : memref<512xi32, #tpu.memory_space<hbm>>) dst(%arg12 : memref<512xi32, #tpu.memory_space<vmem>>)
    %dma_start3A_30 = arith.constant 0 : i32
    %dma_start3A_31 = arith.constant 0 : i32
    %dma_start3A_32 = tpu.memref_slice %arg14[%dma_start3A_30, %dma_start3A_31] : memref<512x16xf32, #tpu.memory_space<vmem>> -> memref<128x16xf32, #tpu.memory_space<vmem>>
    %dma_start3A_33 = arith.constant 0 : i32
    %dma_start3A_34 = tpu.memref_slice %arg10[%dma_start3A_33] : memref<512xi32, #tpu.memory_space<vmem>> -> memref<128xi32, #tpu.memory_space<vmem>>
    %dma_start3A_35 = arith.constant 0 : i32
    %dma_start3A_36 = arith.constant 0 : i32
    %dma_start3A_37 = tpu.memref_slice %arg2[%dma_start3A_35, %dma_start3A_36] : memref<100000x16xf32, #tpu.memory_space<hbm>> -> memref<100000x16xf32, #tpu.memory_space<hbm>>
    tpu.enqueue_indirect_dma source(%dma_start3A_37 : memref<100000x16xf32, #tpu.memory_space<hbm>>) target(%dma_start3A_32 : memref<128x16xf32, #tpu.memory_space<vmem>>) offsets(%dma_start3A_34 : memref<128xi32, #tpu.memory_space<vmem>>) semaphore(%arg33 : memref<!tpu.dma_semaphore, #tpu.memory_space<semaphore_mem>>)
    %dma_start3A_38 = arith.constant 0 : i32
    %dma_start3A_39 = arith.constant 0 : i32
    %dma_start3A_40 = tpu.memref_slice %arg16[%dma_start3A_38, %dma_start3A_39] : memref<512x16xf32, #tpu.memory_space<vmem>> -> memref<128x16xf32, #tpu.memory_space<vmem>>
    %dma_start3A_41 = arith.constant 0 : i32
    %dma_start3A_42 = tpu.memref_slice %arg12[%dma_start3A_41] : memref<512xi32, #tpu.memory_space<vmem>> -> memref<128xi32, #tpu.memory_space<vmem>>
    %dma_start3A_43 = arith.constant 0 : i32
    %dma_start3A_44 = arith.constant 0 : i32
    %dma_start3A_45 = tpu.memref_slice %arg3[%dma_start3A_43, %dma_start3A_44] : memref<100000x16xf32, #tpu.memory_space<hbm>> -> memref<100000x16xf32, #tpu.memory_space<hbm>>
    tpu.enqueue_indirect_dma source(%dma_start3A_45 : memref<100000x16xf32, #tpu.memory_space<hbm>>) target(%dma_start3A_40 : memref<128x16xf32, #tpu.memory_space<vmem>>) offsets(%dma_start3A_42 : memref<128xi32, #tpu.memory_space<vmem>>) semaphore(%arg35 : memref<!tpu.dma_semaphore, #tpu.memory_space<semaphore_mem>>)
    %dma_start3A_46 = arith.constant 128 : i32
    %dma_start3A_47 = arith.constant 0 : i32
    %dma_start3A_48 = tpu.memref_slice %arg14[%dma_start3A_46, %dma_start3A_47] : memref<512x16xf32, #tpu.memory_space<vmem>> -> memref<128x16xf32, #tpu.memory_space<vmem>>
    %dma_start3A_49 = arith.constant 128 : i32
    %dma_start3A_50 = tpu.memref_slice %arg10[%dma_start3A_49] : memref<512xi32, #tpu.memory_space<vmem>> -> memref<128xi32, #tpu.memory_space<vmem>>
    %dma_start3A_51 = arith.constant 0 : i32
    %dma_start3A_52 = arith.constant 0 : i32
    %dma_start3A_53 = tpu.memref_slice %arg2[%dma_start3A_51, %dma_start3A_52] : memref<100000x16xf32, #tpu.memory_space<hbm>> -> memref<100000x16xf32, #tpu.memory_space<hbm>>
    tpu.enqueue_indirect_dma source(%dma_start3A_53 : memref<100000x16xf32, #tpu.memory_space<hbm>>) target(%dma_start3A_48 : memref<128x16xf32, #tpu.memory_space<vmem>>) offsets(%dma_start3A_50 : memref<128xi32, #tpu.memory_space<vmem>>) semaphore(%arg33 : memref<!tpu.dma_semaphore, #tpu.memory_space<semaphore_mem>>)
    %dma_start3A_54 = arith.constant 128 : i32
    %dma_start3A_55 = arith.constant 0 : i32
    %dma_start3A_56 = tpu.memref_slice %arg16[%dma_start3A_54, %dma_start3A_55] : memref<512x16xf32, #tpu.memory_space<vmem>> -> memref<128x16xf32, #tpu.memory_space<vmem>>
    %dma_start3A_57 = arith.constant 128 : i32
    %dma_start3A_58 = tpu.memref_slice %arg12[%dma_start3A_57] : memref<512xi32, #tpu.memory_space<vmem>> -> memref<128xi32, #tpu.memory_space<vmem>>
    %dma_start3A_59 = arith.constant 0 : i32
    %dma_start3A_60 = arith.constant 0 : i32
    %dma_start3A_61 = tpu.memref_slice %arg3[%dma_start3A_59, %dma_start3A_60] : memref<100000x16xf32, #tpu.memory_space<hbm>> -> memref<100000x16xf32, #tpu.memory_space<hbm>>
    tpu.enqueue_indirect_dma source(%dma_start3A_61 : memref<100000x16xf32, #tpu.memory_space<hbm>>) target(%dma_start3A_56 : memref<128x16xf32, #tpu.memory_space<vmem>>) offsets(%dma_start3A_58 : memref<128xi32, #tpu.memory_space<vmem>>) semaphore(%arg35 : memref<!tpu.dma_semaphore, #tpu.memory_space<semaphore_mem>>)
    %dma_start3A_62 = arith.constant 256 : i32
    %dma_start3A_63 = arith.constant 0 : i32
    %dma_start3A_64 = tpu.memref_slice %arg14[%dma_start3A_62, %dma_start3A_63] : memref<512x16xf32, #tpu.memory_space<vmem>> -> memref<128x16xf32, #tpu.memory_space<vmem>>
    %dma_start3A_65 = arith.constant 256 : i32
    %dma_start3A_66 = tpu.memref_slice %arg10[%dma_start3A_65] : memref<512xi32, #tpu.memory_space<vmem>> -> memref<128xi32, #tpu.memory_space<vmem>>
    %dma_start3A_67 = arith.constant 0 : i32
    %dma_start3A_68 = arith.constant 0 : i32
    %dma_start3A_69 = tpu.memref_slice %arg2[%dma_start3A_67, %dma_start3A_68] : memref<100000x16xf32, #tpu.memory_space<hbm>> -> memref<100000x16xf32, #tpu.memory_space<hbm>>
    tpu.enqueue_indirect_dma source(%dma_start3A_69 : memref<100000x16xf32, #tpu.memory_space<hbm>>) target(%dma_start3A_64 : memref<128x16xf32, #tpu.memory_space<vmem>>) offsets(%dma_start3A_66 : memref<128xi32, #tpu.memory_space<vmem>>) semaphore(%arg33 : memref<!tpu.dma_semaphore, #tpu.memory_space<semaphore_mem>>)
    %dma_start3A_70 = arith.constant 256 : i32
    %dma_start3A_71 = arith.constant 0 : i32
    %dma_start3A_72 = tpu.memref_slice %arg16[%dma_start3A_70, %dma_start3A_71] : memref<512x16xf32, #tpu.memory_space<vmem>> -> memref<128x16xf32, #tpu.memory_space<vmem>>
    %dma_start3A_73 = arith.constant 256 : i32
    %dma_start3A_74 = tpu.memref_slice %arg12[%dma_start3A_73] : memref<512xi32, #tpu.memory_space<vmem>> -> memref<128xi32, #tpu.memory_space<vmem>>
    %dma_start3A_75 = arith.constant 0 : i32
    %dma_start3A_76 = arith.constant 0 : i32
    %dma_start3A_77 = tpu.memref_slice %arg3[%dma_start3A_75, %dma_start3A_76] : memref<100000x16xf32, #tpu.memory_space<hbm>> -> memref<100000x16xf32, #tpu.memory_space<hbm>>
    tpu.enqueue_indirect_dma source(%dma_start3A_77 : memref<100000x16xf32, #tpu.memory_space<hbm>>) target(%dma_start3A_72 : memref<128x16xf32, #tpu.memory_space<vmem>>) offsets(%dma_start3A_74 : memref<128xi32, #tpu.memory_space<vmem>>) semaphore(%arg35 : memref<!tpu.dma_semaphore, #tpu.memory_space<semaphore_mem>>)
    %dma_start3A_78 = arith.constant 384 : i32
    %dma_start3A_79 = arith.constant 0 : i32
    %dma_start3A_80 = tpu.memref_slice %arg14[%dma_start3A_78, %dma_start3A_79] : memref<512x16xf32, #tpu.memory_space<vmem>> -> memref<128x16xf32, #tpu.memory_space<vmem>>
    %dma_start3A_81 = arith.constant 384 : i32
    %dma_start3A_82 = tpu.memref_slice %arg10[%dma_start3A_81] : memref<512xi32, #tpu.memory_space<vmem>> -> memref<128xi32, #tpu.memory_space<vmem>>
    %dma_start3A_83 = arith.constant 0 : i32
    %dma_start3A_84 = arith.constant 0 : i32
    %dma_start3A_85 = tpu.memref_slice %arg2[%dma_start3A_83, %dma_start3A_84] : memref<100000x16xf32, #tpu.memory_space<hbm>> -> memref<100000x16xf32, #tpu.memory_space<hbm>>
    tpu.enqueue_indirect_dma source(%dma_start3A_85 : memref<100000x16xf32, #tpu.memory_space<hbm>>) target(%dma_start3A_80 : memref<128x16xf32, #tpu.memory_space<vmem>>) offsets(%dma_start3A_82 : memref<128xi32, #tpu.memory_space<vmem>>) semaphore(%arg33 : memref<!tpu.dma_semaphore, #tpu.memory_space<semaphore_mem>>)
    %dma_start3A_86 = arith.constant 384 : i32
    %dma_start3A_87 = arith.constant 0 : i32
    %dma_start3A_88 = tpu.memref_slice %arg16[%dma_start3A_86, %dma_start3A_87] : memref<512x16xf32, #tpu.memory_space<vmem>> -> memref<128x16xf32, #tpu.memory_space<vmem>>
    %dma_start3A_89 = arith.constant 384 : i32
    %dma_start3A_90 = tpu.memref_slice %arg12[%dma_start3A_89] : memref<512xi32, #tpu.memory_space<vmem>> -> memref<128xi32, #tpu.memory_space<vmem>>
    %dma_start3A_91 = arith.constant 0 : i32
    %dma_start3A_92 = arith.constant 0 : i32
    %dma_start3A_93 = tpu.memref_slice %arg3[%dma_start3A_91, %dma_start3A_92] : memref<100000x16xf32, #tpu.memory_space<hbm>> -> memref<100000x16xf32, #tpu.memory_space<hbm>>
    tpu.enqueue_indirect_dma source(%dma_start3A_93 : memref<100000x16xf32, #tpu.memory_space<hbm>>) target(%dma_start3A_88 : memref<128x16xf32, #tpu.memory_space<vmem>>) offsets(%dma_start3A_90 : memref<128xi32, #tpu.memory_space<vmem>>) semaphore(%arg35 : memref<!tpu.dma_semaphore, #tpu.memory_space<semaphore_mem>>)
    %scan3A = arith.constant 0 : i32
    %scan3A_94 = arith.constant 0 : i32
    %scan3A_95 = arith.constant 98 : i32
    %scan3A_96 = arith.addi %scan3A_94, %scan3A_95 : i32
    %scan3A_97 = arith.constant 1 : i32
    scf.for %scan3A_103 = %scan3A_94 to %scan3A_96 step %scan3A_97  : i32 {
      %mul3A_104 = arith.constant 2 : i32
      %mul3A_105 = arith.muli %mul3A_104, %scan3A_103 : i32
      %add3A_106 = arith.constant 0 : i32
      %add3A_107 = arith.addi %mul3A_105, %add3A_106 : i32
      %mul3A_108 = arith.constant 32 : i32
      %mul3A_109 = arith.muli %add3A_107, %mul3A_108 : i32
      %add3A_110 = arith.addi %add3A, %mul3A_109 : i32
      %lt3A_111 = arith.constant 6250 : i32
      %lt3A_112 = arith.cmpi slt, %add3A_110, %lt3A_111 : i32
      %convert_element_type3A_113 = arith.extui %lt3A_112 : i1 to i32
      %cond3A_114 = arith.constant 0 : i32
      %cond3A_115 = arith.cmpi ne, %convert_element_type3A_113, %cond3A_114 : i32
      scf.if %cond3A_115 {
        %dma_wait3A_207 = arith.constant 0 : i32
        %dma_wait3A_208 = arith.constant 0 : i32
        %dma_wait3A_209 = tpu.memref_slice %arg14[%dma_wait3A_207, %dma_wait3A_208] : memref<512x16xf32, #tpu.memory_space<vmem>> -> memref<128x16xf32, #tpu.memory_space<vmem>>
        %dma_wait3A_210 = arith.constant 0 : i32
        %dma_wait3A_211 = tpu.memref_slice %arg10[%dma_wait3A_210] : memref<512xi32, #tpu.memory_space<vmem>> -> memref<128xi32, #tpu.memory_space<vmem>>
        %dma_wait3A_212 = arith.constant 0 : i32
        %dma_wait3A_213 = arith.constant 0 : i32
        %dma_wait3A_214 = tpu.memref_slice %arg2[%dma_wait3A_212, %dma_wait3A_213] : memref<100000x16xf32, #tpu.memory_space<hbm>> -> memref<100000x16xf32, #tpu.memory_space<hbm>>
        tpu.wait_indirect_dma semaphore(%arg33 : memref<!tpu.dma_semaphore, #tpu.memory_space<semaphore_mem>>) src(%dma_wait3A_214 : memref<100000x16xf32, #tpu.memory_space<hbm>>) dst(%dma_wait3A_209 : memref<128x16xf32, #tpu.memory_space<vmem>>)
        %dma_wait3A_215 = arith.constant 0 : i32
        %dma_wait3A_216 = arith.constant 0 : i32
        %dma_wait3A_217 = tpu.memref_slice %arg16[%dma_wait3A_215, %dma_wait3A_216] : memref<512x16xf32, #tpu.memory_space<vmem>> -> memref<128x16xf32, #tpu.memory_space<vmem>>
        %dma_wait3A_218 = arith.constant 0 : i32
        %dma_wait3A_219 = tpu.memref_slice %arg12[%dma_wait3A_218] : memref<512xi32, #tpu.memory_space<vmem>> -> memref<128xi32, #tpu.memory_space<vmem>>
        %dma_wait3A_220 = arith.constant 0 : i32
        %dma_wait3A_221 = arith.constant 0 : i32
        %dma_wait3A_222 = tpu.memref_slice %arg3[%dma_wait3A_220, %dma_wait3A_221] : memref<100000x16xf32, #tpu.memory_space<hbm>> -> memref<100000x16xf32, #tpu.memory_space<hbm>>
        tpu.wait_indirect_dma semaphore(%arg35 : memref<!tpu.dma_semaphore, #tpu.memory_space<semaphore_mem>>) src(%dma_wait3A_222 : memref<100000x16xf32, #tpu.memory_space<hbm>>) dst(%dma_wait3A_217 : memref<128x16xf32, #tpu.memory_space<vmem>>)
        %dma_wait3A_223 = arith.constant 128 : i32
        %dma_wait3A_224 = arith.constant 0 : i32
        %dma_wait3A_225 = tpu.memref_slice %arg14[%dma_wait3A_223, %dma_wait3A_224] : memref<512x16xf32, #tpu.memory_space<vmem>> -> memref<128x16xf32, #tpu.memory_space<vmem>>
        %dma_wait3A_226 = arith.constant 128 : i32
        %dma_wait3A_227 = tpu.memref_slice %arg10[%dma_wait3A_226] : memref<512xi32, #tpu.memory_space<vmem>> -> memref<128xi32, #tpu.memory_space<vmem>>
        %dma_wait3A_228 = arith.constant 0 : i32
        %dma_wait3A_229 = arith.constant 0 : i32
        %dma_wait3A_230 = tpu.memref_slice %arg2[%dma_wait3A_228, %dma_wait3A_229] : memref<100000x16xf32, #tpu.memory_space<hbm>> -> memref<100000x16xf32, #tpu.memory_space<hbm>>
        tpu.wait_indirect_dma semaphore(%arg33 : memref<!tpu.dma_semaphore, #tpu.memory_space<semaphore_mem>>) src(%dma_wait3A_230 : memref<100000x16xf32, #tpu.memory_space<hbm>>) dst(%dma_wait3A_225 : memref<128x16xf32, #tpu.memory_space<vmem>>)
        %dma_wait3A_231 = arith.constant 128 : i32
        %dma_wait3A_232 = arith.constant 0 : i32
        %dma_wait3A_233 = tpu.memref_slice %arg16[%dma_wait3A_231, %dma_wait3A_232] : memref<512x16xf32, #tpu.memory_space<vmem>> -> memref<128x16xf32, #tpu.memory_space<vmem>>
        %dma_wait3A_234 = arith.constant 128 : i32
        %dma_wait3A_235 = tpu.memref_slice %arg12[%dma_wait3A_234] : memref<512xi32, #tpu.memory_space<vmem>> -> memref<128xi32, #tpu.memory_space<vmem>>
        %dma_wait3A_236 = arith.constant 0 : i32
        %dma_wait3A_237 = arith.constant 0 : i32
        %dma_wait3A_238 = tpu.memref_slice %arg3[%dma_wait3A_236, %dma_wait3A_237] : memref<100000x16xf32, #tpu.memory_space<hbm>> -> memref<100000x16xf32, #tpu.memory_space<hbm>>
        tpu.wait_indirect_dma semaphore(%arg35 : memref<!tpu.dma_semaphore, #tpu.memory_space<semaphore_mem>>) src(%dma_wait3A_238 : memref<100000x16xf32, #tpu.memory_space<hbm>>) dst(%dma_wait3A_233 : memref<128x16xf32, #tpu.memory_space<vmem>>)
        %dma_wait3A_239 = arith.constant 256 : i32
        %dma_wait3A_240 = arith.constant 0 : i32
        %dma_wait3A_241 = tpu.memref_slice %arg14[%dma_wait3A_239, %dma_wait3A_240] : memref<512x16xf32, #tpu.memory_space<vmem>> -> memref<128x16xf32, #tpu.memory_space<vmem>>
        %dma_wait3A_242 = arith.constant 256 : i32
        %dma_wait3A_243 = tpu.memref_slice %arg10[%dma_wait3A_242] : memref<512xi32, #tpu.memory_space<vmem>> -> memref<128xi32, #tpu.memory_space<vmem>>
        %dma_wait3A_244 = arith.constant 0 : i32
        %dma_wait3A_245 = arith.constant 0 : i32
        %dma_wait3A_246 = tpu.memref_slice %arg2[%dma_wait3A_244, %dma_wait3A_245] : memref<100000x16xf32, #tpu.memory_space<hbm>> -> memref<100000x16xf32, #tpu.memory_space<hbm>>
        tpu.wait_indirect_dma semaphore(%arg33 : memref<!tpu.dma_semaphore, #tpu.memory_space<semaphore_mem>>) src(%dma_wait3A_246 : memref<100000x16xf32, #tpu.memory_space<hbm>>) dst(%dma_wait3A_241 : memref<128x16xf32, #tpu.memory_space<vmem>>)
        %dma_wait3A_247 = arith.constant 256 : i32
        %dma_wait3A_248 = arith.constant 0 : i32
        %dma_wait3A_249 = tpu.memref_slice %arg16[%dma_wait3A_247, %dma_wait3A_248] : memref<512x16xf32, #tpu.memory_space<vmem>> -> memref<128x16xf32, #tpu.memory_space<vmem>>
        %dma_wait3A_250 = arith.constant 256 : i32
        %dma_wait3A_251 = tpu.memref_slice %arg12[%dma_wait3A_250] : memref<512xi32, #tpu.memory_space<vmem>> -> memref<128xi32, #tpu.memory_space<vmem>>
        %dma_wait3A_252 = arith.constant 0 : i32
        %dma_wait3A_253 = arith.constant 0 : i32
        %dma_wait3A_254 = tpu.memref_slice %arg3[%dma_wait3A_252, %dma_wait3A_253] : memref<100000x16xf32, #tpu.memory_space<hbm>> -> memref<100000x16xf32, #tpu.memory_space<hbm>>
        tpu.wait_indirect_dma semaphore(%arg35 : memref<!tpu.dma_semaphore, #tpu.memory_space<semaphore_mem>>) src(%dma_wait3A_254 : memref<100000x16xf32, #tpu.memory_space<hbm>>) dst(%dma_wait3A_249 : memref<128x16xf32, #tpu.memory_space<vmem>>)
        %dma_wait3A_255 = arith.constant 384 : i32
        %dma_wait3A_256 = arith.constant 0 : i32
        %dma_wait3A_257 = tpu.memref_slice %arg14[%dma_wait3A_255, %dma_wait3A_256] : memref<512x16xf32, #tpu.memory_space<vmem>> -> memref<128x16xf32, #tpu.memory_space<vmem>>
        %dma_wait3A_258 = arith.constant 384 : i32
        %dma_wait3A_259 = tpu.memref_slice %arg10[%dma_wait3A_258] : memref<512xi32, #tpu.memory_space<vmem>> -> memref<128xi32, #tpu.memory_space<vmem>>
        %dma_wait3A_260 = arith.constant 0 : i32
        %dma_wait3A_261 = arith.constant 0 : i32
        %dma_wait3A_262 = tpu.memref_slice %arg2[%dma_wait3A_260, %dma_wait3A_261] : memref<100000x16xf32, #tpu.memory_space<hbm>> -> memref<100000x16xf32, #tpu.memory_space<hbm>>
        tpu.wait_indirect_dma semaphore(%arg33 : memref<!tpu.dma_semaphore, #tpu.memory_space<semaphore_mem>>) src(%dma_wait3A_262 : memref<100000x16xf32, #tpu.memory_space<hbm>>) dst(%dma_wait3A_257 : memref<128x16xf32, #tpu.memory_space<vmem>>)
        %dma_wait3A_263 = arith.constant 384 : i32
        %dma_wait3A_264 = arith.constant 0 : i32
        %dma_wait3A_265 = tpu.memref_slice %arg16[%dma_wait3A_263, %dma_wait3A_264] : memref<512x16xf32, #tpu.memory_space<vmem>> -> memref<128x16xf32, #tpu.memory_space<vmem>>
        %dma_wait3A_266 = arith.constant 384 : i32
        %dma_wait3A_267 = tpu.memref_slice %arg12[%dma_wait3A_266] : memref<512xi32, #tpu.memory_space<vmem>> -> memref<128xi32, #tpu.memory_space<vmem>>
        %dma_wait3A_268 = arith.constant 0 : i32
        %dma_wait3A_269 = arith.constant 0 : i32
        %dma_wait3A_270 = tpu.memref_slice %arg3[%dma_wait3A_268, %dma_wait3A_269] : memref<100000x16xf32, #tpu.memory_space<hbm>> -> memref<100000x16xf32, #tpu.memory_space<hbm>>
        tpu.wait_indirect_dma semaphore(%arg35 : memref<!tpu.dma_semaphore, #tpu.memory_space<semaphore_mem>>) src(%dma_wait3A_270 : memref<100000x16xf32, #tpu.memory_space<hbm>>) dst(%dma_wait3A_265 : memref<128x16xf32, #tpu.memory_space<vmem>>)
      } else {
      }
      %add3A_116 = arith.constant 2 : i32
      %add3A_117 = arith.addi %add3A_107, %add3A_116 : i32
      %mul3A_118 = arith.constant 32 : i32
      %mul3A_119 = arith.muli %add3A_117, %mul3A_118 : i32
      %add3A_120 = arith.addi %add3A, %mul3A_119 : i32
      %lt3A_121 = arith.constant 6250 : i32
      %lt3A_122 = arith.cmpi slt, %add3A_120, %lt3A_121 : i32
      %convert_element_type3A_123 = arith.extui %lt3A_122 : i1 to i32
      %cond3A_124 = arith.constant 0 : i32
      %cond3A_125 = arith.cmpi ne, %convert_element_type3A_123, %cond3A_124 : i32
      scf.if %cond3A_125 {
        %add3A_207 = arith.constant 2 : i32
        %add3A_208 = arith.addi %add3A_107, %add3A_207 : i32
        %mul3A_209 = arith.constant 32 : i32
        %mul3A_210 = arith.muli %add3A_208, %mul3A_209 : i32
        %add3A_211 = arith.addi %add3A, %mul3A_210 : i32
        %mul3A_212 = arith.constant 512 : i32
        %mul3A_213 = arith.muli %add3A_211, %mul3A_212 : i32
        %dma_start3A_214 = tpu.memref_slice %arg4[%mul3A_213] : memref<6400000xi32, #tpu.memory_space<hbm>> -> memref<512xi32, #tpu.memory_space<hbm>>
        %dma_start3A_215 = tpu.memref_slice %arg4[%mul3A_213] : memref<6400000xi32, #tpu.memory_space<hbm>> -> memref<512xi32, #tpu.memory_space<hbm>>
        tpu.enqueue_dma source(%dma_start3A_215 : memref<512xi32, #tpu.memory_space<hbm>>) target(%arg10 : memref<512xi32, #tpu.memory_space<vmem>>) target_semaphore(%arg29 : memref<!tpu.dma_semaphore, #tpu.memory_space<semaphore_mem>>)
        %add3A_216 = arith.constant 3200000 : i32
        %add3A_217 = arith.addi %add3A_216, %mul3A_213 : i32
        %dma_start3A_218 = tpu.memref_slice %arg4[%add3A_217] : memref<6400000xi32, #tpu.memory_space<hbm>> -> memref<512xi32, #tpu.memory_space<hbm>>
        %dma_start3A_219 = tpu.memref_slice %arg4[%add3A_217] : memref<6400000xi32, #tpu.memory_space<hbm>> -> memref<512xi32, #tpu.memory_space<hbm>>
        tpu.enqueue_dma source(%dma_start3A_219 : memref<512xi32, #tpu.memory_space<hbm>>) target(%arg12 : memref<512xi32, #tpu.memory_space<vmem>>) target_semaphore(%arg31 : memref<!tpu.dma_semaphore, #tpu.memory_space<semaphore_mem>>)
      } else {
      }
      %ge3A = arith.constant 1 : i32
      %ge3A_126 = arith.cmpi sge, %add3A_107, %ge3A : i32
      %sub3A = arith.constant 1 : i32
      %sub3A_127 = arith.subi %add3A_107, %sub3A : i32
      %mul3A_128 = arith.constant 32 : i32
      %mul3A_129 = arith.muli %sub3A_127, %mul3A_128 : i32
      %add3A_130 = arith.addi %add3A, %mul3A_129 : i32
      %lt3A_131 = arith.constant 6250 : i32
      %lt3A_132 = arith.cmpi slt, %add3A_130, %lt3A_131 : i32
      %and3A = arith.andi %ge3A_126, %lt3A_132 : i1
      %convert_element_type3A_133 = arith.extui %and3A : i1 to i32
      %cond3A_134 = arith.constant 0 : i32
      %cond3A_135 = arith.cmpi ne, %convert_element_type3A_133, %cond3A_134 : i32
      scf.if %cond3A_135 {
        %add3A_207 = arith.constant 0 : i32
        %add3A_208 = arith.addi %add3A, %add3A_207 : i32
        %mul3A_209 = arith.constant 512 : i32
        %mul3A_210 = arith.muli %add3A_208, %mul3A_209 : i32
        %mul3A_211 = arith.constant 4 : i32
        %mul3A_212 = arith.muli %add3A_208, %mul3A_211 : i32
        %mul3A_213 = arith.constant 4 : i32
        %mul3A_214 = arith.muli %add3A_208, %mul3A_213 : i32
        %dma_wait3A_215 = tpu.memref_slice %arg5[%mul3A_210] : memref<3200000xf32, #tpu.memory_space<hbm>> -> memref<512xf32, #tpu.memory_space<hbm>>
        %dma_wait3A_216 = tpu.memref_slice %arg5[%mul3A_210] : memref<3200000xf32, #tpu.memory_space<hbm>> -> memref<512xf32, #tpu.memory_space<hbm>>
        tpu.wait_dma2 semaphore(%arg38 : memref<!tpu.dma_semaphore, #tpu.memory_space<semaphore_mem>>) src(%arg20 : memref<512xf32, #tpu.memory_space<vmem>>) dst(%dma_wait3A_216 : memref<512xf32, #tpu.memory_space<hbm>>)
        %dma_wait3A_217 = tpu.memref_slice %arg6[%mul3A_210] : memref<3200000xf32, #tpu.memory_space<hbm>> -> memref<512xf32, #tpu.memory_space<hbm>>
        %dma_wait3A_218 = tpu.memref_slice %arg6[%mul3A_210] : memref<3200000xf32, #tpu.memory_space<hbm>> -> memref<512xf32, #tpu.memory_space<hbm>>
        tpu.wait_dma2 semaphore(%arg38 : memref<!tpu.dma_semaphore, #tpu.memory_space<semaphore_mem>>) src(%arg22 : memref<512xf32, #tpu.memory_space<vmem>>) dst(%dma_wait3A_218 : memref<512xf32, #tpu.memory_space<hbm>>)
        %dma_wait3A_219 = tpu.memref_slice %arg7[%mul3A_210] : memref<3200000xf32, #tpu.memory_space<hbm>> -> memref<512xf32, #tpu.memory_space<hbm>>
        %dma_wait3A_220 = tpu.memref_slice %arg7[%mul3A_210] : memref<3200000xf32, #tpu.memory_space<hbm>> -> memref<512xf32, #tpu.memory_space<hbm>>
        tpu.wait_dma2 semaphore(%arg38 : memref<!tpu.dma_semaphore, #tpu.memory_space<semaphore_mem>>) src(%arg24 : memref<512xf32, #tpu.memory_space<vmem>>) dst(%dma_wait3A_220 : memref<512xf32, #tpu.memory_space<hbm>>)
        %dma_wait3A_221 = arith.constant 0 : i32
        %dma_wait3A_222 = arith.constant 0 : i32
        %dma_wait3A_223 = tpu.memref_slice %arg9[%mul3A_212, %dma_wait3A_221, %dma_wait3A_222] : memref<25000x4x128xf32, #tpu.memory_space<hbm>> -> memref<4x4x128xf32, #tpu.memory_space<hbm>>
        %dma_wait3A_224 = arith.constant 0 : i32
        %dma_wait3A_225 = arith.constant 0 : i32
        %dma_wait3A_226 = tpu.memref_slice %arg9[%mul3A_212, %dma_wait3A_224, %dma_wait3A_225] : memref<25000x4x128xf32, #tpu.memory_space<hbm>> -> memref<4x4x128xf32, #tpu.memory_space<hbm>>
        tpu.wait_dma2 semaphore(%arg38 : memref<!tpu.dma_semaphore, #tpu.memory_space<semaphore_mem>>) src(%arg26 : memref<4x4x128xf32, #tpu.memory_space<vmem>>) dst(%dma_wait3A_226 : memref<4x4x128xf32, #tpu.memory_space<hbm>>)
        %dma_wait3A_227 = arith.constant 0 : i32
        %dma_wait3A_228 = arith.constant 0 : i32
        %dma_wait3A_229 = tpu.memref_slice %arg8[%mul3A_214, %dma_wait3A_227, %dma_wait3A_228] : memref<25000x4x128xf32, #tpu.memory_space<hbm>> -> memref<4x4x128xf32, #tpu.memory_space<hbm>>
        %dma_wait3A_230 = arith.constant 0 : i32
        %dma_wait3A_231 = arith.constant 0 : i32
        %dma_wait3A_232 = tpu.memref_slice %arg8[%mul3A_214, %dma_wait3A_230, %dma_wait3A_231] : memref<25000x4x128xf32, #tpu.memory_space<hbm>> -> memref<4x4x128xf32, #tpu.memory_space<hbm>>
        tpu.wait_dma2 semaphore(%arg38 : memref<!tpu.dma_semaphore, #tpu.memory_space<semaphore_mem>>) src(%arg28 : memref<4x4x128xf32, #tpu.memory_space<vmem>>) dst(%dma_wait3A_232 : memref<4x4x128xf32, #tpu.memory_space<hbm>>)
      } else {
      }
      %add3A_136 = arith.constant 1 : i32
      %add3A_137 = arith.addi %add3A_107, %add3A_136 : i32
      %mul3A_138 = arith.constant 32 : i32
      %mul3A_139 = arith.muli %add3A_137, %mul3A_138 : i32
      %add3A_140 = arith.addi %add3A, %mul3A_139 : i32
      %lt3A_141 = arith.constant 6250 : i32
      %lt3A_142 = arith.cmpi slt, %add3A_140, %lt3A_141 : i32
      %convert_element_type3A_143 = arith.extui %lt3A_142 : i1 to i32
      %cond3A_144 = arith.constant 0 : i32
      %cond3A_145 = arith.cmpi ne, %convert_element_type3A_143, %cond3A_144 : i32
      scf.if %cond3A_145 {
        %dma_wait3A_207 = arith.constant 0 : i32
        %dma_wait3A_208 = tpu.memref_slice %arg4[%dma_wait3A_207] : memref<6400000xi32, #tpu.memory_space<hbm>> -> memref<512xi32, #tpu.memory_space<hbm>>
        %dma_wait3A_209 = arith.constant 0 : i32
        %dma_wait3A_210 = tpu.memref_slice %arg4[%dma_wait3A_209] : memref<6400000xi32, #tpu.memory_space<hbm>> -> memref<512xi32, #tpu.memory_space<hbm>>
        tpu.wait_dma2 semaphore(%arg30 : memref<!tpu.dma_semaphore, #tpu.memory_space<semaphore_mem>>) src(%dma_wait3A_210 : memref<512xi32, #tpu.memory_space<hbm>>) dst(%arg11 : memref<512xi32, #tpu.memory_space<vmem>>)
        %dma_wait3A_211 = arith.constant 0 : i32
        %dma_wait3A_212 = tpu.memref_slice %arg4[%dma_wait3A_211] : memref<6400000xi32, #tpu.memory_space<hbm>> -> memref<512xi32, #tpu.memory_space<hbm>>
        %dma_wait3A_213 = arith.constant 0 : i32
        %dma_wait3A_214 = tpu.memref_slice %arg4[%dma_wait3A_213] : memref<6400000xi32, #tpu.memory_space<hbm>> -> memref<512xi32, #tpu.memory_space<hbm>>
        tpu.wait_dma2 semaphore(%arg32 : memref<!tpu.dma_semaphore, #tpu.memory_space<semaphore_mem>>) src(%dma_wait3A_214 : memref<512xi32, #tpu.memory_space<hbm>>) dst(%arg13 : memref<512xi32, #tpu.memory_space<vmem>>)
        %dma_start3A_215 = arith.constant 0 : i32
        %dma_start3A_216 = arith.constant 0 : i32
        %dma_start3A_217 = tpu.memref_slice %arg15[%dma_start3A_215, %dma_start3A_216] : memref<512x16xf32, #tpu.memory_space<vmem>> -> memref<128x16xf32, #tpu.memory_space<vmem>>
        %dma_start3A_218 = arith.constant 0 : i32
        %dma_start3A_219 = tpu.memref_slice %arg11[%dma_start3A_218] : memref<512xi32, #tpu.memory_space<vmem>> -> memref<128xi32, #tpu.memory_space<vmem>>
        %dma_start3A_220 = arith.constant 0 : i32
        %dma_start3A_221 = arith.constant 0 : i32
        %dma_start3A_222 = tpu.memref_slice %arg2[%dma_start3A_220, %dma_start3A_221] : memref<100000x16xf32, #tpu.memory_space<hbm>> -> memref<100000x16xf32, #tpu.memory_space<hbm>>
        tpu.enqueue_indirect_dma source(%dma_start3A_222 : memref<100000x16xf32, #tpu.memory_space<hbm>>) target(%dma_start3A_217 : memref<128x16xf32, #tpu.memory_space<vmem>>) offsets(%dma_start3A_219 : memref<128xi32, #tpu.memory_space<vmem>>) semaphore(%arg34 : memref<!tpu.dma_semaphore, #tpu.memory_space<semaphore_mem>>)
        %dma_start3A_223 = arith.constant 0 : i32
        %dma_start3A_224 = arith.constant 0 : i32
        %dma_start3A_225 = tpu.memref_slice %arg17[%dma_start3A_223, %dma_start3A_224] : memref<512x16xf32, #tpu.memory_space<vmem>> -> memref<128x16xf32, #tpu.memory_space<vmem>>
        %dma_start3A_226 = arith.constant 0 : i32
        %dma_start3A_227 = tpu.memref_slice %arg13[%dma_start3A_226] : memref<512xi32, #tpu.memory_space<vmem>> -> memref<128xi32, #tpu.memory_space<vmem>>
        %dma_start3A_228 = arith.constant 0 : i32
        %dma_start3A_229 = arith.constant 0 : i32
        %dma_start3A_230 = tpu.memref_slice %arg3[%dma_start3A_228, %dma_start3A_229] : memref<100000x16xf32, #tpu.memory_space<hbm>> -> memref<100000x16xf32, #tpu.memory_space<hbm>>
        tpu.enqueue_indirect_dma source(%dma_start3A_230 : memref<100000x16xf32, #tpu.memory_space<hbm>>) target(%dma_start3A_225 : memref<128x16xf32, #tpu.memory_space<vmem>>) offsets(%dma_start3A_227 : memref<128xi32, #tpu.memory_space<vmem>>) semaphore(%arg36 : memref<!tpu.dma_semaphore, #tpu.memory_space<semaphore_mem>>)
        %dma_start3A_231 = arith.constant 128 : i32
        %dma_start3A_232 = arith.constant 0 : i32
        %dma_start3A_233 = tpu.memref_slice %arg15[%dma_start3A_231, %dma_start3A_232] : memref<512x16xf32, #tpu.memory_space<vmem>> -> memref<128x16xf32, #tpu.memory_space<vmem>>
        %dma_start3A_234 = arith.constant 128 : i32
        %dma_start3A_235 = tpu.memref_slice %arg11[%dma_start3A_234] : memref<512xi32, #tpu.memory_space<vmem>> -> memref<128xi32, #tpu.memory_space<vmem>>
        %dma_start3A_236 = arith.constant 0 : i32
        %dma_start3A_237 = arith.constant 0 : i32
        %dma_start3A_238 = tpu.memref_slice %arg2[%dma_start3A_236, %dma_start3A_237] : memref<100000x16xf32, #tpu.memory_space<hbm>> -> memref<100000x16xf32, #tpu.memory_space<hbm>>
        tpu.enqueue_indirect_dma source(%dma_start3A_238 : memref<100000x16xf32, #tpu.memory_space<hbm>>) target(%dma_start3A_233 : memref<128x16xf32, #tpu.memory_space<vmem>>) offsets(%dma_start3A_235 : memref<128xi32, #tpu.memory_space<vmem>>) semaphore(%arg34 : memref<!tpu.dma_semaphore, #tpu.memory_space<semaphore_mem>>)
        %dma_start3A_239 = arith.constant 128 : i32
        %dma_start3A_240 = arith.constant 0 : i32
        %dma_start3A_241 = tpu.memref_slice %arg17[%dma_start3A_239, %dma_start3A_240] : memref<512x16xf32, #tpu.memory_space<vmem>> -> memref<128x16xf32, #tpu.memory_space<vmem>>
        %dma_start3A_242 = arith.constant 128 : i32
        %dma_start3A_243 = tpu.memref_slice %arg13[%dma_start3A_242] : memref<512xi32, #tpu.memory_space<vmem>> -> memref<128xi32, #tpu.memory_space<vmem>>
        %dma_start3A_244 = arith.constant 0 : i32
        %dma_start3A_245 = arith.constant 0 : i32
        %dma_start3A_246 = tpu.memref_slice %arg3[%dma_start3A_244, %dma_start3A_245] : memref<100000x16xf32, #tpu.memory_space<hbm>> -> memref<100000x16xf32, #tpu.memory_space<hbm>>
        tpu.enqueue_indirect_dma source(%dma_start3A_246 : memref<100000x16xf32, #tpu.memory_space<hbm>>) target(%dma_start3A_241 : memref<128x16xf32, #tpu.memory_space<vmem>>) offsets(%dma_start3A_243 : memref<128xi32, #tpu.memory_space<vmem>>) semaphore(%arg36 : memref<!tpu.dma_semaphore, #tpu.memory_space<semaphore_mem>>)
        %dma_start3A_247 = arith.constant 256 : i32
        %dma_start3A_248 = arith.constant 0 : i32
        %dma_start3A_249 = tpu.memref_slice %arg15[%dma_start3A_247, %dma_start3A_248] : memref<512x16xf32, #tpu.memory_space<vmem>> -> memref<128x16xf32, #tpu.memory_space<vmem>>
        %dma_start3A_250 = arith.constant 256 : i32
        %dma_start3A_251 = tpu.memref_slice %arg11[%dma_start3A_250] : memref<512xi32, #tpu.memory_space<vmem>> -> memref<128xi32, #tpu.memory_space<vmem>>
        %dma_start3A_252 = arith.constant 0 : i32
        %dma_start3A_253 = arith.constant 0 : i32
        %dma_start3A_254 = tpu.memref_slice %arg2[%dma_start3A_252, %dma_start3A_253] : memref<100000x16xf32, #tpu.memory_space<hbm>> -> memref<100000x16xf32, #tpu.memory_space<hbm>>
        tpu.enqueue_indirect_dma source(%dma_start3A_254 : memref<100000x16xf32, #tpu.memory_space<hbm>>) target(%dma_start3A_249 : memref<128x16xf32, #tpu.memory_space<vmem>>) offsets(%dma_start3A_251 : memref<128xi32, #tpu.memory_space<vmem>>) semaphore(%arg34 : memref<!tpu.dma_semaphore, #tpu.memory_space<semaphore_mem>>)
        %dma_start3A_255 = arith.constant 256 : i32
        %dma_start3A_256 = arith.constant 0 : i32
        %dma_start3A_257 = tpu.memref_slice %arg17[%dma_start3A_255, %dma_start3A_256] : memref<512x16xf32, #tpu.memory_space<vmem>> -> memref<128x16xf32, #tpu.memory_space<vmem>>
        %dma_start3A_258 = arith.constant 256 : i32
        %dma_start3A_259 = tpu.memref_slice %arg13[%dma_start3A_258] : memref<512xi32, #tpu.memory_space<vmem>> -> memref<128xi32, #tpu.memory_space<vmem>>
        %dma_start3A_260 = arith.constant 0 : i32
        %dma_start3A_261 = arith.constant 0 : i32
        %dma_start3A_262 = tpu.memref_slice %arg3[%dma_start3A_260, %dma_start3A_261] : memref<100000x16xf32, #tpu.memory_space<hbm>> -> memref<100000x16xf32, #tpu.memory_space<hbm>>
        tpu.enqueue_indirect_dma source(%dma_start3A_262 : memref<100000x16xf32, #tpu.memory_space<hbm>>) target(%dma_start3A_257 : memref<128x16xf32, #tpu.memory_space<vmem>>) offsets(%dma_start3A_259 : memref<128xi32, #tpu.memory_space<vmem>>) semaphore(%arg36 : memref<!tpu.dma_semaphore, #tpu.memory_space<semaphore_mem>>)
        %dma_start3A_263 = arith.constant 384 : i32
        %dma_start3A_264 = arith.constant 0 : i32
        %dma_start3A_265 = tpu.memref_slice %arg15[%dma_start3A_263, %dma_start3A_264] : memref<512x16xf32, #tpu.memory_space<vmem>> -> memref<128x16xf32, #tpu.memory_space<vmem>>
        %dma_start3A_266 = arith.constant 384 : i32
        %dma_start3A_267 = tpu.memref_slice %arg11[%dma_start3A_266] : memref<512xi32, #tpu.memory_space<vmem>> -> memref<128xi32, #tpu.memory_space<vmem>>
        %dma_start3A_268 = arith.constant 0 : i32
        %dma_start3A_269 = arith.constant 0 : i32
        %dma_start3A_270 = tpu.memref_slice %arg2[%dma_start3A_268, %dma_start3A_269] : memref<100000x16xf32, #tpu.memory_space<hbm>> -> memref<100000x16xf32, #tpu.memory_space<hbm>>
        tpu.enqueue_indirect_dma source(%dma_start3A_270 : memref<100000x16xf32, #tpu.memory_space<hbm>>) target(%dma_start3A_265 : memref<128x16xf32, #tpu.memory_space<vmem>>) offsets(%dma_start3A_267 : memref<128xi32, #tpu.memory_space<vmem>>) semaphore(%arg34 : memref<!tpu.dma_semaphore, #tpu.memory_space<semaphore_mem>>)
        %dma_start3A_271 = arith.constant 384 : i32
        %dma_start3A_272 = arith.constant 0 : i32
        %dma_start3A_273 = tpu.memref_slice %arg17[%dma_start3A_271, %dma_start3A_272] : memref<512x16xf32, #tpu.memory_space<vmem>> -> memref<128x16xf32, #tpu.memory_space<vmem>>
        %dma_start3A_274 = arith.constant 384 : i32
        %dma_start3A_275 = tpu.memref_slice %arg13[%dma_start3A_274] : memref<512xi32, #tpu.memory_space<vmem>> -> memref<128xi32, #tpu.memory_space<vmem>>
        %dma_start3A_276 = arith.constant 0 : i32
        %dma_start3A_277 = arith.constant 0 : i32
        %dma_start3A_278 = tpu.memref_slice %arg3[%dma_start3A_276, %dma_start3A_277] : memref<100000x16xf32, #tpu.memory_space<hbm>> -> memref<100000x16xf32, #tpu.memory_space<hbm>>
        tpu.enqueue_indirect_dma source(%dma_start3A_278 : memref<100000x16xf32, #tpu.memory_space<hbm>>) target(%dma_start3A_273 : memref<128x16xf32, #tpu.memory_space<vmem>>) offsets(%dma_start3A_275 : memref<128xi32, #tpu.memory_space<vmem>>) semaphore(%arg36 : memref<!tpu.dma_semaphore, #tpu.memory_space<semaphore_mem>>)
      } else {
      }
      %mul3A_146 = arith.constant 32 : i32
      %mul3A_147 = arith.muli %add3A_107, %mul3A_146 : i32
      %add3A_148 = arith.addi %add3A, %mul3A_147 : i32
      %lt3A_149 = arith.constant 6250 : i32
      %lt3A_150 = arith.cmpi slt, %add3A_148, %lt3A_149 : i32
      %convert_element_type3A_151 = arith.extui %lt3A_150 : i1 to i32
      %cond3A_152 = arith.constant 0 : i32
      %cond3A_153 = arith.cmpi ne, %convert_element_type3A_151, %cond3A_152 : i32
      scf.if %cond3A_153 {
        %parallel_loop3A = arith.constant 0 : i32
        %parallel_loop3A_207 = arith.constant 512 : i32
        %parallel_loop3A_208 = arith.constant 1 : i32
        scf.for %parallel_loop3A_239 = %parallel_loop3A to %parallel_loop3A_207 step %parallel_loop3A_208  : i32 {
          %parallel_loop3A_240 = arith.index_cast %parallel_loop3A_239 : i32 to index
          %parallel_loop3A_241 = arith.constant 0 : index
          %parallel_loop3A_242 = tpu.vector_load %arg14[%parallel_loop3A_240, %parallel_loop3A_241] {strides = array<i32>} : memref<512x16xf32, #tpu.memory_space<vmem>>, vector<16xf32>,
          %parallel_loop3A_243 = arith.index_cast %parallel_loop3A_239 : i32 to index
          %parallel_loop3A_244 = arith.constant 0 : index
          %parallel_loop3A_245 = tpu.vector_load %arg16[%parallel_loop3A_243, %parallel_loop3A_244] {strides = array<i32>} : memref<512x16xf32, #tpu.memory_space<vmem>>, vector<16xf32>,
          %parallel_loop3A_246 = arith.addf %parallel_loop3A_242, %parallel_loop3A_245 : vector<16xf32>
          %parallel_loop3A_247 = arith.constant 17 : i32
          %parallel_loop3A_248 = arith.muli %parallel_loop3A_239, %parallel_loop3A_247 : i32
          %parallel_loop3A_249 = vector.broadcast %parallel_loop3A_248 : i32 to vector<16xi32>
          %parallel_loop3A_250 = arith.addi %parallel_loop3A_249, %iota3A : vector<16xi32>
          tpu.vector_store_idx %arg18[%parallel_loop3A_250], %parallel_loop3A_246 : memref<8704xf32, #tpu.memory_space<vmem>>[vector<16xi32>], vector<16xf32>,
        } {sc.loop_unroll_factor = 8 : i64, sc.parallel_access}
        %parallel_loop3A_209 = arith.constant 0 : i32
        %parallel_loop3A_210 = arith.constant 32 : i32
        %parallel_loop3A_211 = arith.constant 1 : i32
        scf.for %parallel_loop3A_239 = %parallel_loop3A_209 to %parallel_loop3A_210 step %parallel_loop3A_211  : i32 {
          %parallel_loop3A_240 = arith.constant 272 : i32
          %parallel_loop3A_241 = arith.muli %parallel_loop3A_239, %parallel_loop3A_240 : i32
          %parallel_loop3A_242 = vector.broadcast %parallel_loop3A_241 : i32 to vector<16xi32>
          %parallel_loop3A_243 = arith.addi %parallel_loop3A_242, %mul3A_3 : vector<16xi32>
          %parallel_loop3A_244 = arith.constant 16 : i32
          %parallel_loop3A_245 = arith.muli %parallel_loop3A_239, %parallel_loop3A_244 : i32
          %parallel_loop3A_246 = tpu.vector_load_idx %arg18[%parallel_loop3A_243] : memref<8704xf32, #tpu.memory_space<vmem>>[vector<16xi32>], vector<16xf32>,
          %parallel_loop3A_247 = arith.index_cast %parallel_loop3A_245 : i32 to index
          %parallel_loop3A_248 = tpu.vector_load %arg19[%parallel_loop3A_247] {strides = array<i32>} : memref<512xf32, #tpu.memory_space<vmem>>, vector<16xf32>,
          tpu.vector_store %arg19[%parallel_loop3A_247], %parallel_loop3A_246 {strides = array<i32>} : memref<512xf32, #tpu.memory_space<vmem>>, vector<16xf32>,
          %parallel_loop3A_249 = arith.constant 1 : i32
          %parallel_loop3A_250 = vector.broadcast %parallel_loop3A_249 : i32 to vector<16xi32>
          %parallel_loop3A_251 = arith.addi %parallel_loop3A_243, %parallel_loop3A_250 : vector<16xi32>
          %parallel_loop3A_252 = tpu.vector_load_idx %arg18[%parallel_loop3A_251] : memref<8704xf32, #tpu.memory_space<vmem>>[vector<16xi32>], vector<16xf32>,
          %parallel_loop3A_253 = arith.index_cast %parallel_loop3A_245 : i32 to index
          %parallel_loop3A_254 = tpu.vector_load %arg21[%parallel_loop3A_253] {strides = array<i32>} : memref<512xf32, #tpu.memory_space<vmem>>, vector<16xf32>,
          tpu.vector_store %arg21[%parallel_loop3A_253], %parallel_loop3A_252 {strides = array<i32>} : memref<512xf32, #tpu.memory_space<vmem>>, vector<16xf32>,
          %parallel_loop3A_255 = arith.constant 2 : i32
          %parallel_loop3A_256 = vector.broadcast %parallel_loop3A_255 : i32 to vector<16xi32>
          %parallel_loop3A_257 = arith.addi %parallel_loop3A_243, %parallel_loop3A_256 : vector<16xi32>
          %parallel_loop3A_258 = tpu.vector_load_idx %arg18[%parallel_loop3A_257] : memref<8704xf32, #tpu.memory_space<vmem>>[vector<16xi32>], vector<16xf32>,
          %parallel_loop3A_259 = arith.index_cast %parallel_loop3A_245 : i32 to index
          %parallel_loop3A_260 = tpu.vector_load %arg23[%parallel_loop3A_259] {strides = array<i32>} : memref<512xf32, #tpu.memory_space<vmem>>, vector<16xf32>,
          tpu.vector_store %arg23[%parallel_loop3A_259], %parallel_loop3A_258 {strides = array<i32>} : memref<512xf32, #tpu.memory_space<vmem>>, vector<16xf32>,
          %parallel_loop3A_261 = arith.constant 8 : i32
          %parallel_loop3A_262 = arith.divsi %parallel_loop3A_239, %parallel_loop3A_261 : i32
          %parallel_loop3A_263 = arith.constant 0 : i32
          %parallel_loop3A_264 = arith.cmpi sgt, %parallel_loop3A_239, %parallel_loop3A_263 : i32
          %parallel_loop3A_265 = arith.extui %parallel_loop3A_264 : i1 to i32
          %parallel_loop3A_266 = arith.constant 0 : i32
          %parallel_loop3A_267 = arith.cmpi slt, %parallel_loop3A_239, %parallel_loop3A_266 : i32
          %parallel_loop3A_268 = arith.extui %parallel_loop3A_267 : i1 to i32
          %parallel_loop3A_269 = arith.subi %parallel_loop3A_265, %parallel_loop3A_268 : i32
          %parallel_loop3A_270 = arith.constant 0 : i32
          %parallel_loop3A_271 = arith.cmpi sgt, %parallel_loop3A_261, %parallel_loop3A_270 : i32
          %parallel_loop3A_272 = arith.extui %parallel_loop3A_271 : i1 to i32
          %parallel_loop3A_273 = arith.constant 0 : i32
          %parallel_loop3A_274 = arith.cmpi slt, %parallel_loop3A_261, %parallel_loop3A_273 : i32
          %parallel_loop3A_275 = arith.extui %parallel_loop3A_274 : i1 to i32
          %parallel_loop3A_276 = arith.subi %parallel_loop3A_272, %parallel_loop3A_275 : i32
          %parallel_loop3A_277 = arith.cmpi ne, %parallel_loop3A_269, %parallel_loop3A_276 : i32
          %parallel_loop3A_278 = arith.remsi %parallel_loop3A_239, %parallel_loop3A_261 : i32
          %parallel_loop3A_279 = arith.constant 0 : i32
          %parallel_loop3A_280 = arith.cmpi ne, %parallel_loop3A_278, %parallel_loop3A_279 : i32
          %parallel_loop3A_281 = arith.andi %parallel_loop3A_277, %parallel_loop3A_280 : i1
          %parallel_loop3A_282 = arith.constant 1 : i32
          %parallel_loop3A_283 = arith.subi %parallel_loop3A_262, %parallel_loop3A_282 : i32
          %parallel_loop3A_284 = arith.select %parallel_loop3A_281, %parallel_loop3A_283, %parallel_loop3A_262 : i32
          %parallel_loop3A_285 = arith.constant 8 : i32
          %parallel_loop3A_286 = arith.constant 0 : i32
          %parallel_loop3A_287 = arith.cmpi eq, %parallel_loop3A_285, %parallel_loop3A_286 : i32
          %parallel_loop3A_288 = arith.constant 1 : i32
          %parallel_loop3A_289 = arith.select %parallel_loop3A_287, %parallel_loop3A_288, %parallel_loop3A_285 : i32
          %parallel_loop3A_290 = arith.remsi %parallel_loop3A_239, %parallel_loop3A_289 : i32
          %parallel_loop3A_291 = arith.constant 0 : i32
          %parallel_loop3A_292 = arith.cmpi ne, %parallel_loop3A_290, %parallel_loop3A_291 : i32
          %parallel_loop3A_293 = arith.constant 0 : i32
          %parallel_loop3A_294 = arith.cmpi slt, %parallel_loop3A_290, %parallel_loop3A_293 : i32
          %parallel_loop3A_295 = arith.constant 0 : i32
          %parallel_loop3A_296 = arith.cmpi slt, %parallel_loop3A_289, %parallel_loop3A_295 : i32
          %parallel_loop3A_297 = arith.xori %parallel_loop3A_294, %parallel_loop3A_296 : i1
          %parallel_loop3A_298 = arith.andi %parallel_loop3A_297, %parallel_loop3A_292 : i1
          %parallel_loop3A_299 = arith.addi %parallel_loop3A_290, %parallel_loop3A_289 : i32
          %parallel_loop3A_300 = arith.select %parallel_loop3A_298, %parallel_loop3A_299, %parallel_loop3A_290 : i32
          %parallel_loop3A_301 = arith.constant 16 : i32
          %parallel_loop3A_302 = arith.muli %parallel_loop3A_300, %parallel_loop3A_301 : i32
          %parallel_loop3A_303 = arith.constant 3 : i32
          %parallel_loop3A_304 = vector.broadcast %parallel_loop3A_303 : i32 to vector<16xi32>
          %parallel_loop3A_305 = arith.addi %parallel_loop3A_243, %parallel_loop3A_304 : vector<16xi32>
          %parallel_loop3A_306 = tpu.vector_load_idx %arg18[%parallel_loop3A_305] : memref<8704xf32, #tpu.memory_space<vmem>>[vector<16xi32>], vector<16xf32>,
          %parallel_loop3A_307 = arith.constant 0 : i32
          %parallel_loop3A_308 = arith.index_cast %parallel_loop3A_284 : i32 to index
          %parallel_loop3A_309 = arith.index_cast %parallel_loop3A_307 : i32 to index
          %parallel_loop3A_310 = arith.index_cast %parallel_loop3A_302 : i32 to index
          %parallel_loop3A_311 = tpu.vector_load %arg25[%parallel_loop3A_308, %parallel_loop3A_309, %parallel_loop3A_310] {strides = array<i32>} : memref<4x4x128xf32, #tpu.memory_space<vmem>>, vector<16xf32>,
          tpu.vector_store %arg25[%parallel_loop3A_308, %parallel_loop3A_309, %parallel_loop3A_310], %parallel_loop3A_306 {strides = array<i32>} : memref<4x4x128xf32, #tpu.memory_space<vmem>>, vector<16xf32>,
          %parallel_loop3A_312 = arith.constant 6 : i32
          %parallel_loop3A_313 = vector.broadcast %parallel_loop3A_312 : i32 to vector<16xi32>
          %parallel_loop3A_314 = arith.addi %parallel_loop3A_243, %parallel_loop3A_313 : vector<16xi32>
          %parallel_loop3A_315 = tpu.vector_load_idx %arg18[%parallel_loop3A_314] : memref<8704xf32, #tpu.memory_space<vmem>>[vector<16xi32>], vector<16xf32>,
          %parallel_loop3A_316 = arith.constant 0 : i32
          %parallel_loop3A_317 = arith.index_cast %parallel_loop3A_284 : i32 to index
          %parallel_loop3A_318 = arith.index_cast %parallel_loop3A_316 : i32 to index
          %parallel_loop3A_319 = arith.index_cast %parallel_loop3A_302 : i32 to index
          %parallel_loop3A_320 = tpu.vector_load %arg27[%parallel_loop3A_317, %parallel_loop3A_318, %parallel_loop3A_319] {strides = array<i32>} : memref<4x4x128xf32, #tpu.memory_space<vmem>>, vector<16xf32>,
          tpu.vector_store %arg27[%parallel_loop3A_317, %parallel_loop3A_318, %parallel_loop3A_319], %parallel_loop3A_315 {strides = array<i32>} : memref<4x4x128xf32, #tpu.memory_space<vmem>>, vector<16xf32>,
          %parallel_loop3A_321 = arith.constant 4 : i32
          %parallel_loop3A_322 = vector.broadcast %parallel_loop3A_321 : i32 to vector<16xi32>
          %parallel_loop3A_323 = arith.addi %parallel_loop3A_243, %parallel_loop3A_322 : vector<16xi32>
          %parallel_loop3A_324 = tpu.vector_load_idx %arg18[%parallel_loop3A_323] : memref<8704xf32, #tpu.memory_space<vmem>>[vector<16xi32>], vector<16xf32>,
          %parallel_loop3A_325 = arith.constant 1 : i32
          %parallel_loop3A_326 = arith.index_cast %parallel_loop3A_284 : i32 to index
          %parallel_loop3A_327 = arith.index_cast %parallel_loop3A_325 : i32 to index
          %parallel_loop3A_328 = arith.index_cast %parallel_loop3A_302 : i32 to index
          %parallel_loop3A_329 = tpu.vector_load %arg25[%parallel_loop3A_326, %parallel_loop3A_327, %parallel_loop3A_328] {strides = array<i32>} : memref<4x4x128xf32, #tpu.memory_space<vmem>>, vector<16xf32>,
          tpu.vector_store %arg25[%parallel_loop3A_326, %parallel_loop3A_327, %parallel_loop3A_328], %parallel_loop3A_324 {strides = array<i32>} : memref<4x4x128xf32, #tpu.memory_space<vmem>>, vector<16xf32>,
          %parallel_loop3A_330 = arith.constant 7 : i32
          %parallel_loop3A_331 = vector.broadcast %parallel_loop3A_330 : i32 to vector<16xi32>
          %parallel_loop3A_332 = arith.addi %parallel_loop3A_243, %parallel_loop3A_331 : vector<16xi32>
          %parallel_loop3A_333 = tpu.vector_load_idx %arg18[%parallel_loop3A_332] : memref<8704xf32, #tpu.memory_space<vmem>>[vector<16xi32>], vector<16xf32>,
          %parallel_loop3A_334 = arith.constant 1 : i32
          %parallel_loop3A_335 = arith.index_cast %parallel_loop3A_284 : i32 to index
          %parallel_loop3A_336 = arith.index_cast %parallel_loop3A_334 : i32 to index
          %parallel_loop3A_337 = arith.index_cast %parallel_loop3A_302 : i32 to index
          %parallel_loop3A_338 = tpu.vector_load %arg27[%parallel_loop3A_335, %parallel_loop3A_336, %parallel_loop3A_337] {strides = array<i32>} : memref<4x4x128xf32, #tpu.memory_space<vmem>>, vector<16xf32>,
          tpu.vector_store %arg27[%parallel_loop3A_335, %parallel_loop3A_336, %parallel_loop3A_337], %parallel_loop3A_333 {strides = array<i32>} : memref<4x4x128xf32, #tpu.memory_space<vmem>>, vector<16xf32>,
          %parallel_loop3A_339 = arith.constant 5 : i32
          %parallel_loop3A_340 = vector.broadcast %parallel_loop3A_339 : i32 to vector<16xi32>
          %parallel_loop3A_341 = arith.addi %parallel_loop3A_243, %parallel_loop3A_340 : vector<16xi32>
          %parallel_loop3A_342 = tpu.vector_load_idx %arg18[%parallel_loop3A_341] : memref<8704xf32, #tpu.memory_space<vmem>>[vector<16xi32>], vector<16xf32>,
          %parallel_loop3A_343 = arith.constant 2 : i32
          %parallel_loop3A_344 = arith.index_cast %parallel_loop3A_284 : i32 to index
          %parallel_loop3A_345 = arith.index_cast %parallel_loop3A_343 : i32 to index
          %parallel_loop3A_346 = arith.index_cast %parallel_loop3A_302 : i32 to index
          %parallel_loop3A_347 = tpu.vector_load %arg25[%parallel_loop3A_344, %parallel_loop3A_345, %parallel_loop3A_346] {strides = array<i32>} : memref<4x4x128xf32, #tpu.memory_space<vmem>>, vector<16xf32>,
          tpu.vector_store %arg25[%parallel_loop3A_344, %parallel_loop3A_345, %parallel_loop3A_346], %parallel_loop3A_342 {strides = array<i32>} : memref<4x4x128xf32, #tpu.memory_space<vmem>>, vector<16xf32>,
          %parallel_loop3A_348 = arith.constant 8 : i32
          %parallel_loop3A_349 = vector.broadcast %parallel_loop3A_348 : i32 to vector<16xi32>
          %parallel_loop3A_350 = arith.addi %parallel_loop3A_243, %parallel_loop3A_349 : vector<16xi32>
          %parallel_loop3A_351 = tpu.vector_load_idx %arg18[%parallel_loop3A_350] : memref<8704xf32, #tpu.memory_space<vmem>>[vector<16xi32>], vector<16xf32>,
          %parallel_loop3A_352 = arith.constant 2 : i32
          %parallel_loop3A_353 = arith.index_cast %parallel_loop3A_284 : i32 to index
          %parallel_loop3A_354 = arith.index_cast %parallel_loop3A_352 : i32 to index
          %parallel_loop3A_355 = arith.index_cast %parallel_loop3A_302 : i32 to index
          %parallel_loop3A_356 = tpu.vector_load %arg27[%parallel_loop3A_353, %parallel_loop3A_354, %parallel_loop3A_355] {strides = array<i32>} : memref<4x4x128xf32, #tpu.memory_space<vmem>>, vector<16xf32>,
          tpu.vector_store %arg27[%parallel_loop3A_353, %parallel_loop3A_354, %parallel_loop3A_355], %parallel_loop3A_351 {strides = array<i32>} : memref<4x4x128xf32, #tpu.memory_space<vmem>>, vector<16xf32>,
        } {sc.loop_unroll_factor = 2 : i64, sc.parallel_access}
        %mul3A_212 = arith.constant 32 : i32
        %mul3A_213 = arith.muli %add3A_107, %mul3A_212 : i32
        %add3A_214 = arith.addi %add3A, %mul3A_213 : i32
        %mul3A_215 = arith.constant 512 : i32
        %mul3A_216 = arith.muli %add3A_214, %mul3A_215 : i32
        %mul3A_217 = arith.constant 4 : i32
        %mul3A_218 = arith.muli %add3A_214, %mul3A_217 : i32
        %mul3A_219 = arith.constant 4 : i32
        %mul3A_220 = arith.muli %add3A_214, %mul3A_219 : i32
        %dma_start3A_221 = tpu.memref_slice %arg5[%mul3A_216] : memref<3200000xf32, #tpu.memory_space<hbm>> -> memref<512xf32, #tpu.memory_space<hbm>>
        %dma_start3A_222 = tpu.memref_slice %arg5[%mul3A_216] : memref<3200000xf32, #tpu.memory_space<hbm>> -> memref<512xf32, #tpu.memory_space<hbm>>
        tpu.enqueue_dma source(%arg19 : memref<512xf32, #tpu.memory_space<vmem>>) target(%dma_start3A_222 : memref<512xf32, #tpu.memory_space<hbm>>) target_semaphore(%arg37 : memref<!tpu.dma_semaphore, #tpu.memory_space<semaphore_mem>>)
        %dma_start3A_223 = tpu.memref_slice %arg6[%mul3A_216] : memref<3200000xf32, #tpu.memory_space<hbm>> -> memref<512xf32, #tpu.memory_space<hbm>>
        %dma_start3A_224 = tpu.memref_slice %arg6[%mul3A_216] : memref<3200000xf32, #tpu.memory_space<hbm>> -> memref<512xf32, #tpu.memory_space<hbm>>
        tpu.enqueue_dma source(%arg21 : memref<512xf32, #tpu.memory_space<vmem>>) target(%dma_start3A_224 : memref<512xf32, #tpu.memory_space<hbm>>) target_semaphore(%arg37 : memref<!tpu.dma_semaphore, #tpu.memory_space<semaphore_mem>>)
        %dma_start3A_225 = tpu.memref_slice %arg7[%mul3A_216] : memref<3200000xf32, #tpu.memory_space<hbm>> -> memref<512xf32, #tpu.memory_space<hbm>>
        %dma_start3A_226 = tpu.memref_slice %arg7[%mul3A_216] : memref<3200000xf32, #tpu.memory_space<hbm>> -> memref<512xf32, #tpu.memory_space<hbm>>
        tpu.enqueue_dma source(%arg23 : memref<512xf32, #tpu.memory_space<vmem>>) target(%dma_start3A_226 : memref<512xf32, #tpu.memory_space<hbm>>) target_semaphore(%arg37 : memref<!tpu.dma_semaphore, #tpu.memory_space<semaphore_mem>>)
        %dma_start3A_227 = arith.constant 0 : i32
        %dma_start3A_228 = arith.constant 0 : i32
        %dma_start3A_229 = tpu.memref_slice %arg9[%mul3A_218, %dma_start3A_227, %dma_start3A_228] : memref<25000x4x128xf32, #tpu.memory_space<hbm>> -> memref<4x4x128xf32, #tpu.memory_space<hbm>>
        %dma_start3A_230 = arith.constant 0 : i32
        %dma_start3A_231 = arith.constant 0 : i32
        %dma_start3A_232 = tpu.memref_slice %arg9[%mul3A_218, %dma_start3A_230, %dma_start3A_231] : memref<25000x4x128xf32, #tpu.memory_space<hbm>> -> memref<4x4x128xf32, #tpu.memory_space<hbm>>
        tpu.enqueue_dma source(%arg25 : memref<4x4x128xf32, #tpu.memory_space<vmem>>) target(%dma_start3A_232 : memref<4x4x128xf32, #tpu.memory_space<hbm>>) target_semaphore(%arg37 : memref<!tpu.dma_semaphore, #tpu.memory_space<semaphore_mem>>)
        %dma_start3A_233 = arith.constant 0 : i32
        %dma_start3A_234 = arith.constant 0 : i32
        %dma_start3A_235 = tpu.memref_slice %arg8[%mul3A_220, %dma_start3A_233, %dma_start3A_234] : memref<25000x4x128xf32, #tpu.memory_space<hbm>> -> memref<4x4x128xf32, #tpu.memory_space<hbm>>
        %dma_start3A_236 = arith.constant 0 : i32
        %dma_start3A_237 = arith.constant 0 : i32
        %dma_start3A_238 = tpu.memref_slice %arg8[%mul3A_220, %dma_start3A_236, %dma_start3A_237] : memref<25000x4x128xf32, #tpu.memory_space<hbm>> -> memref<4x4x128xf32, #tpu.memory_space<hbm>>
        tpu.enqueue_dma source(%arg27 : memref<4x4x128xf32, #tpu.memory_space<vmem>>) target(%dma_start3A_238 : memref<4x4x128xf32, #tpu.memory_space<hbm>>) target_semaphore(%arg37 : memref<!tpu.dma_semaphore, #tpu.memory_space<semaphore_mem>>)
      } else {
      }
      %mul3A_154 = arith.constant 2 : i32
      %mul3A_155 = arith.muli %mul3A_154, %scan3A_103 : i32
      %add3A_156 = arith.constant 1 : i32
      %add3A_157 = arith.addi %mul3A_155, %add3A_156 : i32
      %mul3A_158 = arith.constant 32 : i32
      %mul3A_159 = arith.muli %add3A_157, %mul3A_158 : i32
      %add3A_160 = arith.addi %add3A, %mul3A_159 : i32
      %lt3A_161 = arith.constant 6250 : i32
      %lt3A_162 = arith.cmpi slt, %add3A_160, %lt3A_161 : i32
      %convert_element_type3A_163 = arith.extui %lt3A_162 : i1 to i32
      %cond3A_164 = arith.constant 0 : i32
      %cond3A_165 = arith.cmpi ne, %convert_element_type3A_163, %cond3A_164 : i32
      scf.if %cond3A_165 {
        %dma_wait3A_207 = arith.constant 0 : i32
        %dma_wait3A_208 = arith.constant 0 : i32
        %dma_wait3A_209 = tpu.memref_slice %arg15[%dma_wait3A_207, %dma_wait3A_208] : memref<512x16xf32, #tpu.memory_space<vmem>> -> memref<128x16xf32, #tpu.memory_space<vmem>>
        %dma_wait3A_210 = arith.constant 0 : i32
        %dma_wait3A_211 = tpu.memref_slice %arg11[%dma_wait3A_210] : memref<512xi32, #tpu.memory_space<vmem>> -> memref<128xi32, #tpu.memory_space<vmem>>
        %dma_wait3A_212 = arith.constant 0 : i32
        %dma_wait3A_213 = arith.constant 0 : i32
        %dma_wait3A_214 = tpu.memref_slice %arg2[%dma_wait3A_212, %dma_wait3A_213] : memref<100000x16xf32, #tpu.memory_space<hbm>> -> memref<100000x16xf32, #tpu.memory_space<hbm>>
        tpu.wait_indirect_dma semaphore(%arg34 : memref<!tpu.dma_semaphore, #tpu.memory_space<semaphore_mem>>) src(%dma_wait3A_214 : memref<100000x16xf32, #tpu.memory_space<hbm>>) dst(%dma_wait3A_209 : memref<128x16xf32, #tpu.memory_space<vmem>>)
        %dma_wait3A_215 = arith.constant 0 : i32
        %dma_wait3A_216 = arith.constant 0 : i32
        %dma_wait3A_217 = tpu.memref_slice %arg17[%dma_wait3A_215, %dma_wait3A_216] : memref<512x16xf32, #tpu.memory_space<vmem>> -> memref<128x16xf32, #tpu.memory_space<vmem>>
        %dma_wait3A_218 = arith.constant 0 : i32
        %dma_wait3A_219 = tpu.memref_slice %arg13[%dma_wait3A_218] : memref<512xi32, #tpu.memory_space<vmem>> -> memref<128xi32, #tpu.memory_space<vmem>>
        %dma_wait3A_220 = arith.constant 0 : i32
        %dma_wait3A_221 = arith.constant 0 : i32
        %dma_wait3A_222 = tpu.memref_slice %arg3[%dma_wait3A_220, %dma_wait3A_221] : memref<100000x16xf32, #tpu.memory_space<hbm>> -> memref<100000x16xf32, #tpu.memory_space<hbm>>
        tpu.wait_indirect_dma semaphore(%arg36 : memref<!tpu.dma_semaphore, #tpu.memory_space<semaphore_mem>>) src(%dma_wait3A_222 : memref<100000x16xf32, #tpu.memory_space<hbm>>) dst(%dma_wait3A_217 : memref<128x16xf32, #tpu.memory_space<vmem>>)
        %dma_wait3A_223 = arith.constant 128 : i32
        %dma_wait3A_224 = arith.constant 0 : i32
        %dma_wait3A_225 = tpu.memref_slice %arg15[%dma_wait3A_223, %dma_wait3A_224] : memref<512x16xf32, #tpu.memory_space<vmem>> -> memref<128x16xf32, #tpu.memory_space<vmem>>
        %dma_wait3A_226 = arith.constant 128 : i32
        %dma_wait3A_227 = tpu.memref_slice %arg11[%dma_wait3A_226] : memref<512xi32, #tpu.memory_space<vmem>> -> memref<128xi32, #tpu.memory_space<vmem>>
        %dma_wait3A_228 = arith.constant 0 : i32
        %dma_wait3A_229 = arith.constant 0 : i32
        %dma_wait3A_230 = tpu.memref_slice %arg2[%dma_wait3A_228, %dma_wait3A_229] : memref<100000x16xf32, #tpu.memory_space<hbm>> -> memref<100000x16xf32, #tpu.memory_space<hbm>>
        tpu.wait_indirect_dma semaphore(%arg34 : memref<!tpu.dma_semaphore, #tpu.memory_space<semaphore_mem>>) src(%dma_wait3A_230 : memref<100000x16xf32, #tpu.memory_space<hbm>>) dst(%dma_wait3A_225 : memref<128x16xf32, #tpu.memory_space<vmem>>)
        %dma_wait3A_231 = arith.constant 128 : i32
        %dma_wait3A_232 = arith.constant 0 : i32
        %dma_wait3A_233 = tpu.memref_slice %arg17[%dma_wait3A_231, %dma_wait3A_232] : memref<512x16xf32, #tpu.memory_space<vmem>> -> memref<128x16xf32, #tpu.memory_space<vmem>>
        %dma_wait3A_234 = arith.constant 128 : i32
        %dma_wait3A_235 = tpu.memref_slice %arg13[%dma_wait3A_234] : memref<512xi32, #tpu.memory_space<vmem>> -> memref<128xi32, #tpu.memory_space<vmem>>
        %dma_wait3A_236 = arith.constant 0 : i32
        %dma_wait3A_237 = arith.constant 0 : i32
        %dma_wait3A_238 = tpu.memref_slice %arg3[%dma_wait3A_236, %dma_wait3A_237] : memref<100000x16xf32, #tpu.memory_space<hbm>> -> memref<100000x16xf32, #tpu.memory_space<hbm>>
        tpu.wait_indirect_dma semaphore(%arg36 : memref<!tpu.dma_semaphore, #tpu.memory_space<semaphore_mem>>) src(%dma_wait3A_238 : memref<100000x16xf32, #tpu.memory_space<hbm>>) dst(%dma_wait3A_233 : memref<128x16xf32, #tpu.memory_space<vmem>>)
        %dma_wait3A_239 = arith.constant 256 : i32
        %dma_wait3A_240 = arith.constant 0 : i32
        %dma_wait3A_241 = tpu.memref_slice %arg15[%dma_wait3A_239, %dma_wait3A_240] : memref<512x16xf32, #tpu.memory_space<vmem>> -> memref<128x16xf32, #tpu.memory_space<vmem>>
        %dma_wait3A_242 = arith.constant 256 : i32
        %dma_wait3A_243 = tpu.memref_slice %arg11[%dma_wait3A_242] : memref<512xi32, #tpu.memory_space<vmem>> -> memref<128xi32, #tpu.memory_space<vmem>>
        %dma_wait3A_244 = arith.constant 0 : i32
        %dma_wait3A_245 = arith.constant 0 : i32
        %dma_wait3A_246 = tpu.memref_slice %arg2[%dma_wait3A_244, %dma_wait3A_245] : memref<100000x16xf32, #tpu.memory_space<hbm>> -> memref<100000x16xf32, #tpu.memory_space<hbm>>
        tpu.wait_indirect_dma semaphore(%arg34 : memref<!tpu.dma_semaphore, #tpu.memory_space<semaphore_mem>>) src(%dma_wait3A_246 : memref<100000x16xf32, #tpu.memory_space<hbm>>) dst(%dma_wait3A_241 : memref<128x16xf32, #tpu.memory_space<vmem>>)
        %dma_wait3A_247 = arith.constant 256 : i32
        %dma_wait3A_248 = arith.constant 0 : i32
        %dma_wait3A_249 = tpu.memref_slice %arg17[%dma_wait3A_247, %dma_wait3A_248] : memref<512x16xf32, #tpu.memory_space<vmem>> -> memref<128x16xf32, #tpu.memory_space<vmem>>
        %dma_wait3A_250 = arith.constant 256 : i32
        %dma_wait3A_251 = tpu.memref_slice %arg13[%dma_wait3A_250] : memref<512xi32, #tpu.memory_space<vmem>> -> memref<128xi32, #tpu.memory_space<vmem>>
        %dma_wait3A_252 = arith.constant 0 : i32
        %dma_wait3A_253 = arith.constant 0 : i32
        %dma_wait3A_254 = tpu.memref_slice %arg3[%dma_wait3A_252, %dma_wait3A_253] : memref<100000x16xf32, #tpu.memory_space<hbm>> -> memref<100000x16xf32, #tpu.memory_space<hbm>>
        tpu.wait_indirect_dma semaphore(%arg36 : memref<!tpu.dma_semaphore, #tpu.memory_space<semaphore_mem>>) src(%dma_wait3A_254 : memref<100000x16xf32, #tpu.memory_space<hbm>>) dst(%dma_wait3A_249 : memref<128x16xf32, #tpu.memory_space<vmem>>)
        %dma_wait3A_255 = arith.constant 384 : i32
        %dma_wait3A_256 = arith.constant 0 : i32
        %dma_wait3A_257 = tpu.memref_slice %arg15[%dma_wait3A_255, %dma_wait3A_256] : memref<512x16xf32, #tpu.memory_space<vmem>> -> memref<128x16xf32, #tpu.memory_space<vmem>>
        %dma_wait3A_258 = arith.constant 384 : i32
        %dma_wait3A_259 = tpu.memref_slice %arg11[%dma_wait3A_258] : memref<512xi32, #tpu.memory_space<vmem>> -> memref<128xi32, #tpu.memory_space<vmem>>
        %dma_wait3A_260 = arith.constant 0 : i32
        %dma_wait3A_261 = arith.constant 0 : i32
        %dma_wait3A_262 = tpu.memref_slice %arg2[%dma_wait3A_260, %dma_wait3A_261] : memref<100000x16xf32, #tpu.memory_space<hbm>> -> memref<100000x16xf32, #tpu.memory_space<hbm>>
        tpu.wait_indirect_dma semaphore(%arg34 : memref<!tpu.dma_semaphore, #tpu.memory_space<semaphore_mem>>) src(%dma_wait3A_262 : memref<100000x16xf32, #tpu.memory_space<hbm>>) dst(%dma_wait3A_257 : memref<128x16xf32, #tpu.memory_space<vmem>>)
        %dma_wait3A_263 = arith.constant 384 : i32
        %dma_wait3A_264 = arith.constant 0 : i32
        %dma_wait3A_265 = tpu.memref_slice %arg17[%dma_wait3A_263, %dma_wait3A_264] : memref<512x16xf32, #tpu.memory_space<vmem>> -> memref<128x16xf32, #tpu.memory_space<vmem>>
        %dma_wait3A_266 = arith.constant 384 : i32
        %dma_wait3A_267 = tpu.memref_slice %arg13[%dma_wait3A_266] : memref<512xi32, #tpu.memory_space<vmem>> -> memref<128xi32, #tpu.memory_space<vmem>>
        %dma_wait3A_268 = arith.constant 0 : i32
        %dma_wait3A_269 = arith.constant 0 : i32
        %dma_wait3A_270 = tpu.memref_slice %arg3[%dma_wait3A_268, %dma_wait3A_269] : memref<100000x16xf32, #tpu.memory_space<hbm>> -> memref<100000x16xf32, #tpu.memory_space<hbm>>
        tpu.wait_indirect_dma semaphore(%arg36 : memref<!tpu.dma_semaphore, #tpu.memory_space<semaphore_mem>>) src(%dma_wait3A_270 : memref<100000x16xf32, #tpu.memory_space<hbm>>) dst(%dma_wait3A_265 : memref<128x16xf32, #tpu.memory_space<vmem>>)
      } else {
      }
      %add3A_166 = arith.constant 2 : i32
      %add3A_167 = arith.addi %add3A_157, %add3A_166 : i32
      %mul3A_168 = arith.constant 32 : i32
      %mul3A_169 = arith.muli %add3A_167, %mul3A_168 : i32
      %add3A_170 = arith.addi %add3A, %mul3A_169 : i32
      %lt3A_171 = arith.constant 6250 : i32
      %lt3A_172 = arith.cmpi slt, %add3A_170, %lt3A_171 : i32
      %convert_element_type3A_173 = arith.extui %lt3A_172 : i1 to i32
      %cond3A_174 = arith.constant 0 : i32
      %cond3A_175 = arith.cmpi ne, %convert_element_type3A_173, %cond3A_174 : i32
      scf.if %cond3A_175 {
        %add3A_207 = arith.constant 2 : i32
        %add3A_208 = arith.addi %add3A_157, %add3A_207 : i32
        %mul3A_209 = arith.constant 32 : i32
        %mul3A_210 = arith.muli %add3A_208, %mul3A_209 : i32
        %add3A_211 = arith.addi %add3A, %mul3A_210 : i32
        %mul3A_212 = arith.constant 512 : i32
        %mul3A_213 = arith.muli %add3A_211, %mul3A_212 : i32
        %dma_start3A_214 = tpu.memref_slice %arg4[%mul3A_213] : memref<6400000xi32, #tpu.memory_space<hbm>> -> memref<512xi32, #tpu.memory_space<hbm>>
        %dma_start3A_215 = tpu.memref_slice %arg4[%mul3A_213] : memref<6400000xi32, #tpu.memory_space<hbm>> -> memref<512xi32, #tpu.memory_space<hbm>>
        tpu.enqueue_dma source(%dma_start3A_215 : memref<512xi32, #tpu.memory_space<hbm>>) target(%arg11 : memref<512xi32, #tpu.memory_space<vmem>>) target_semaphore(%arg30 : memref<!tpu.dma_semaphore, #tpu.memory_space<semaphore_mem>>)
        %add3A_216 = arith.constant 3200000 : i32
        %add3A_217 = arith.addi %add3A_216, %mul3A_213 : i32
        %dma_start3A_218 = tpu.memref_slice %arg4[%add3A_217] : memref<6400000xi32, #tpu.memory_space<hbm>> -> memref<512xi32, #tpu.memory_space<hbm>>
        %dma_start3A_219 = tpu.memref_slice %arg4[%add3A_217] : memref<6400000xi32, #tpu.memory_space<hbm>> -> memref<512xi32, #tpu.memory_space<hbm>>
        tpu.enqueue_dma source(%dma_start3A_219 : memref<512xi32, #tpu.memory_space<hbm>>) target(%arg13 : memref<512xi32, #tpu.memory_space<vmem>>) target_semaphore(%arg32 : memref<!tpu.dma_semaphore, #tpu.memory_space<semaphore_mem>>)
      } else {
      }
      %ge3A_176 = arith.constant 1 : i32
      %ge3A_177 = arith.cmpi sge, %add3A_157, %ge3A_176 : i32
      %sub3A_178 = arith.constant 1 : i32
      %sub3A_179 = arith.subi %add3A_157, %sub3A_178 : i32
      %mul3A_180 = arith.constant 32 : i32
      %mul3A_181 = arith.muli %sub3A_179, %mul3A_180 : i32
      %add3A_182 = arith.addi %add3A, %mul3A_181 : i32
      %lt3A_183 = arith.constant 6250 : i32
      %lt3A_184 = arith.cmpi slt, %add3A_182, %lt3A_183 : i32
      %and3A_185 = arith.andi %ge3A_177, %lt3A_184 : i1
      %convert_element_type3A_186 = arith.extui %and3A_185 : i1 to i32
      %cond3A_187 = arith.constant 0 : i32
      %cond3A_188 = arith.cmpi ne, %convert_element_type3A_186, %cond3A_187 : i32
      scf.if %cond3A_188 {
        %add3A_207 = arith.constant 0 : i32
        %add3A_208 = arith.addi %add3A, %add3A_207 : i32
        %mul3A_209 = arith.constant 512 : i32
        %mul3A_210 = arith.muli %add3A_208, %mul3A_209 : i32
        %mul3A_211 = arith.constant 4 : i32
        %mul3A_212 = arith.muli %add3A_208, %mul3A_211 : i32
        %mul3A_213 = arith.constant 4 : i32
        %mul3A_214 = arith.muli %add3A_208, %mul3A_213 : i32
        %dma_wait3A_215 = tpu.memref_slice %arg5[%mul3A_210] : memref<3200000xf32, #tpu.memory_space<hbm>> -> memref<512xf32, #tpu.memory_space<hbm>>
        %dma_wait3A_216 = tpu.memref_slice %arg5[%mul3A_210] : memref<3200000xf32, #tpu.memory_space<hbm>> -> memref<512xf32, #tpu.memory_space<hbm>>
        tpu.wait_dma2 semaphore(%arg37 : memref<!tpu.dma_semaphore, #tpu.memory_space<semaphore_mem>>) src(%arg19 : memref<512xf32, #tpu.memory_space<vmem>>) dst(%dma_wait3A_216 : memref<512xf32, #tpu.memory_space<hbm>>)
        %dma_wait3A_217 = tpu.memref_slice %arg6[%mul3A_210] : memref<3200000xf32, #tpu.memory_space<hbm>> -> memref<512xf32, #tpu.memory_space<hbm>>
        %dma_wait3A_218 = tpu.memref_slice %arg6[%mul3A_210] : memref<3200000xf32, #tpu.memory_space<hbm>> -> memref<512xf32, #tpu.memory_space<hbm>>
        tpu.wait_dma2 semaphore(%arg37 : memref<!tpu.dma_semaphore, #tpu.memory_space<semaphore_mem>>) src(%arg21 : memref<512xf32, #tpu.memory_space<vmem>>) dst(%dma_wait3A_218 : memref<512xf32, #tpu.memory_space<hbm>>)
        %dma_wait3A_219 = tpu.memref_slice %arg7[%mul3A_210] : memref<3200000xf32, #tpu.memory_space<hbm>> -> memref<512xf32, #tpu.memory_space<hbm>>
        %dma_wait3A_220 = tpu.memref_slice %arg7[%mul3A_210] : memref<3200000xf32, #tpu.memory_space<hbm>> -> memref<512xf32, #tpu.memory_space<hbm>>
        tpu.wait_dma2 semaphore(%arg37 : memref<!tpu.dma_semaphore, #tpu.memory_space<semaphore_mem>>) src(%arg23 : memref<512xf32, #tpu.memory_space<vmem>>) dst(%dma_wait3A_220 : memref<512xf32, #tpu.memory_space<hbm>>)
        %dma_wait3A_221 = arith.constant 0 : i32
        %dma_wait3A_222 = arith.constant 0 : i32
        %dma_wait3A_223 = tpu.memref_slice %arg9[%mul3A_212, %dma_wait3A_221, %dma_wait3A_222] : memref<25000x4x128xf32, #tpu.memory_space<hbm>> -> memref<4x4x128xf32, #tpu.memory_space<hbm>>
        %dma_wait3A_224 = arith.constant 0 : i32
        %dma_wait3A_225 = arith.constant 0 : i32
        %dma_wait3A_226 = tpu.memref_slice %arg9[%mul3A_212, %dma_wait3A_224, %dma_wait3A_225] : memref<25000x4x128xf32, #tpu.memory_space<hbm>> -> memref<4x4x128xf32, #tpu.memory_space<hbm>>
        tpu.wait_dma2 semaphore(%arg37 : memref<!tpu.dma_semaphore, #tpu.memory_space<semaphore_mem>>) src(%arg25 : memref<4x4x128xf32, #tpu.memory_space<vmem>>) dst(%dma_wait3A_226 : memref<4x4x128xf32, #tpu.memory_space<hbm>>)
        %dma_wait3A_227 = arith.constant 0 : i32
        %dma_wait3A_228 = arith.constant 0 : i32
        %dma_wait3A_229 = tpu.memref_slice %arg8[%mul3A_214, %dma_wait3A_227, %dma_wait3A_228] : memref<25000x4x128xf32, #tpu.memory_space<hbm>> -> memref<4x4x128xf32, #tpu.memory_space<hbm>>
        %dma_wait3A_230 = arith.constant 0 : i32
        %dma_wait3A_231 = arith.constant 0 : i32
        %dma_wait3A_232 = tpu.memref_slice %arg8[%mul3A_214, %dma_wait3A_230, %dma_wait3A_231] : memref<25000x4x128xf32, #tpu.memory_space<hbm>> -> memref<4x4x128xf32, #tpu.memory_space<hbm>>
        tpu.wait_dma2 semaphore(%arg37 : memref<!tpu.dma_semaphore, #tpu.memory_space<semaphore_mem>>) src(%arg27 : memref<4x4x128xf32, #tpu.memory_space<vmem>>) dst(%dma_wait3A_232 : memref<4x4x128xf32, #tpu.memory_space<hbm>>)
      } else {
      }
      %add3A_189 = arith.constant 1 : i32
      %add3A_190 = arith.addi %add3A_157, %add3A_189 : i32
      %mul3A_191 = arith.constant 32 : i32
      %mul3A_192 = arith.muli %add3A_190, %mul3A_191 : i32
      %add3A_193 = arith.addi %add3A, %mul3A_192 : i32
      %lt3A_194 = arith.constant 6250 : i32
      %lt3A_195 = arith.cmpi slt, %add3A_193, %lt3A_194 : i32
      %convert_element_type3A_196 = arith.extui %lt3A_195 : i1 to i32
      %cond3A_197 = arith.constant 0 : i32
      %cond3A_198 = arith.cmpi ne, %convert_element_type3A_196, %cond3A_197 : i32
      scf.if %cond3A_198 {
        %dma_wait3A_207 = arith.constant 0 : i32
        %dma_wait3A_208 = tpu.memref_slice %arg4[%dma_wait3A_207] : memref<6400000xi32, #tpu.memory_space<hbm>> -> memref<512xi32, #tpu.memory_space<hbm>>
        %dma_wait3A_209 = arith.constant 0 : i32
        %dma_wait3A_210 = tpu.memref_slice %arg4[%dma_wait3A_209] : memref<6400000xi32, #tpu.memory_space<hbm>> -> memref<512xi32, #tpu.memory_space<hbm>>
        tpu.wait_dma2 semaphore(%arg29 : memref<!tpu.dma_semaphore, #tpu.memory_space<semaphore_mem>>) src(%dma_wait3A_210 : memref<512xi32, #tpu.memory_space<hbm>>) dst(%arg10 : memref<512xi32, #tpu.memory_space<vmem>>)
        %dma_wait3A_211 = arith.constant 0 : i32
        %dma_wait3A_212 = tpu.memref_slice %arg4[%dma_wait3A_211] : memref<6400000xi32, #tpu.memory_space<hbm>> -> memref<512xi32, #tpu.memory_space<hbm>>
        %dma_wait3A_213 = arith.constant 0 : i32
        %dma_wait3A_214 = tpu.memref_slice %arg4[%dma_wait3A_213] : memref<6400000xi32, #tpu.memory_space<hbm>> -> memref<512xi32, #tpu.memory_space<hbm>>
        tpu.wait_dma2 semaphore(%arg31 : memref<!tpu.dma_semaphore, #tpu.memory_space<semaphore_mem>>) src(%dma_wait3A_214 : memref<512xi32, #tpu.memory_space<hbm>>) dst(%arg12 : memref<512xi32, #tpu.memory_space<vmem>>)
        %dma_start3A_215 = arith.constant 0 : i32
        %dma_start3A_216 = arith.constant 0 : i32
        %dma_start3A_217 = tpu.memref_slice %arg14[%dma_start3A_215, %dma_start3A_216] : memref<512x16xf32, #tpu.memory_space<vmem>> -> memref<128x16xf32, #tpu.memory_space<vmem>>
        %dma_start3A_218 = arith.constant 0 : i32
        %dma_start3A_219 = tpu.memref_slice %arg10[%dma_start3A_218] : memref<512xi32, #tpu.memory_space<vmem>> -> memref<128xi32, #tpu.memory_space<vmem>>
        %dma_start3A_220 = arith.constant 0 : i32
        %dma_start3A_221 = arith.constant 0 : i32
        %dma_start3A_222 = tpu.memref_slice %arg2[%dma_start3A_220, %dma_start3A_221] : memref<100000x16xf32, #tpu.memory_space<hbm>> -> memref<100000x16xf32, #tpu.memory_space<hbm>>
        tpu.enqueue_indirect_dma source(%dma_start3A_222 : memref<100000x16xf32, #tpu.memory_space<hbm>>) target(%dma_start3A_217 : memref<128x16xf32, #tpu.memory_space<vmem>>) offsets(%dma_start3A_219 : memref<128xi32, #tpu.memory_space<vmem>>) semaphore(%arg33 : memref<!tpu.dma_semaphore, #tpu.memory_space<semaphore_mem>>)
        %dma_start3A_223 = arith.constant 0 : i32
        %dma_start3A_224 = arith.constant 0 : i32
        %dma_start3A_225 = tpu.memref_slice %arg16[%dma_start3A_223, %dma_start3A_224] : memref<512x16xf32, #tpu.memory_space<vmem>> -> memref<128x16xf32, #tpu.memory_space<vmem>>
        %dma_start3A_226 = arith.constant 0 : i32
        %dma_start3A_227 = tpu.memref_slice %arg12[%dma_start3A_226] : memref<512xi32, #tpu.memory_space<vmem>> -> memref<128xi32, #tpu.memory_space<vmem>>
        %dma_start3A_228 = arith.constant 0 : i32
        %dma_start3A_229 = arith.constant 0 : i32
        %dma_start3A_230 = tpu.memref_slice %arg3[%dma_start3A_228, %dma_start3A_229] : memref<100000x16xf32, #tpu.memory_space<hbm>> -> memref<100000x16xf32, #tpu.memory_space<hbm>>
        tpu.enqueue_indirect_dma source(%dma_start3A_230 : memref<100000x16xf32, #tpu.memory_space<hbm>>) target(%dma_start3A_225 : memref<128x16xf32, #tpu.memory_space<vmem>>) offsets(%dma_start3A_227 : memref<128xi32, #tpu.memory_space<vmem>>) semaphore(%arg35 : memref<!tpu.dma_semaphore, #tpu.memory_space<semaphore_mem>>)
        %dma_start3A_231 = arith.constant 128 : i32
        %dma_start3A_232 = arith.constant 0 : i32
        %dma_start3A_233 = tpu.memref_slice %arg14[%dma_start3A_231, %dma_start3A_232] : memref<512x16xf32, #tpu.memory_space<vmem>> -> memref<128x16xf32, #tpu.memory_space<vmem>>
        %dma_start3A_234 = arith.constant 128 : i32
        %dma_start3A_235 = tpu.memref_slice %arg10[%dma_start3A_234] : memref<512xi32, #tpu.memory_space<vmem>> -> memref<128xi32, #tpu.memory_space<vmem>>
        %dma_start3A_236 = arith.constant 0 : i32
        %dma_start3A_237 = arith.constant 0 : i32
        %dma_start3A_238 = tpu.memref_slice %arg2[%dma_start3A_236, %dma_start3A_237] : memref<100000x16xf32, #tpu.memory_space<hbm>> -> memref<100000x16xf32, #tpu.memory_space<hbm>>
        tpu.enqueue_indirect_dma source(%dma_start3A_238 : memref<100000x16xf32, #tpu.memory_space<hbm>>) target(%dma_start3A_233 : memref<128x16xf32, #tpu.memory_space<vmem>>) offsets(%dma_start3A_235 : memref<128xi32, #tpu.memory_space<vmem>>) semaphore(%arg33 : memref<!tpu.dma_semaphore, #tpu.memory_space<semaphore_mem>>)
        %dma_start3A_239 = arith.constant 128 : i32
        %dma_start3A_240 = arith.constant 0 : i32
        %dma_start3A_241 = tpu.memref_slice %arg16[%dma_start3A_239, %dma_start3A_240] : memref<512x16xf32, #tpu.memory_space<vmem>> -> memref<128x16xf32, #tpu.memory_space<vmem>>
        %dma_start3A_242 = arith.constant 128 : i32
        %dma_start3A_243 = tpu.memref_slice %arg12[%dma_start3A_242] : memref<512xi32, #tpu.memory_space<vmem>> -> memref<128xi32, #tpu.memory_space<vmem>>
        %dma_start3A_244 = arith.constant 0 : i32
        %dma_start3A_245 = arith.constant 0 : i32
        %dma_start3A_246 = tpu.memref_slice %arg3[%dma_start3A_244, %dma_start3A_245] : memref<100000x16xf32, #tpu.memory_space<hbm>> -> memref<100000x16xf32, #tpu.memory_space<hbm>>
        tpu.enqueue_indirect_dma source(%dma_start3A_246 : memref<100000x16xf32, #tpu.memory_space<hbm>>) target(%dma_start3A_241 : memref<128x16xf32, #tpu.memory_space<vmem>>) offsets(%dma_start3A_243 : memref<128xi32, #tpu.memory_space<vmem>>) semaphore(%arg35 : memref<!tpu.dma_semaphore, #tpu.memory_space<semaphore_mem>>)
        %dma_start3A_247 = arith.constant 256 : i32
        %dma_start3A_248 = arith.constant 0 : i32
        %dma_start3A_249 = tpu.memref_slice %arg14[%dma_start3A_247, %dma_start3A_248] : memref<512x16xf32, #tpu.memory_space<vmem>> -> memref<128x16xf32, #tpu.memory_space<vmem>>
        %dma_start3A_250 = arith.constant 256 : i32
        %dma_start3A_251 = tpu.memref_slice %arg10[%dma_start3A_250] : memref<512xi32, #tpu.memory_space<vmem>> -> memref<128xi32, #tpu.memory_space<vmem>>
        %dma_start3A_252 = arith.constant 0 : i32
        %dma_start3A_253 = arith.constant 0 : i32
        %dma_start3A_254 = tpu.memref_slice %arg2[%dma_start3A_252, %dma_start3A_253] : memref<100000x16xf32, #tpu.memory_space<hbm>> -> memref<100000x16xf32, #tpu.memory_space<hbm>>
        tpu.enqueue_indirect_dma source(%dma_start3A_254 : memref<100000x16xf32, #tpu.memory_space<hbm>>) target(%dma_start3A_249 : memref<128x16xf32, #tpu.memory_space<vmem>>) offsets(%dma_start3A_251 : memref<128xi32, #tpu.memory_space<vmem>>) semaphore(%arg33 : memref<!tpu.dma_semaphore, #tpu.memory_space<semaphore_mem>>)
        %dma_start3A_255 = arith.constant 256 : i32
        %dma_start3A_256 = arith.constant 0 : i32
        %dma_start3A_257 = tpu.memref_slice %arg16[%dma_start3A_255, %dma_start3A_256] : memref<512x16xf32, #tpu.memory_space<vmem>> -> memref<128x16xf32, #tpu.memory_space<vmem>>
        %dma_start3A_258 = arith.constant 256 : i32
        %dma_start3A_259 = tpu.memref_slice %arg12[%dma_start3A_258] : memref<512xi32, #tpu.memory_space<vmem>> -> memref<128xi32, #tpu.memory_space<vmem>>
        %dma_start3A_260 = arith.constant 0 : i32
        %dma_start3A_261 = arith.constant 0 : i32
        %dma_start3A_262 = tpu.memref_slice %arg3[%dma_start3A_260, %dma_start3A_261] : memref<100000x16xf32, #tpu.memory_space<hbm>> -> memref<100000x16xf32, #tpu.memory_space<hbm>>
        tpu.enqueue_indirect_dma source(%dma_start3A_262 : memref<100000x16xf32, #tpu.memory_space<hbm>>) target(%dma_start3A_257 : memref<128x16xf32, #tpu.memory_space<vmem>>) offsets(%dma_start3A_259 : memref<128xi32, #tpu.memory_space<vmem>>) semaphore(%arg35 : memref<!tpu.dma_semaphore, #tpu.memory_space<semaphore_mem>>)
        %dma_start3A_263 = arith.constant 384 : i32
        %dma_start3A_264 = arith.constant 0 : i32
        %dma_start3A_265 = tpu.memref_slice %arg14[%dma_start3A_263, %dma_start3A_264] : memref<512x16xf32, #tpu.memory_space<vmem>> -> memref<128x16xf32, #tpu.memory_space<vmem>>
        %dma_start3A_266 = arith.constant 384 : i32
        %dma_start3A_267 = tpu.memref_slice %arg10[%dma_start3A_266] : memref<512xi32, #tpu.memory_space<vmem>> -> memref<128xi32, #tpu.memory_space<vmem>>
        %dma_start3A_268 = arith.constant 0 : i32
        %dma_start3A_269 = arith.constant 0 : i32
        %dma_start3A_270 = tpu.memref_slice %arg2[%dma_start3A_268, %dma_start3A_269] : memref<100000x16xf32, #tpu.memory_space<hbm>> -> memref<100000x16xf32, #tpu.memory_space<hbm>>
        tpu.enqueue_indirect_dma source(%dma_start3A_270 : memref<100000x16xf32, #tpu.memory_space<hbm>>) target(%dma_start3A_265 : memref<128x16xf32, #tpu.memory_space<vmem>>) offsets(%dma_start3A_267 : memref<128xi32, #tpu.memory_space<vmem>>) semaphore(%arg33 : memref<!tpu.dma_semaphore, #tpu.memory_space<semaphore_mem>>)
        %dma_start3A_271 = arith.constant 384 : i32
        %dma_start3A_272 = arith.constant 0 : i32
        %dma_start3A_273 = tpu.memref_slice %arg16[%dma_start3A_271, %dma_start3A_272] : memref<512x16xf32, #tpu.memory_space<vmem>> -> memref<128x16xf32, #tpu.memory_space<vmem>>
        %dma_start3A_274 = arith.constant 384 : i32
        %dma_start3A_275 = tpu.memref_slice %arg12[%dma_start3A_274] : memref<512xi32, #tpu.memory_space<vmem>> -> memref<128xi32, #tpu.memory_space<vmem>>
        %dma_start3A_276 = arith.constant 0 : i32
        %dma_start3A_277 = arith.constant 0 : i32
        %dma_start3A_278 = tpu.memref_slice %arg3[%dma_start3A_276, %dma_start3A_277] : memref<100000x16xf32, #tpu.memory_space<hbm>> -> memref<100000x16xf32, #tpu.memory_space<hbm>>
        tpu.enqueue_indirect_dma source(%dma_start3A_278 : memref<100000x16xf32, #tpu.memory_space<hbm>>) target(%dma_start3A_273 : memref<128x16xf32, #tpu.memory_space<vmem>>) offsets(%dma_start3A_275 : memref<128xi32, #tpu.memory_space<vmem>>) semaphore(%arg35 : memref<!tpu.dma_semaphore, #tpu.memory_space<semaphore_mem>>)
      } else {
      }
      %mul3A_199 = arith.constant 32 : i32
      %mul3A_200 = arith.muli %add3A_157, %mul3A_199 : i32
      %add3A_201 = arith.addi %add3A, %mul3A_200 : i32
      %lt3A_202 = arith.constant 6250 : i32
      %lt3A_203 = arith.cmpi slt, %add3A_201, %lt3A_202 : i32
      %convert_element_type3A_204 = arith.extui %lt3A_203 : i1 to i32
      %cond3A_205 = arith.constant 0 : i32
      %cond3A_206 = arith.cmpi ne, %convert_element_type3A_204, %cond3A_205 : i32
      scf.if %cond3A_206 {
        %parallel_loop3A = arith.constant 0 : i32
        %parallel_loop3A_207 = arith.constant 512 : i32
        %parallel_loop3A_208 = arith.constant 1 : i32
        scf.for %parallel_loop3A_239 = %parallel_loop3A to %parallel_loop3A_207 step %parallel_loop3A_208  : i32 {
          %parallel_loop3A_240 = arith.index_cast %parallel_loop3A_239 : i32 to index
          %parallel_loop3A_241 = arith.constant 0 : index
          %parallel_loop3A_242 = tpu.vector_load %arg15[%parallel_loop3A_240, %parallel_loop3A_241] {strides = array<i32>} : memref<512x16xf32, #tpu.memory_space<vmem>>, vector<16xf32>,
          %parallel_loop3A_243 = arith.index_cast %parallel_loop3A_239 : i32 to index
          %parallel_loop3A_244 = arith.constant 0 : index
          %parallel_loop3A_245 = tpu.vector_load %arg17[%parallel_loop3A_243, %parallel_loop3A_244] {strides = array<i32>} : memref<512x16xf32, #tpu.memory_space<vmem>>, vector<16xf32>,
          %parallel_loop3A_246 = arith.addf %parallel_loop3A_242, %parallel_loop3A_245 : vector<16xf32>
          %parallel_loop3A_247 = arith.constant 17 : i32
          %parallel_loop3A_248 = arith.muli %parallel_loop3A_239, %parallel_loop3A_247 : i32
          %parallel_loop3A_249 = vector.broadcast %parallel_loop3A_248 : i32 to vector<16xi32>
          %parallel_loop3A_250 = arith.addi %parallel_loop3A_249, %iota3A : vector<16xi32>
          tpu.vector_store_idx %arg18[%parallel_loop3A_250], %parallel_loop3A_246 : memref<8704xf32, #tpu.memory_space<vmem>>[vector<16xi32>], vector<16xf32>,
        } {sc.loop_unroll_factor = 8 : i64, sc.parallel_access}
        %parallel_loop3A_209 = arith.constant 0 : i32
        %parallel_loop3A_210 = arith.constant 32 : i32
        %parallel_loop3A_211 = arith.constant 1 : i32
        scf.for %parallel_loop3A_239 = %parallel_loop3A_209 to %parallel_loop3A_210 step %parallel_loop3A_211  : i32 {
          %parallel_loop3A_240 = arith.constant 272 : i32
          %parallel_loop3A_241 = arith.muli %parallel_loop3A_239, %parallel_loop3A_240 : i32
          %parallel_loop3A_242 = vector.broadcast %parallel_loop3A_241 : i32 to vector<16xi32>
          %parallel_loop3A_243 = arith.addi %parallel_loop3A_242, %mul3A_3 : vector<16xi32>
          %parallel_loop3A_244 = arith.constant 16 : i32
          %parallel_loop3A_245 = arith.muli %parallel_loop3A_239, %parallel_loop3A_244 : i32
          %parallel_loop3A_246 = tpu.vector_load_idx %arg18[%parallel_loop3A_243] : memref<8704xf32, #tpu.memory_space<vmem>>[vector<16xi32>], vector<16xf32>,
          %parallel_loop3A_247 = arith.index_cast %parallel_loop3A_245 : i32 to index
          %parallel_loop3A_248 = tpu.vector_load %arg20[%parallel_loop3A_247] {strides = array<i32>} : memref<512xf32, #tpu.memory_space<vmem>>, vector<16xf32>,
          tpu.vector_store %arg20[%parallel_loop3A_247], %parallel_loop3A_246 {strides = array<i32>} : memref<512xf32, #tpu.memory_space<vmem>>, vector<16xf32>,
          %parallel_loop3A_249 = arith.constant 1 : i32
          %parallel_loop3A_250 = vector.broadcast %parallel_loop3A_249 : i32 to vector<16xi32>
          %parallel_loop3A_251 = arith.addi %parallel_loop3A_243, %parallel_loop3A_250 : vector<16xi32>
          %parallel_loop3A_252 = tpu.vector_load_idx %arg18[%parallel_loop3A_251] : memref<8704xf32, #tpu.memory_space<vmem>>[vector<16xi32>], vector<16xf32>,
          %parallel_loop3A_253 = arith.index_cast %parallel_loop3A_245 : i32 to index
          %parallel_loop3A_254 = tpu.vector_load %arg22[%parallel_loop3A_253] {strides = array<i32>} : memref<512xf32, #tpu.memory_space<vmem>>, vector<16xf32>,
          tpu.vector_store %arg22[%parallel_loop3A_253], %parallel_loop3A_252 {strides = array<i32>} : memref<512xf32, #tpu.memory_space<vmem>>, vector<16xf32>,
          %parallel_loop3A_255 = arith.constant 2 : i32
          %parallel_loop3A_256 = vector.broadcast %parallel_loop3A_255 : i32 to vector<16xi32>
          %parallel_loop3A_257 = arith.addi %parallel_loop3A_243, %parallel_loop3A_256 : vector<16xi32>
          %parallel_loop3A_258 = tpu.vector_load_idx %arg18[%parallel_loop3A_257] : memref<8704xf32, #tpu.memory_space<vmem>>[vector<16xi32>], vector<16xf32>,
          %parallel_loop3A_259 = arith.index_cast %parallel_loop3A_245 : i32 to index
          %parallel_loop3A_260 = tpu.vector_load %arg24[%parallel_loop3A_259] {strides = array<i32>} : memref<512xf32, #tpu.memory_space<vmem>>, vector<16xf32>,
          tpu.vector_store %arg24[%parallel_loop3A_259], %parallel_loop3A_258 {strides = array<i32>} : memref<512xf32, #tpu.memory_space<vmem>>, vector<16xf32>,
          %parallel_loop3A_261 = arith.constant 8 : i32
          %parallel_loop3A_262 = arith.divsi %parallel_loop3A_239, %parallel_loop3A_261 : i32
          %parallel_loop3A_263 = arith.constant 0 : i32
          %parallel_loop3A_264 = arith.cmpi sgt, %parallel_loop3A_239, %parallel_loop3A_263 : i32
          %parallel_loop3A_265 = arith.extui %parallel_loop3A_264 : i1 to i32
          %parallel_loop3A_266 = arith.constant 0 : i32
          %parallel_loop3A_267 = arith.cmpi slt, %parallel_loop3A_239, %parallel_loop3A_266 : i32
          %parallel_loop3A_268 = arith.extui %parallel_loop3A_267 : i1 to i32
          %parallel_loop3A_269 = arith.subi %parallel_loop3A_265, %parallel_loop3A_268 : i32
          %parallel_loop3A_270 = arith.constant 0 : i32
          %parallel_loop3A_271 = arith.cmpi sgt, %parallel_loop3A_261, %parallel_loop3A_270 : i32
          %parallel_loop3A_272 = arith.extui %parallel_loop3A_271 : i1 to i32
          %parallel_loop3A_273 = arith.constant 0 : i32
          %parallel_loop3A_274 = arith.cmpi slt, %parallel_loop3A_261, %parallel_loop3A_273 : i32
          %parallel_loop3A_275 = arith.extui %parallel_loop3A_274 : i1 to i32
          %parallel_loop3A_276 = arith.subi %parallel_loop3A_272, %parallel_loop3A_275 : i32
          %parallel_loop3A_277 = arith.cmpi ne, %parallel_loop3A_269, %parallel_loop3A_276 : i32
          %parallel_loop3A_278 = arith.remsi %parallel_loop3A_239, %parallel_loop3A_261 : i32
          %parallel_loop3A_279 = arith.constant 0 : i32
          %parallel_loop3A_280 = arith.cmpi ne, %parallel_loop3A_278, %parallel_loop3A_279 : i32
          %parallel_loop3A_281 = arith.andi %parallel_loop3A_277, %parallel_loop3A_280 : i1
          %parallel_loop3A_282 = arith.constant 1 : i32
          %parallel_loop3A_283 = arith.subi %parallel_loop3A_262, %parallel_loop3A_282 : i32
          %parallel_loop3A_284 = arith.select %parallel_loop3A_281, %parallel_loop3A_283, %parallel_loop3A_262 : i32
          %parallel_loop3A_285 = arith.constant 8 : i32
          %parallel_loop3A_286 = arith.constant 0 : i32
          %parallel_loop3A_287 = arith.cmpi eq, %parallel_loop3A_285, %parallel_loop3A_286 : i32
          %parallel_loop3A_288 = arith.constant 1 : i32
          %parallel_loop3A_289 = arith.select %parallel_loop3A_287, %parallel_loop3A_288, %parallel_loop3A_285 : i32
          %parallel_loop3A_290 = arith.remsi %parallel_loop3A_239, %parallel_loop3A_289 : i32
          %parallel_loop3A_291 = arith.constant 0 : i32
          %parallel_loop3A_292 = arith.cmpi ne, %parallel_loop3A_290, %parallel_loop3A_291 : i32
          %parallel_loop3A_293 = arith.constant 0 : i32
          %parallel_loop3A_294 = arith.cmpi slt, %parallel_loop3A_290, %parallel_loop3A_293 : i32
          %parallel_loop3A_295 = arith.constant 0 : i32
          %parallel_loop3A_296 = arith.cmpi slt, %parallel_loop3A_289, %parallel_loop3A_295 : i32
          %parallel_loop3A_297 = arith.xori %parallel_loop3A_294, %parallel_loop3A_296 : i1
          %parallel_loop3A_298 = arith.andi %parallel_loop3A_297, %parallel_loop3A_292 : i1
          %parallel_loop3A_299 = arith.addi %parallel_loop3A_290, %parallel_loop3A_289 : i32
          %parallel_loop3A_300 = arith.select %parallel_loop3A_298, %parallel_loop3A_299, %parallel_loop3A_290 : i32
          %parallel_loop3A_301 = arith.constant 16 : i32
          %parallel_loop3A_302 = arith.muli %parallel_loop3A_300, %parallel_loop3A_301 : i32
          %parallel_loop3A_303 = arith.constant 3 : i32
          %parallel_loop3A_304 = vector.broadcast %parallel_loop3A_303 : i32 to vector<16xi32>
          %parallel_loop3A_305 = arith.addi %parallel_loop3A_243, %parallel_loop3A_304 : vector<16xi32>
          %parallel_loop3A_306 = tpu.vector_load_idx %arg18[%parallel_loop3A_305] : memref<8704xf32, #tpu.memory_space<vmem>>[vector<16xi32>], vector<16xf32>,
          %parallel_loop3A_307 = arith.constant 0 : i32
          %parallel_loop3A_308 = arith.index_cast %parallel_loop3A_284 : i32 to index
          %parallel_loop3A_309 = arith.index_cast %parallel_loop3A_307 : i32 to index
          %parallel_loop3A_310 = arith.index_cast %parallel_loop3A_302 : i32 to index
          %parallel_loop3A_311 = tpu.vector_load %arg26[%parallel_loop3A_308, %parallel_loop3A_309, %parallel_loop3A_310] {strides = array<i32>} : memref<4x4x128xf32, #tpu.memory_space<vmem>>, vector<16xf32>,
          tpu.vector_store %arg26[%parallel_loop3A_308, %parallel_loop3A_309, %parallel_loop3A_310], %parallel_loop3A_306 {strides = array<i32>} : memref<4x4x128xf32, #tpu.memory_space<vmem>>, vector<16xf32>,
          %parallel_loop3A_312 = arith.constant 6 : i32
          %parallel_loop3A_313 = vector.broadcast %parallel_loop3A_312 : i32 to vector<16xi32>
          %parallel_loop3A_314 = arith.addi %parallel_loop3A_243, %parallel_loop3A_313 : vector<16xi32>
          %parallel_loop3A_315 = tpu.vector_load_idx %arg18[%parallel_loop3A_314] : memref<8704xf32, #tpu.memory_space<vmem>>[vector<16xi32>], vector<16xf32>,
          %parallel_loop3A_316 = arith.constant 0 : i32
          %parallel_loop3A_317 = arith.index_cast %parallel_loop3A_284 : i32 to index
          %parallel_loop3A_318 = arith.index_cast %parallel_loop3A_316 : i32 to index
          %parallel_loop3A_319 = arith.index_cast %parallel_loop3A_302 : i32 to index
          %parallel_loop3A_320 = tpu.vector_load %arg28[%parallel_loop3A_317, %parallel_loop3A_318, %parallel_loop3A_319] {strides = array<i32>} : memref<4x4x128xf32, #tpu.memory_space<vmem>>, vector<16xf32>,
          tpu.vector_store %arg28[%parallel_loop3A_317, %parallel_loop3A_318, %parallel_loop3A_319], %parallel_loop3A_315 {strides = array<i32>} : memref<4x4x128xf32, #tpu.memory_space<vmem>>, vector<16xf32>,
          %parallel_loop3A_321 = arith.constant 4 : i32
          %parallel_loop3A_322 = vector.broadcast %parallel_loop3A_321 : i32 to vector<16xi32>
          %parallel_loop3A_323 = arith.addi %parallel_loop3A_243, %parallel_loop3A_322 : vector<16xi32>
          %parallel_loop3A_324 = tpu.vector_load_idx %arg18[%parallel_loop3A_323] : memref<8704xf32, #tpu.memory_space<vmem>>[vector<16xi32>], vector<16xf32>,
          %parallel_loop3A_325 = arith.constant 1 : i32
          %parallel_loop3A_326 = arith.index_cast %parallel_loop3A_284 : i32 to index
          %parallel_loop3A_327 = arith.index_cast %parallel_loop3A_325 : i32 to index
          %parallel_loop3A_328 = arith.index_cast %parallel_loop3A_302 : i32 to index
          %parallel_loop3A_329 = tpu.vector_load %arg26[%parallel_loop3A_326, %parallel_loop3A_327, %parallel_loop3A_328] {strides = array<i32>} : memref<4x4x128xf32, #tpu.memory_space<vmem>>, vector<16xf32>,
          tpu.vector_store %arg26[%parallel_loop3A_326, %parallel_loop3A_327, %parallel_loop3A_328], %parallel_loop3A_324 {strides = array<i32>} : memref<4x4x128xf32, #tpu.memory_space<vmem>>, vector<16xf32>,
          %parallel_loop3A_330 = arith.constant 7 : i32
          %parallel_loop3A_331 = vector.broadcast %parallel_loop3A_330 : i32 to vector<16xi32>
          %parallel_loop3A_332 = arith.addi %parallel_loop3A_243, %parallel_loop3A_331 : vector<16xi32>
          %parallel_loop3A_333 = tpu.vector_load_idx %arg18[%parallel_loop3A_332] : memref<8704xf32, #tpu.memory_space<vmem>>[vector<16xi32>], vector<16xf32>,
          %parallel_loop3A_334 = arith.constant 1 : i32
          %parallel_loop3A_335 = arith.index_cast %parallel_loop3A_284 : i32 to index
          %parallel_loop3A_336 = arith.index_cast %parallel_loop3A_334 : i32 to index
          %parallel_loop3A_337 = arith.index_cast %parallel_loop3A_302 : i32 to index
          %parallel_loop3A_338 = tpu.vector_load %arg28[%parallel_loop3A_335, %parallel_loop3A_336, %parallel_loop3A_337] {strides = array<i32>} : memref<4x4x128xf32, #tpu.memory_space<vmem>>, vector<16xf32>,
          tpu.vector_store %arg28[%parallel_loop3A_335, %parallel_loop3A_336, %parallel_loop3A_337], %parallel_loop3A_333 {strides = array<i32>} : memref<4x4x128xf32, #tpu.memory_space<vmem>>, vector<16xf32>,
          %parallel_loop3A_339 = arith.constant 5 : i32
          %parallel_loop3A_340 = vector.broadcast %parallel_loop3A_339 : i32 to vector<16xi32>
          %parallel_loop3A_341 = arith.addi %parallel_loop3A_243, %parallel_loop3A_340 : vector<16xi32>
          %parallel_loop3A_342 = tpu.vector_load_idx %arg18[%parallel_loop3A_341] : memref<8704xf32, #tpu.memory_space<vmem>>[vector<16xi32>], vector<16xf32>,
          %parallel_loop3A_343 = arith.constant 2 : i32
          %parallel_loop3A_344 = arith.index_cast %parallel_loop3A_284 : i32 to index
          %parallel_loop3A_345 = arith.index_cast %parallel_loop3A_343 : i32 to index
          %parallel_loop3A_346 = arith.index_cast %parallel_loop3A_302 : i32 to index
          %parallel_loop3A_347 = tpu.vector_load %arg26[%parallel_loop3A_344, %parallel_loop3A_345, %parallel_loop3A_346] {strides = array<i32>} : memref<4x4x128xf32, #tpu.memory_space<vmem>>, vector<16xf32>,
          tpu.vector_store %arg26[%parallel_loop3A_344, %parallel_loop3A_345, %parallel_loop3A_346], %parallel_loop3A_342 {strides = array<i32>} : memref<4x4x128xf32, #tpu.memory_space<vmem>>, vector<16xf32>,
          %parallel_loop3A_348 = arith.constant 8 : i32
          %parallel_loop3A_349 = vector.broadcast %parallel_loop3A_348 : i32 to vector<16xi32>
          %parallel_loop3A_350 = arith.addi %parallel_loop3A_243, %parallel_loop3A_349 : vector<16xi32>
          %parallel_loop3A_351 = tpu.vector_load_idx %arg18[%parallel_loop3A_350] : memref<8704xf32, #tpu.memory_space<vmem>>[vector<16xi32>], vector<16xf32>,
          %parallel_loop3A_352 = arith.constant 2 : i32
          %parallel_loop3A_353 = arith.index_cast %parallel_loop3A_284 : i32 to index
          %parallel_loop3A_354 = arith.index_cast %parallel_loop3A_352 : i32 to index
          %parallel_loop3A_355 = arith.index_cast %parallel_loop3A_302 : i32 to index
          %parallel_loop3A_356 = tpu.vector_load %arg28[%parallel_loop3A_353, %parallel_loop3A_354, %parallel_loop3A_355] {strides = array<i32>} : memref<4x4x128xf32, #tpu.memory_space<vmem>>, vector<16xf32>,
          tpu.vector_store %arg28[%parallel_loop3A_353, %parallel_loop3A_354, %parallel_loop3A_355], %parallel_loop3A_351 {strides = array<i32>} : memref<4x4x128xf32, #tpu.memory_space<vmem>>, vector<16xf32>,
        } {sc.loop_unroll_factor = 2 : i64, sc.parallel_access}
        %mul3A_212 = arith.constant 32 : i32
        %mul3A_213 = arith.muli %add3A_157, %mul3A_212 : i32
        %add3A_214 = arith.addi %add3A, %mul3A_213 : i32
        %mul3A_215 = arith.constant 512 : i32
        %mul3A_216 = arith.muli %add3A_214, %mul3A_215 : i32
        %mul3A_217 = arith.constant 4 : i32
        %mul3A_218 = arith.muli %add3A_214, %mul3A_217 : i32
        %mul3A_219 = arith.constant 4 : i32
        %mul3A_220 = arith.muli %add3A_214, %mul3A_219 : i32
        %dma_start3A_221 = tpu.memref_slice %arg5[%mul3A_216] : memref<3200000xf32, #tpu.memory_space<hbm>> -> memref<512xf32, #tpu.memory_space<hbm>>
        %dma_start3A_222 = tpu.memref_slice %arg5[%mul3A_216] : memref<3200000xf32, #tpu.memory_space<hbm>> -> memref<512xf32, #tpu.memory_space<hbm>>
        tpu.enqueue_dma source(%arg20 : memref<512xf32, #tpu.memory_space<vmem>>) target(%dma_start3A_222 : memref<512xf32, #tpu.memory_space<hbm>>) target_semaphore(%arg38 : memref<!tpu.dma_semaphore, #tpu.memory_space<semaphore_mem>>)
        %dma_start3A_223 = tpu.memref_slice %arg6[%mul3A_216] : memref<3200000xf32, #tpu.memory_space<hbm>> -> memref<512xf32, #tpu.memory_space<hbm>>
        %dma_start3A_224 = tpu.memref_slice %arg6[%mul3A_216] : memref<3200000xf32, #tpu.memory_space<hbm>> -> memref<512xf32, #tpu.memory_space<hbm>>
        tpu.enqueue_dma source(%arg22 : memref<512xf32, #tpu.memory_space<vmem>>) target(%dma_start3A_224 : memref<512xf32, #tpu.memory_space<hbm>>) target_semaphore(%arg38 : memref<!tpu.dma_semaphore, #tpu.memory_space<semaphore_mem>>)
        %dma_start3A_225 = tpu.memref_slice %arg7[%mul3A_216] : memref<3200000xf32, #tpu.memory_space<hbm>> -> memref<512xf32, #tpu.memory_space<hbm>>
        %dma_start3A_226 = tpu.memref_slice %arg7[%mul3A_216] : memref<3200000xf32, #tpu.memory_space<hbm>> -> memref<512xf32, #tpu.memory_space<hbm>>
        tpu.enqueue_dma source(%arg24 : memref<512xf32, #tpu.memory_space<vmem>>) target(%dma_start3A_226 : memref<512xf32, #tpu.memory_space<hbm>>) target_semaphore(%arg38 : memref<!tpu.dma_semaphore, #tpu.memory_space<semaphore_mem>>)
        %dma_start3A_227 = arith.constant 0 : i32
        %dma_start3A_228 = arith.constant 0 : i32
        %dma_start3A_229 = tpu.memref_slice %arg9[%mul3A_218, %dma_start3A_227, %dma_start3A_228] : memref<25000x4x128xf32, #tpu.memory_space<hbm>> -> memref<4x4x128xf32, #tpu.memory_space<hbm>>
        %dma_start3A_230 = arith.constant 0 : i32
        %dma_start3A_231 = arith.constant 0 : i32
        %dma_start3A_232 = tpu.memref_slice %arg9[%mul3A_218, %dma_start3A_230, %dma_start3A_231] : memref<25000x4x128xf32, #tpu.memory_space<hbm>> -> memref<4x4x128xf32, #tpu.memory_space<hbm>>
        tpu.enqueue_dma source(%arg26 : memref<4x4x128xf32, #tpu.memory_space<vmem>>) target(%dma_start3A_232 : memref<4x4x128xf32, #tpu.memory_space<hbm>>) target_semaphore(%arg38 : memref<!tpu.dma_semaphore, #tpu.memory_space<semaphore_mem>>)
        %dma_start3A_233 = arith.constant 0 : i32
        %dma_start3A_234 = arith.constant 0 : i32
        %dma_start3A_235 = tpu.memref_slice %arg8[%mul3A_220, %dma_start3A_233, %dma_start3A_234] : memref<25000x4x128xf32, #tpu.memory_space<hbm>> -> memref<4x4x128xf32, #tpu.memory_space<hbm>>
        %dma_start3A_236 = arith.constant 0 : i32
        %dma_start3A_237 = arith.constant 0 : i32
        %dma_start3A_238 = tpu.memref_slice %arg8[%mul3A_220, %dma_start3A_236, %dma_start3A_237] : memref<25000x4x128xf32, #tpu.memory_space<hbm>> -> memref<4x4x128xf32, #tpu.memory_space<hbm>>
        tpu.enqueue_dma source(%arg28 : memref<4x4x128xf32, #tpu.memory_space<vmem>>) target(%dma_start3A_238 : memref<4x4x128xf32, #tpu.memory_space<hbm>>) target_semaphore(%arg38 : memref<!tpu.dma_semaphore, #tpu.memory_space<semaphore_mem>>)
      } else {
      }
    }
    %scan3A_98 = arith.constant 98 : i32
    %add3A_99 = arith.constant 6240 : i32
    %add3A_100 = arith.addi %add3A, %add3A_99 : i32
    %lt3A = arith.constant 6250 : i32
    %lt3A_101 = arith.cmpi slt, %add3A_100, %lt3A : i32
    %convert_element_type3A = arith.extui %lt3A_101 : i1 to i32
    %cond3A = arith.constant 0 : i32
    %cond3A_102 = arith.cmpi ne, %convert_element_type3A, %cond3A : i32
    scf.if %cond3A_102 {
      %add3A_103 = arith.constant 0 : i32
      %add3A_104 = arith.addi %add3A, %add3A_103 : i32
      %mul3A_105 = arith.constant 512 : i32
      %mul3A_106 = arith.muli %add3A_104, %mul3A_105 : i32
      %mul3A_107 = arith.constant 4 : i32
      %mul3A_108 = arith.muli %add3A_104, %mul3A_107 : i32
      %mul3A_109 = arith.constant 4 : i32
      %mul3A_110 = arith.muli %add3A_104, %mul3A_109 : i32
      %dma_wait3A_111 = tpu.memref_slice %arg5[%mul3A_106] : memref<3200000xf32, #tpu.memory_space<hbm>> -> memref<512xf32, #tpu.memory_space<hbm>>
      %dma_wait3A_112 = tpu.memref_slice %arg5[%mul3A_106] : memref<3200000xf32, #tpu.memory_space<hbm>> -> memref<512xf32, #tpu.memory_space<hbm>>
      tpu.wait_dma2 semaphore(%arg38 : memref<!tpu.dma_semaphore, #tpu.memory_space<semaphore_mem>>) src(%arg20 : memref<512xf32, #tpu.memory_space<vmem>>) dst(%dma_wait3A_112 : memref<512xf32, #tpu.memory_space<hbm>>)
      %dma_wait3A_113 = tpu.memref_slice %arg6[%mul3A_106] : memref<3200000xf32, #tpu.memory_space<hbm>> -> memref<512xf32, #tpu.memory_space<hbm>>
      %dma_wait3A_114 = tpu.memref_slice %arg6[%mul3A_106] : memref<3200000xf32, #tpu.memory_space<hbm>> -> memref<512xf32, #tpu.memory_space<hbm>>
      tpu.wait_dma2 semaphore(%arg38 : memref<!tpu.dma_semaphore, #tpu.memory_space<semaphore_mem>>) src(%arg22 : memref<512xf32, #tpu.memory_space<vmem>>) dst(%dma_wait3A_114 : memref<512xf32, #tpu.memory_space<hbm>>)
      %dma_wait3A_115 = tpu.memref_slice %arg7[%mul3A_106] : memref<3200000xf32, #tpu.memory_space<hbm>> -> memref<512xf32, #tpu.memory_space<hbm>>
      %dma_wait3A_116 = tpu.memref_slice %arg7[%mul3A_106] : memref<3200000xf32, #tpu.memory_space<hbm>> -> memref<512xf32, #tpu.memory_space<hbm>>
      tpu.wait_dma2 semaphore(%arg38 : memref<!tpu.dma_semaphore, #tpu.memory_space<semaphore_mem>>) src(%arg24 : memref<512xf32, #tpu.memory_space<vmem>>) dst(%dma_wait3A_116 : memref<512xf32, #tpu.memory_space<hbm>>)
      %dma_wait3A_117 = arith.constant 0 : i32
      %dma_wait3A_118 = arith.constant 0 : i32
      %dma_wait3A_119 = tpu.memref_slice %arg9[%mul3A_108, %dma_wait3A_117, %dma_wait3A_118] : memref<25000x4x128xf32, #tpu.memory_space<hbm>> -> memref<4x4x128xf32, #tpu.memory_space<hbm>>
      %dma_wait3A_120 = arith.constant 0 : i32
      %dma_wait3A_121 = arith.constant 0 : i32
      %dma_wait3A_122 = tpu.memref_slice %arg9[%mul3A_108, %dma_wait3A_120, %dma_wait3A_121] : memref<25000x4x128xf32, #tpu.memory_space<hbm>> -> memref<4x4x128xf32, #tpu.memory_space<hbm>>
      tpu.wait_dma2 semaphore(%arg38 : memref<!tpu.dma_semaphore, #tpu.memory_space<semaphore_mem>>) src(%arg26 : memref<4x4x128xf32, #tpu.memory_space<vmem>>) dst(%dma_wait3A_122 : memref<4x4x128xf32, #tpu.memory_space<hbm>>)
      %dma_wait3A_123 = arith.constant 0 : i32
      %dma_wait3A_124 = arith.constant 0 : i32
      %dma_wait3A_125 = tpu.memref_slice %arg8[%mul3A_110, %dma_wait3A_123, %dma_wait3A_124] : memref<25000x4x128xf32, #tpu.memory_space<hbm>> -> memref<4x4x128xf32, #tpu.memory_space<hbm>>
      %dma_wait3A_126 = arith.constant 0 : i32
      %dma_wait3A_127 = arith.constant 0 : i32
      %dma_wait3A_128 = tpu.memref_slice %arg8[%mul3A_110, %dma_wait3A_126, %dma_wait3A_127] : memref<25000x4x128xf32, #tpu.memory_space<hbm>> -> memref<4x4x128xf32, #tpu.memory_space<hbm>>
      tpu.wait_dma2 semaphore(%arg38 : memref<!tpu.dma_semaphore, #tpu.memory_space<semaphore_mem>>) src(%arg28 : memref<4x4x128xf32, #tpu.memory_space<vmem>>) dst(%dma_wait3A_128 : memref<4x4x128xf32, #tpu.memory_space<hbm>>)
    } else {
    }
    return
  }
}

</mosaic_0001>

<sc_bundles>
// kernel: kernel.4.cloned.1.call-start
scs
__scs_entry_jumppad:
0x0: {  	(pc) =	sbr.rel $0x88, $3  }
0x1: {  	(tag) =	ssettag $0x0;
	lr =	simm.s32 $0x1  }
0x2: {  	[smem:$0x3F9B] =	sst lr;
	_ =	strace $0xD0000000  }
0x3: {  	_ = 	snop  }
0x4: {  	_ = 	snop  }
0x5: {  	_ = 	snop  }
0x6: {  	_ = 	snop  }
0x7: {  	_ = 	snop  }
__scs_overlays_trampoline_lowered:
0x8: {  	[smem:$0x3FAA] =	sst s0  }
0x9: {  	[smem:$0x3FAB] =	sst s1  }
0xa: {  	[smem:$0x3FAC] =	sst s2  }
0xb: {  	[smem:$0x3FAD] =	sst s3  }
0xc: {  	[smem:$0x3FAE] =	sst s4  }
0xd: {  	[smem:$0x3FAF] =	sst s5  }
0xe: {  	[smem:$0x3FB0] =	sst s6  }
0xf: {  	[smem:$0x3FB1] =	sst s7  }
0x10: {  	[smem:$0x3FB2] =	sst s8  }
0x11: {  	[smem:$0x3FB3] =	sst s9;
	s0 =	simm.s32 @!p0 $0x0  }
0x12: {  	s1 =	sld [smem:$0x3F99];
	s0 =	simm.s32 @p0 $0x1  }
0x13: {  	[smem:$0x3FB4] =	sst s0;
	s0 =	simm.s32 @!p1 $0x0  }
0x14: {  	s2 =	sld [smem:$0x3F98];
	s0 =	simm.s32 @p1 $0x1  }
0x15: {  	[smem:$0x3FB5] =	sst s0;
	s0 =	simm.s32 @!p2 $0x0  }
0x16: {  	s3 =	sld [smem:$0x3FDB];
	s0 =	simm.s32 @p2 $0x1  }
0x17: {  	s4 =	simm.s32 $0x1BF5;
	[smem:$0x3FB7] =	sst s0  }
0x18: {  	s0 =	sld [smem:$0x3F9A];
	_ =	swait.ge [sflag:s4], $0x0  }
0x19: {  	s7 =	sld [smem:$0x3F9B]  }
0x1a: {  	s8 =	sadd.s32 $0xFFFFE003, lr  }
0x1b: {  	s9 =	sadd.s32 $0xFFFFFEF7, lr;
	s5 =	simm.s32 $0xFFFFFFFF;
	p2 =	slt.u32 s8, $0xFFFFF086  }
0x1c: {  	p1 =	slt.u32 s9, $0xF7A;
	s5 =	simm.s32 @!p2 $0x0  }
0x1d: {  	s5 =	simm.s32 @p1 $0x1;
	p0 =	seq.s32 s7, s2  }
0x1e: {  	s7 =	smul.u32 @!p0 $0xF7A, s2;
	p2 =	seq.s32 @!p0 s5, $0x0  }
0x1f: {  	s9 =	smul.u32 $0xF7A, s1;
	s8 =	simm.s32 @!p0 $0x1BF5;
	p2 =	por !p2, p0  }
0x20: {  	[sflag:s8] =	ssyncset.s32 @!p0 $0xFFFFF086;
	s6 =	sadd.s32 @!p0 s3, s7;
	s7 =	simm.s32 @!p0 $0x108  }
0x21: {  	s3 =	sadd.s32 s3, s9;
	s6 =	sadd.s32 @!p0 $0x88, s6;
	s7 =	simm.s32 @p2 $0x1082  }
0x22: {  	[simem:s7], [sflag:s8] =	dma.local @!p0 [hbm:s6], $0xF7A  }
0x23: {  	s9 =	sor.u32 $0xD0000000, s2;
	s6 =	simm.s32 $0x108;
	_ =	swait.ge @!p0 [sflag:s8], $0x0  }
0x24: {  	s3 =	sadd.s32 $0x88, s3;
	s6 =	simm.s32 @!p1 $0x1082;
	[sflag:s4] =	ssyncset.s32 $0xFFFFF086  }
0x25: {  	[simem:s6], [sflag:s4] =	dma.local [hbm:s3], $0xF7A  }
0x26: {  	[smem:$0x3F9B] =	sst s1;
	(tag) =	ssettag s2;
	_ =	strace s9  }
0x27: {  	s1 =	sld [smem:$0x3FAB]  }
0x28: {  	s2 =	sld [smem:$0x3FAC]  }
0x29: {  	s4 =	sld [smem:$0x3FAE]  }
0x2a: {  	p0 =	seq.s32 s5, $0x0;
	s5 =	sld [smem:$0x3FAF]  }
0x2b: {  	s6 =	sld [smem:$0x3FB0]  }
0x2c: {  	s7 =	sld [smem:$0x3FB1]  }
0x2d: {  	s3 =	simm.s32 $0x108;
	s8 =	sld [smem:$0x3FB2]  }
0x2e: {  	s3 =	simm.s32 @!p0 $0x1082;
	s9 =	sld [smem:$0x3FB3]  }
0x2f: {  	lr =	sadd.s32 s0, s3;
	s0 =	sld [smem:$0x3FAA]  }
0x30: {  	s3 =	sld [smem:$0x3FAD]  }
0x31: {  	[smem:$0x3FB6] =	sst s10  }
0x32: {  	s10 =	sld [smem:$0x3FB4];
	_ =	sdelay $0x3  }
0x33: {  	p0 =	seq.s32 s10, $0x1;
	s10 =	sld [smem:$0x3FB6];
	_ =	sdelay $0x3  }
0x34: {  	[smem:$0x3FB6] =	sst s10  }
0x35: {  	s10 =	sld [smem:$0x3FB5];
	_ =	sdelay $0x3  }
0x36: {  	p1 =	seq.s32 s10, $0x1;
	s10 =	sld [smem:$0x3FB6];
	_ =	sdelay $0x3  }
0x37: {  	[smem:$0x3FB6] =	sst s10  }
0x38: {  	s10 =	sld [smem:$0x3FB7]  }
0x39: {  	_ = 	snop;
	(pc) =	sbr.ind lr, $3  }
0x3a: {  	_ = 	snop  }
0x3b: {  	_ = 	snop  }
0x3c: {  	p2 =	seq.s32 s10, $0x1;
	s10 =	sld [smem:$0x3FB6]  }
0x3d: {  	_ =	shalt  }
0x3e: {  	_ =	shalt  }
0x3f: {  	_ =	shalt  }
0x40: {  	_ =	shalt  }
0x41: {  	_ =	shalt  }
0x42: {  	_ =	shalt  }
0x43: {  	_ =	shalt  }
0x44: {  	_ =	shalt  }
0x45: {  	_ =	shalt  }
0x46: {  	_ =	shalt  }
0x47: {  	_ =	shalt  }
0x48: {  	_ =	shalt  }
0x49: {  	_ =	shalt  }
0x4a: {  	_ =	shalt  }
0x4b: {  	_ =	shalt  }
0x4c: {  	_ =	shalt  }
0x4d: {  	_ =	shalt  }
0x4e: {  	_ =	shalt  }
0x4f: {  	_ =	shalt  }
0x50: {  	_ =	shalt  }
0x51: {  	_ =	shalt  }
0x52: {  	_ =	shalt  }
0x53: {  	_ =	shalt  }
0x54: {  	_ =	shalt  }
0x55: {  	_ =	shalt  }
0x56: {  	_ =	shalt  }
0x57: {  	_ =	shalt  }
0x58: {  	_ =	shalt  }
0x59: {  	_ =	shalt  }
0x5a: {  	_ =	shalt  }
0x5b: {  	_ =	shalt  }
0x5c: {  	_ =	shalt  }
0x5d: {  	_ =	shalt  }
0x5e: {  	_ =	shalt  }
0x5f: {  	_ =	shalt  }
0x60: {  	_ =	shalt  }
0x61: {  	_ =	shalt  }
0x62: {  	_ =	shalt  }
0x63: {  	_ =	shalt  }
0x64: {  	_ =	shalt  }
0x65: {  	_ =	shalt  }
0x66: {  	_ =	shalt  }
0x67: {  	_ =	shalt  }
0x68: {  	_ =	shalt  }
0x69: {  	_ =	shalt  }
0x6a: {  	_ =	shalt  }
0x6b: {  	_ =	shalt  }
0x6c: {  	_ =	shalt  }
0x6d: {  	_ =	shalt  }
0x6e: {  	_ =	shalt  }
0x6f: {  	_ =	shalt  }
0x70: {  	_ =	shalt  }
0x71: {  	_ =	shalt  }
0x72: {  	_ =	shalt  }
0x73: {  	_ =	shalt  }
0x74: {  	_ =	shalt  }
0x75: {  	_ =	shalt  }
0x76: {  	_ =	shalt  }
0x77: {  	_ =	shalt  }
0x78: {  	_ =	shalt  }
0x79: {  	_ =	shalt  }
0x7a: {  	_ =	shalt  }
0x7b: {  	_ =	shalt  }
0x7c: {  	_ =	shalt  }
0x7d: {  	_ =	shalt  }
0x7e: {  	_ =	shalt  }
0x7f: {  	_ =	shalt  }
0x80: {  	_ =	shalt  }
0x81: {  	_ =	shalt  }
0x82: {  	_ =	shalt  }
0x83: {  	_ =	shalt  }
0x84: {  	_ =	shalt  }
0x85: {  	_ =	shalt  }
0x86: {  	_ =	shalt  }
0x87: {  	_ =	shalt  }
.Lfunc_end0:
.L_simem_size_0:
called_computation_lowered:
.L_overlay_start_0:
0x88: {  	s2 =	sld [smem:$0x3FD9]  }
0x89: {  	s3 =	sld [smem:$0x3FFE];
	_ =	sdelay $0x1  }
0x8a: {  	s1 =	srdreg.scid  }
0x8b: {  	s0 =	sand.u32 $0x1, s1  }
0x8c: {  	s14 =	sshll.u32 s0, $0xA;
	s2 =	sadd.s32 s3, s2  }
0x8d: {  	s2 =	sadd.s32 s2, s14  }
0x8e: {  	[smem:$0x3FC2] =	sst s2  }
0x8f: {  	_ = 	snop  }
0x90: {  	s2 =	sld [smem:$0x3FD0];
	_ =	sdelay $0x2  }
0x91: {  	s15 =	simm.s32 $0xA;
	s4 =	simm.s32 $0x10  }
0x92: {  	[smem:s4], [sflag:s15] =	dma.local [hbm:s2], $0x1  }
0x93: {  	_ =	swait.eq [sflag:s15], $0x1  }
0x94: {  	s16 =	sld [smem:$0x10]  }
0x95: {  	s17 =	sld [smem:$0x11];
	[sflag:s15] =	ssyncset.done $0x0  }
0x96: {  	s5 =	sld [smem:$0x12];
	[sflag:s15] =	ssyncadd.s32 $0xFFFFFFFF  }
0x97: {  	s18 =	sld [smem:$0x13];
	(tm) =	ssettm $0x1  }
0x98: {  	s6 =	sld [smem:$0x3FFB];
	_ =	sdelay $0x3  }
0x99: {  	_ =	strace s6  }
0x9a: {  	s6 =	sld [smem:$0x3FFC];
	_ =	sdelay $0x3  }
0x9b: {  	_ =	strace s6  }
0x9c: {  	s6 =	sld [smem:$0x3FFD];
	_ =	sdelay $0x3  }
0x9d: {  	_ =	strace s6  }
0x9e: {  	_ =	strace $0x8FFFFFFF  }
0x9f: {  	s19 =	sld [smem:$0x3FDB];
	_ =	sdelay $0x1  }
0xa0: {  	s7 =	simm.s32 $_scs_section_size  }
0xa1: {  	s8 =	simm.s32 $_size__tile_overlayer_lowered;
	s9 =	simm.s32 $_tile_overlayer_lowered  }
0xa2: {  	s22 =	simm.s32 $0x1BFF;
	s21 =	sshll.u32 s9, $0x1;
	s6 =	sadd.s32 s7, s19  }
0xa3: {  	s10 =	simm.s32 $0x0;
	s20 =	sshll.u32 s8, $0x1;
	s8 =	sadd.s32 s21, s6  }
0xa4: {  	[timem:s10], [sflag:s22] =	dma.local [hbm:s8], s20  }
0xa5: {  	_ =	swait.ge [sflag:s22], s20  }
0xa6: {  	s7 =	ssub.s32 $0x0, s20;
	[sflag:s22] =	ssyncset.done $0x0  }
0xa7: {  	[sflag:s22] =	ssyncadd.s32 s7;
	_ =	sdelay $0x1  }
0xa8: {  	s23 =	simm.s32 $0x1B8B  }
0xa9: {  	_ =	swait.ge [sflag:s23], $0x1  }
0xaa: {  	[sflag:s23] =	ssyncset.done $0x0  }
0xab: {  	s25 =	simm.s32 $0x1B8E;
	s24 =	sld [smem:$0x3FFE];
	[sflag:s23] =	ssyncadd.s32 $0xFFFFFFFF  }
0xac: {  	s26 =	simm.s32 $execute0_lowered;
	[smem:$0x3FD2] =	sst s25  }
0xad: {  	s8 =	sshll.u32 s26, $0x1;
	_ =	strace $0x80000046;
	[dreg:$0x1] =	wrdreg $0xFFFFFFFF  }
0xae: {  	s28 =	simm.s32 $_size_execute0_lowered;
	s6 =	sadd.s32 s6, s8;
	[dreg:$0x0] =	wrdreg $0x0  }
0xaf: {  	s8 =	sshll.u32 s28, $0x1;
	[dreg:$0x2] =	wrdreg s6  }
0xb0: {  	[dreg:$0x3] =	wrdreg s8  }
0xb1: {  	[dreg:$0x4] =	wrdreg $0xC0  }
0xb2: {  	_ =	task [dreg:s10], $0x5FFFF  }
0xb3: {  	[dreg:$0x1] =	wrdreg $0xFFFFFFFF  }
0xb4: {  	[dreg:$0x0] =	wrdreg $0x60  }
0xb5: {  	[dreg:$0x2] =	wrdreg s5  }
0xb6: {  	[dreg:$0x3] =	wrdreg s17  }
0xb7: {  	[dreg:$0x4] =	wrdreg s16  }
0xb8: {  	[dreg:$0x5] =	wrdreg s18  }
0xb9: {  	[dreg:$0x6] =	wrdreg s24  }
0xba: {  	[dreg:$0x7] =	wrdreg $0x9  }
0xbb: {  	_ =	task.clear_ibuf [dreg:s10], $0x8FFFF;
	_ =	strace $0x90000046  }
0xbc: {  	s29 =	simm.s32 $0x9;
	_ =	strace $0x80000048  }
0xbd: {  	_ =	swait.ge [sflag:s29], $0x1  }
0xbe: {  	[sflag:s29] =	ssyncadd.s32 $0xFFFFFFFF  }
0xbf: {  	_ =	strace $0x90000048  }
0xc0: {  	_ =	sfence  }
0xc1: {  	s30 =	sld [smem:$0x0];
	_ =	sdelay $0x2  }
0xc2: {  	s31 =	sshll.u32 s1, $0xD;
	s1 =	sshrl.u32 s1, $0x2  }
0xc3: {  	s3 =	sand.u32 $0x4000, s31;
	s1 =	sadd.s32 s1, s30  }
0xc4: {  	s0 =	sor.u32 s3, s0;
	s1 =	sshll.u32 s1, $0x11  }
0xc5: {  	s0 =	sor.u32 s1, s0  }
0xc6: {  	s0 =	sadd.s32 $0x8F2B, s0  }
0xc7: {  	[sflag:s0] =	ssyncadd.remote.s32 $0x1  }
0xc8: {  	_ =	sfence.sel $0xFFFF  }
0xc9: {  	[dreg:$0x0] =	wrdreg $0xFFFFFFFF;
	(pc) =	sbr.abs _section_cstart, $3  }
0xca: {  	[dreg:$0x1] =	wrdreg $0xFFFFFFFF  }
0xcb: {  	_ =	task.clear_ibuf [dreg:s10], $0x2FFFF;
	_ =	strace $0x9FFFFFFF  }
0xcc: {  	(tm) =	ssettm $0x7FFFFFFF  }
0xcd: {  	_ =	shalt  }
tec
execute0_lowered:
.L_overlay_start_1:
0x0: {  	(tag) =	ssettag $0x1  }
0x1: {  	v0 =	vlaneseq.u32;
	s0 =	rddreg [dreg:$0x0]  }
0x2: {  	s1 =	rddreg [dreg:$0x1];
	v1 =	vmul.u32 $0x11, v0  }
0x3: {  	s2 =	rddreg [dreg:$0x2]  }
0x4: {  	v8 =	vimm.s32 $0x52741630;
	s3 =	rddreg [dreg:$0x3];
	s5 =	simm.s32 $0x0;
	v21 =	vadd.s32 $0x83C0, v1  }
0x5: {  	v8 =	vunpack.c.l.s4.s8 v8;
	[smem:$0x7FF] =	sst s5;
	[tilespmem:$0x1FDE0] =	vst v21;
	v21 =	vadd.s32 $0x83C1, v1  }
0x6: {  	s4 =	rddreg [dreg:$0x4];
	v7 =	vmul.u32 $0x3, v0;
	v5 =	vadd.s32 $0x2, v1;
	_ =	strace $0x80000047;
	[tilespmem:$0x1FDF0] =	vst v21  }
0x7: {  	v8 =	vunpack.c.0.s8.s32 v8;
	[tilespmem:$0x1FF10] =	vst v5  }
0x8: {  	v9 =	vimm.s32 $0x21076543;
	[tilespmem:$0x1FF20] =	vst v7  }
0x9: {  	v11 =	vunpack.c.l.s4.s8 v9;
	v9 =	vadd.s32 $0x3, v1;
	[tilespmem:$0x1FF30] =	vst v8  }
0xa: {  	v13 =	vadd.s32 $0x1, v7;
	[tilespmem:$0x1FF40] =	vst v9  }
0xb: {  	v25 =	vadd.s32 $0x8, v1;
	[tilespmem:$0x1FF50] =	vst v13  }
0xc: {  	v24 =	vadd.s32 $0x9, v1;
	[tilespmem:$0x1FF60] =	vst v25  }
0xd: {  	v26 =	vadd.s32 $0xA, v1;
	[tilespmem:$0x1FF70] =	vst v24  }
0xe: {  	v28 =	vadd.s32 $0xC, v1;
	[tilespmem:$0x1FF80] =	vst v26  }
0xf: {  	v2 =	vimm.s32 $0x7654321;
	v27 =	vadd.s32 $0xB, v1;
	[tilespmem:$0x1FF90] =	vst v28  }
0x10: {  	v10 =	vimm.s32 $0x54321076;
	v4 =	vunpack.c.l.s4.s8 v2;
	v29 =	vadd.s32 $0xD, v1;
	[tilespmem:$0x1FFA0] =	vst v27  }
0x11: {  	v12 =	vunpack.c.l.s4.s8 v10;
	v10 =	vimm.s32 $0x63052741;
	v49 =	vadd.s32 $0xE, v1;
	[tilespmem:$0x1FFB0] =	vst v29  }
0x12: {  	v2 =	vand.u32 $0x7, v0;
	v14 =	vunpack.c.l.s4.s8 v10;
	v0 =	vadd.s32 $0xF, v1;
	[tilespmem:$0x1FFC0] =	vst v49  }
0x13: {  	v23 =	vadd.s32 $0x5, v1;
	[tilespmem:$0x1FFD0] =	vst v0  }
0x14: {  	v14 =	vunpack.c.0.s8.s32 v14;
	v21 =	vadd.s32 $0x83C2, v1;
	[tilespmem:$0x1FFE0] =	vst v23  }
0x15: {  	[tilespmem:$0x1FE00] =	vst v21  }
0x16: {  	v21 =	vor.u32 $0x1740, v7;
	[tilespmem:$0x1FFF0] =	vst v14  }
0x17: {  	[tilespmem:$0x1FE10] =	vst v21;
	v21 =	vadd.s32 $0x83C3, v1  }
0x18: {  	[tilespmem:$0x1FE20] =	vst v21;
	v21 =	vadd.s32 $0x83C6, v1  }
0x19: {  	[tilespmem:$0x1FE30] =	vst v21;
	v21 =	vadd.s32 $0x1741, v7  }
0x1a: {  	v3 =	vimm.s32 $0x10765432;
	[tilespmem:$0x1FE40] =	vst v21;
	v21 =	vadd.s32 $0x83C4, v1  }
0x1b: {  	v16 =	vimm.s32 $0x32107654;
	v17 =	vimm.s32 $0x65432107;
	[tilespmem:$0x1FE50] =	vst v21;
	v21 =	vadd.s32 $0x83C7, v1  }
0x1c: {  	v19 =	vimm.s32 $0x43210765;
	v31 =	vimm.f32 $1.000000000e+00;
	[tilespmem:$0x1FE60] =	vst v21;
	v21 =	vadd.s32 $0x1742, v7  }
0x1d: {  	vm0 =	vcmask $0x230C;
	v6 =	vunpack.c.l.s4.s8 v3;
	[tilespmem:$0x1FE70] =	vst v21;
	v21 =	vadd.s32 $0x83C5, v1  }
0x1e: {  	v16 =	vunpack.c.l.s4.s8 v16;
	v18 =	vunpack.c.l.s4.s8 v17;
	[tilespmem:$0x1FE80] =	vst v21;
	v21 =	vadd.s32 $0x83C8, v1  }
0x1f: {  	s6 =	srdreg.scid;
	v17 =	vimm.s32 $0x74163052;
	v22 =	vunpack.c.l.s4.s8 v19;
	[tilespmem:$0x1FE90] =	vst v21;
	v21 =	vadd.s32 $0x83C9, v1  }
0x20: {  	s12 =	stileid.u32;
	s13 =	simm.s32 $0x1770;
	s14 =	simm.s32 $0x2EE0;
	v50 =	vsel vm0, $0xBF800000, v31;
	v20 =	vunpack.c.l.s4.s8 v17;
	[tilespmem:$0x1FEA0] =	vst v21;
	v21 =	vadd.s32 $0x83CA, v1  }
0x21: {  	s15 =	simm.s32 $0x36B0;
	s16 =	simm.s32 $0x3E80;
	s17 =	simm.s32 $0x1;
	v3 =	vadd.s32 $0x1, v1;
	v4 =	vunpack.c.0.s8.s32 v4;
	[tilespmem:$0x1FEB0] =	vst v21;
	v21 =	vadd.s32 $0x83CB, v1  }
.Ltmp0:
0x22: {  	s18 =	simm.s32 $0x4650;
	s6 =	sand.u32 $0x1, s6;
	v6 =	vunpack.c.0.s8.s32 v6;
	v10 =	vunpack.c.0.s8.s32 v11;
	[tilespmem:$0x1FEC0] =	vst v21;
	v21 =	vadd.s32 $0x83CC, v1;
	(pc) =	sbr.rel .LBB2_1-.Ltmp0, $4  }
0x23: {  	s19 =	simm.s32 $0xCB20;
	s20 =	simm.s32 $0x14820;
	s9 =	ssub.s32 $0x2, s6;
	v11 =	vadd.s32 $0x6, v1;
	v12 =	vunpack.c.0.s8.s32 v12;
	[tilespmem:$0x1FED0] =	vst v21;
	v21 =	vadd.s32 $0x83CD, v1  }
0x24: {  	s21 =	simm.s32 $0x2;
	s22 =	simm.s32 $0x0;
	v15 =	vadd.s32 $0x4, v1;
	v16 =	vunpack.c.0.s8.s32 v16;
	s11 =	sshrl.u32 s9, $0x1;
	[tilespmem:$0x1FEE0] =	vst v21;
	v21 =	vadd.s32 $0x83CE, v1  }
0x25: {  	s7 =	sadd.s32 $0x1E00, s4;
	s8 =	sadd.s32 $0x5000, s4;
	v17 =	vadd.s32 $0x7, v1;
	v18 =	vunpack.c.0.s8.s32 v18;
	s31 =	ssub.s32 s9, s11;
	[tilespmem:$0x1FEF0] =	vst v21;
	v21 =	vadd.s32 $0x83CF, v1  }
0x26: {  	s10 =	sadd.s32 $0x35E00, s4;
	v19 =	vadd.s32 $0x2, v7;
	v22 =	vunpack.c.0.s8.s32 v22;
	v20 =	vunpack.c.0.s8.s32 v20;
	s11 =	sshll.u32 s12, $0x1;
	s12 =	smax.u32 s31, $0x1;
	[tilespmem:$0x1FF00] =	vst v21  }
.LBB2_9:
0x27: {  	s22 =	sadd.s32 $0x1, s22  }
0x28: {  	p0 =	sne.s32 s22, s12  }
.Ltmp1:
0x29: {  	_ = 	snop;
	(pc) =	sbr.rel @!p0 .LBB2_10-.Ltmp1, $1  }
0x2a: {  	_ =	sdelay $0x3  }
.LBB2_1:
.Ltmp2:
0x2b: {  	(pc) =	sbr.rel .LBB2_2-.Ltmp2, $2  }
0x2c: {  	_ =	sdelay $0x2  }
0x2d: {  	p1 =	por $0x1, $0x1;
	s4 =	simm.s32 $0x0  }
.LBB2_8:
.Ltmp3:
0x2e: {  	(pc) =	sbr.rel @!p0 .LBB2_9-.Ltmp3, $2  }
0x2f: {  	_ =	sdelay $0x2  }
0x30: {  	s4 =	simm.s32 $0x20;
	p1 =	por $0x0, $0x0  }
.LBB2_2:
0x31: {  	s4 =	sor.u32 s11, s4  }
0x32: {  	p2 =	sgt.u32 s4, $0x31  }
.Ltmp4:
0x33: {  	_ = 	snop;
	(pc) =	sbr.rel @p2 .LBB2_8-.Ltmp4, $2  }
0x34: {  	_ =	sdelay $0x2  }
0x35: {  	p0 =	por p1, p1  }
0x36: {  	s23 =	sor.u32 s6, s4  }
0x37: {  	s4 =	smul.u32 $0x2EE, s23;
	_ =	sdelay $0x1  }
0x38: {  	s9 =	sadd.s32 s0, s4  }
0x39: {  	[tilespmem:s5], [sflag:$0x1] =	stream.linear.gather [hbm4b:s9+s5], $0x1770, $0x38;
	[tilespmem:$0x1C520] =	vst v63  }
0x3a: {  	s24 =	smul.u32 $0xFA, s23;
	s4 =	sadd.s32 s1, s4  }
0x3b: {  	[tilespmem:s13], [sflag:$0x1] =	stream.linear.gather [hbm4b:s4+s5], $0x1770, $0x38;
	[tilespmem:$0x1C520] =	vst v63  }
0x3c: {  	s25 =	sadd.s32 s2, s24  }
0x3d: {  	[tilespmem:s14], [sflag:$0x1] =	stream.linear.gather [hbm4b:s25+s5], $0x7D0, $0x38;
	[tilespmem:$0x1C520] =	vst v63  }
0x3e: {  	s26 =	sadd.s32 s3, s24  }
0x3f: {  	[tilespmem:s15], [sflag:$0x1] =	stream.linear.gather [hbm4b:s26+s5], $0x7D0, $0x38;
	[tilespmem:$0x1C520] =	vst v63  }
0x40: {  	s24 =	sadd.s32 s7, s24  }
0x41: {  	[tilespmem:s16], [sflag:$0x1] =	stream.linear.gather [hbm4b:s24+s5], $0x7D0, $0x38;
	[tilespmem:$0x1C520] =	vst v63  }
0x42: {  	_ =	swait.ge [sflag:s17], $0x1770  }
0x43: {  	[sflag:s17] =	ssyncset.done $0x0  }
0x44: {  	[sflag:s17] =	ssyncadd.s32 $0xFFFFE890  }
0x45: {  	_ =	swait.ge [sflag:s17], $0x1770  }
0x46: {  	[sflag:s17] =	ssyncset.done $0x0  }
0x47: {  	[sflag:s17] =	ssyncadd.s32 $0xFFFFE890  }
0x48: {  	_ =	swait.ge [sflag:s17], $0x7D0  }
0x49: {  	[sflag:s17] =	ssyncset.done $0x0  }
0x4a: {  	[sflag:s17] =	ssyncadd.s32 $0xFFFFF830  }
0x4b: {  	_ =	swait.ge [sflag:s17], $0x7D0  }
0x4c: {  	[sflag:s17] =	ssyncset.done $0x0  }
0x4d: {  	[sflag:s17] =	ssyncadd.s32 $0xFFFFF830  }
0x4e: {  	_ =	swait.ge [sflag:s17], $0x7D0  }
0x4f: {  	[sflag:s17] =	ssyncset.done $0x0  }
0x50: {  	s4 =	simm.s32 $0x0;
	s24 =	simm.s32 $0x2EF0;
	[sflag:s17] =	ssyncadd.s32 $0xFFFFF830  }
0x51: {  	v31 =	vadd.s32 s4, v1;
	v32 =	vld [tilespmem:s24+$0xFFFFFFF0]  }
0x52: {  	s9 =	simm.s32 $0x110;
	v31 =	vand.u32 $0x1FFF8, v31  }
0x53: {  	v33 =	vadd.s32 s9, v1;
	v31 =	vor.u32 v2, v31;
	v35 =	vld [tilespmem:s24+$0x0]  }
0x54: {  	v33 =	vand.u32 $0x1FFF8, v33  }
0x55: {  	v36 =	vadd.s32 s9, v3;
	v33 =	vor.u32 v2, v33  }
0x56: {  	v46 =	vadd.s32 s9, v5;
	v39 =	vadd.s32 s9, v9;
	v32 =	vmul.f32 $5.000000000e-01, v32  }
0x57: {  	v41 =	vadd.s32 s9, v15;
	v54 =	vadd.s32 s9, v17;
	v55 =	vadd.s32 s9, v23  }
0x58: {  	v45 =	vadd.s32 s9, v24;
	v36 =	vand.u32 $0x1FFF8, v36;
	s25 =	simm.s32 $0x36C0;
	v35 =	vmul.f32 $5.000000000e-01, v35;
	[tilespmem:v31+s18+$0x0] =	vst.idx.msk $0xffff, v32  }
0x59: {  	v47 =	vand.u32 $0x1FFF8, v39;
	v45 =	vand.u32 $0x1FFF8, v45;
	v51 =	vadd.s32 s4, v3;
	v48 =	vld [tilespmem:s25+$0xFFFFFFF0]  }
0x5a: {  	v38 =	vor.u32 v4, v36;
	v52 =	vand.u32 $0x1FFF8, v51;
	v31 =	vand.u32 $0x1FFF8, v46;
	[tilespmem:v33+s18+$0x0] =	vst.idx.msk $0xffff, v35  }
0x5b: {  	v35 =	vor.u32 v4, v52;
	v33 =	vor.u32 v6, v31;
	v31 =	vadd.s32 s9, v11;
	v53 =	vld [tilespmem:s25+$0x0]  }
0x5c: {  	v42 =	vor.u32 v10, v47;
	v47 =	vadd.s32 s9, v28;
	v31 =	vand.u32 $0x1FFF8, v31  }
0x5d: {  	v43 =	vor.u32 v12, v31;
	v31 =	vand.u32 $0x1FFF8, v41;
	v41 =	vand.u32 $0x1FFF8, v55  }
0x5e: {  	v56 =	vadd.s32 s4, v5;
	v21 =	vor.u32 v22, v41;
	v44 =	vmul.f32 $5.000000000e-01, v48  }
0x5f: {  	v62 =	vadd.s32 s4, v9;
	v37 =	vadd.s32 s4, v15;
	v32 =	vand.u32 $0x1FFF8, v54;
	[tilespmem:$0x1FDA0] =	vst v21  }
0x60: {  	s26 =	simm.s32 $0x3E90;
	v46 =	vadd.s32 s9, v26;
	v36 =	vor.u32 v18, v32;
	s25 =	simm.s32 $0x30;
	v39 =	vmul.f32 $5.000000000e-01, v53;
	[tilespmem:v35+s18+$0x0] =	vst.idx.msk $0xffff, v44  }
0x61: {  	s28 =	simm.s32 $0x0;
	v34 =	vand.u32 $0x1FFF8, v46;
	v57 =	vadd.s32 s25, v7;
	v52 =	vadd.s32 s25, v13;
	v35 =	vld [tilespmem:s26+$0xFFFFFFF0]  }
0x62: {  	v58 =	vadd.s32 s25, v19;
	v53 =	vadd.s32 s28, v7;
	[tilespmem:v38+s18+$0x0] =	vst.idx.msk $0xffff, v39;
	v39 =	vand.u32 $0x1FFF8, v56  }
0x63: {  	v52 =	vand.u32 $0x3FF8, v52;
	v53 =	vand.u32 $0x3FF8, v53;
	v39 =	vor.u32 v6, v39  }
0x64: {  	v61 =	vand.u32 $0x3FF8, v58;
	v55 =	vadd.s32 s9, v0;
	v59 =	vor.u32 v8, v53;
	v51 =	vld [tilespmem:s26+$0x0]  }
0x65: {  	v58 =	vadd.s32 s4, v11;
	v41 =	vadd.s32 s9, v25;
	v63 =	vor.u32 v14, v52  }
0x66: {  	v21 =	vmovc v49;
	v38 =	vadd.s32 s9, v49;
	v49 =	vand.u32 $0x3FF8, v57;
	v54 =	vmul.f32 $5.000000000e-01, v35  }
0x67: {  	s25 =	simm.s32 $0x2F10;
	v30 =	vor.u32 v20, v61;
	v52 =	vand.u32 $0x1FFF8, v62;
	v49 =	vor.u32 v8, v49  }
0x68: {  	v61 =	vand.u32 $0x1FFF8, v58;
	v62 =	vadd.s32 s28, v13;
	v53 =	vor.u32 v4, v45;
	v45 =	vld [tilespmem:s25+$0xFFFFFFF0];
	[tilespmem:v39+s18+$0x0] =	vst.idx.msk $0xffff, v54  }
0x69: {  	v60 =	vor.u32 v10, v52;
	v51 =	vmul.f32 $5.000000000e-01, v51;
	v35 =	vand.u32 $0x1FFF8, v47;
	v47 =	vld.idx.msk [tilespmem:v59+s5+$0x0], $0xffff  }
0x6a: {  	v41 =	vand.u32 $0x1FFF8, v41;
	v48 =	vadd.s32 s9, v29;
	v44 =	vadd.s32 s9, v27  }
0x6b: {  	v48 =	vand.u32 $0x1FFF8, v48;
	v56 =	vor.u32 v2, v41;
	v44 =	vand.u32 $0x1FFF8, v44;
	[tilespmem:v33+s18+$0x0] =	vst.idx.msk $0xffff, v51  }
0x6c: {  	v41 =	vand.u32 $0x1FFF8, v55;
	v38 =	vand.u32 $0x1FFF8, v38;
	v57 =	vor.u32 v10, v44;
	v44 =	vld.idx.msk [tilespmem:v49+s5+$0x0], $0xffff  }
0x6d: {  	v55 =	vor.u32 v6, v34;
	v34 =	vand.u32 $0x3FF8, v62;
	s9 =	simm.s32 $0x330;
	v58 =	vor.u32 v12, v38  }
0x6e: {  	s24 =	simm.s32 $0x220;
	v45 =	vmul.f32 $5.000000000e-01, v45;
	v52 =	vor.u32 v16, v35;
	v35 =	vadd.s32 s9, v1;
	[tilespmem:v60+s18+$0x0] =	vst.idx.msk $0xffff, v47  }
0x6f: {  	v51 =	vor.u32 v22, v48;
	v33 =	vor.u32 v12, v61;
	v60 =	vadd.s32 s24, v1;
	v46 =	vld.idx.msk [tilespmem:v59+s13+$0x0], $0xffff  }
0x70: {  	v48 =	vor.u32 v14, v34;
	v34 =	vadd.s32 s9, v5;
	v62 =	vand.u32 $0x1FFF8, v60  }
0x71: {  	v61 =	vadd.s32 s9, v3;
	v38 =	vand.u32 $0x1FFF8, v34;
	v47 =	vld [tilespmem:s25+$0x0];
	[tilespmem:v42+s18+$0x0] =	vst.idx.msk $0xffff, v44;
	v59 =	vor.u32 v2, v62  }
0x72: {  	v39 =	vand.u32 $0x1FFF8, v35;
	v35 =	vadd.s32 s9, v9;
	v40 =	vor.u32 v6, v38;
	v44 =	vld.idx.msk [tilespmem:v49+s13+$0x0], $0xffff  }
0x73: {  	v54 =	vor.u32 v18, v41;
	v32 =	vand.u32 $0x1FFF8, v61;
	[tilespmem:$0x1FD90] =	vst v40;
	v62 =	vand.u32 $0x1FFF8, v35  }
0x74: {  	v39 =	vor.u32 v2, v39;
	v61 =	vand.u32 $0x1FFF8, v37;
	v60 =	vor.u32 v10, v62;
	[tilespmem:v33+s18+$0x0] =	vst.idx.msk $0xffff, v46  }
0x75: {  	v34 =	vadd.s32 s24, v3;
	v41 =	vor.u32 v4, v32;
	v62 =	vadd.s32 s9, v11;
	[tilespmem:$0x1FDD0] =	vst v60  }
0x76: {  	s26 =	simm.s32 $0x36E0;
	v32 =	vadd.s32 s9, v15;
	v42 =	vand.u32 $0x1FFF8, v62;
	v33 =	vor.u32 v16, v61;
	v46 =	vld.idx.msk [tilespmem:v48+s5+$0x0], $0xffff;
	[tilespmem:v59+s18+$0x0] =	vst.idx.msk $0xffff, v45  }
0x77: {  	v47 =	vmul.f32 $5.000000000e-01, v47;
	v62 =	vor.u32 v12, v42;
	v45 =	vand.u32 $0x1FFF8, v32;
	[tilespmem:v43+s18+$0x0] =	vst.idx.msk $0xffff, v44;
	v42 =	vld [tilespmem:s26+$0xFFFFFFF0]  }
0x78: {  	v31 =	vor.u32 v16, v31;
	v32 =	vand.u32 $0x1FFF8, v34;
	v61 =	vor.u32 v16, v45;
	v45 =	vld.idx.msk [tilespmem:v63+s5+$0x0], $0xffff  }
0x79: {  	[tilespmem:v39+s18+$0x0] =	vst.idx.msk $0xffff, v47;
	v39 =	vor.u32 v4, v32  }
0x7a: {  	v44 =	vld [tilespmem:s26+$0x0]  }
0x7b: {  	v37 =	vadd.s32 s4, v17;
	v49 =	vadd.s32 s9, v26;
	[tilespmem:v33+s18+$0x0] =	vst.idx.msk $0xffff, v46  }
0x7c: {  	v38 =	vand.u32 $0x1FFF8, v37;
	v40 =	vadd.s32 s28, v19;
	v47 =	vld.idx.msk [tilespmem:v48+s13+$0x0], $0xffff;
	v42 =	vmul.f32 $5.000000000e-01, v42;
	[tilespmem:$0x1FDB0] =	vst v49  }
0x7d: {  	v33 =	vor.u32 v18, v38;
	v46 =	vand.u32 $0x3FF8, v40;
	[tilespmem:v31+s18+$0x0] =	vst.idx.msk $0xffff, v45  }
0x7e: {  	v35 =	vadd.s32 s9, v17;
	v46 =	vor.u32 v20, v46;
	v31 =	vadd.s32 s9, v28;
	[tilespmem:v39+s18+$0x0] =	vst.idx.msk $0xffff, v42  }
0x7f: {  	s28 =	simm.s32 $0x3EB0;
	v34 =	vand.u32 $0x1FFF8, v35;
	v44 =	vmul.f32 $5.000000000e-01, v44;
	[tilespmem:$0x1FDC0] =	vst v31  }
0x80: {  	v35 =	vadd.s32 s9, v23;
	v60 =	vor.u32 v18, v34;
	v34 =	vadd.s32 s24, v5;
	v31 =	vld [tilespmem:s28+$0xFFFFFFF0]  }
0x81: {  	v43 =	vand.u32 $0x1FFF8, v35;
	v35 =	vand.u32 $0x1FFF8, v34;
	v38 =	vadd.s32 s4, v23;
	[tilespmem:v41+s18+$0x0] =	vst.idx.msk $0xffff, v44;
	v63 =	vld.idx.msk [tilespmem:v63+s13+$0x0], $0xffff  }
0x82: {  	s30 =	simm.s32 $0x60;
	v41 =	vor.u32 v6, v35;
	v35 =	vand.u32 $0x1FFF8, v38;
	[tilespmem:v33+s18+$0x0] =	vst.idx.msk $0xffff, v47  }
0x83: {  	v37 =	vadd.s32 s30, v7;
	v44 =	vor.u32 v22, v35;
	v47 =	vld.idx.msk [tilespmem:v46+s5+$0x0], $0xffff  }
0x84: {  	v40 =	vand.u32 $0x3FF8, v37  }
0x85: {  	s29 =	simm.s32 $0x90;
	v40 =	vor.u32 v8, v40;
	v34 =	vmul.f32 $5.000000000e-01, v31  }
0x86: {  	v38 =	vadd.s32 s29, v13;
	[tilespmem:v36+s18+$0x0] =	vst.idx.msk $0xffff, v63  }
0x87: {  	v45 =	vadd.s32 s29, v7;
	v31 =	vand.u32 $0x3FF8, v38;
	v38 =	vadd.s32 s24, v9;
	[tilespmem:v41+s18+$0x0] =	vst.idx.msk $0xffff, v34  }
0x88: {  	v48 =	vadd.s32 s9, v24;
	v37 =	vand.u32 $0x3FF8, v45;
	v35 =	vld [tilespmem:s28+$0x0];
	v32 =	vand.u32 $0x1FFF8, v38;
	[tilespmem:v44+s18+$0x0] =	vst.idx.msk $0xffff, v47  }
0x89: {  	v34 =	vadd.s32 s4, v25;
	v38 =	vor.u32 v10, v32;
	v32 =	vadd.s32 s4, v24;
	v24 =	vld [tilespmem:$0x1FD90]  }
0x8a: {  	v33 =	vor.u32 v8, v37;
	v37 =	vadd.s32 s29, v19;
	v45 =	vld.idx.msk [tilespmem:v40+s5+$0x0], $0xffff;
	v34 =	vand.u32 $0x1FFF8, v34  }
0x8b: {  	v41 =	vand.u32 $0x3FF8, v37;
	v46 =	vld.idx.msk [tilespmem:v46+s13+$0x0], $0xffff;
	v37 =	vor.u32 v2, v34;
	_ =	sdelay $0x3  }
0x8c: {  	v35 =	vmul.f32 $5.000000000e-01, v35;
	[tilespmem:v38+s18+$0x0] =	vst.idx.msk $0xffff, v45  }
0x8d: {  	v63 =	vadd.s32 s4, v26;
	[tilespmem:v37+s18+$0x0] =	vst.idx.msk $0xffff, v46  }
0x8e: {  	v42 =	vadd.s32 s9, v21;
	v63 =	vand.u32 $0x1FFF8, v63;
	v44 =	vand.u32 $0x1FFF8, v32;
	[tilespmem:v24+s18+$0x0] =	vst.idx.msk $0xffff, v35  }
0x8f: {  	v32 =	vadd.s32 s4, v27;
	v44 =	vor.u32 v4, v44;
	v38 =	vadd.s32 s4, v21;
	v21 =	vld [tilespmem:$0x1FDA0]  }
0x90: {  	v32 =	vand.u32 $0x1FFF8, v32;
	v35 =	vor.u32 v6, v63  }
0x91: {  	v32 =	vor.u32 v10, v32  }
0x92: {  	v36 =	vld.idx.msk [tilespmem:v30+s5+$0x0], $0xffff;
	v37 =	vmul.f32 $0.0e+00, v47;
	_ =	sdelay $0x1  }
0x93: {  	[tilespmem:v44+s18+$0x0] =	vst.idx.msk $0xffff, v37  }
0x94: {  	v34 =	vadd.s32 s4, v28;
	[tilespmem:v35+s18+$0x0] =	vst.idx.msk $0xffff, v37  }
0x95: {  	v34 =	vand.u32 $0x1FFF8, v34;
	[tilespmem:v32+s18+$0x0] =	vst.idx.msk $0xffff, v37  }
0x96: {  	v34 =	vor.u32 v16, v34;
	[tilespmem:v21+s18+$0x0] =	vst.idx.msk $0xffff, v36  }
0x97: {  	v46 =	vadd.s32 s4, v0;
	v63 =	vadd.s32 s4, v29;
	v35 =	vadd.s32 s9, v0;
	v0 =	vld [tilespmem:$0x1FDB0]  }
0x98: {  	v63 =	vand.u32 $0x1FFF8, v63  }
0x99: {  	v38 =	vand.u32 $0x1FFF8, v38;
	v45 =	vor.u32 v22, v63  }
0x9a: {  	v38 =	vor.u32 v12, v38;
	v47 =	vand.u32 $0x1FFF8, v46  }
0x9b: {  	v63 =	vor.u32 v20, v41;
	v41 =	vor.u32 v18, v47;
	[tilespmem:v34+s18+$0x0] =	vst.idx.msk $0xffff, v37  }
0x9c: {  	v32 =	vmul.f32 $0.0e+00, v36;
	v36 =	vand.u32 $0x1FFF8, v0;
	v0 =	vld [tilespmem:$0x1FDC0];
	_ =	sdelay $0x1  }
0x9d: {  	[tilespmem:v45+s18+$0x0] =	vst.idx.msk $0xffff, v37  }
0x9e: {  	[tilespmem:v38+s18+$0x0] =	vst.idx.msk $0xffff, v37  }
0x9f: {  	[tilespmem:v41+s18+$0x0] =	vst.idx.msk $0xffff, v37  }
0xa0: {  	v39 =	vadd.s32 s9, v29;
	v46 =	vand.u32 $0x1FFF8, v48;
	v48 =	vand.u32 $0x1FFF8, v0;
	v0 =	vld [tilespmem:$0x1FDD0]  }
0xa1: {  	v59 =	vor.u32 v22, v43;
	v43 =	vadd.s32 s9, v25;
	v39 =	vand.u32 $0x1FFF8, v39  }
0xa2: {  	v43 =	vand.u32 $0x1FFF8, v43;
	v23 =	vmovc v13;
	v49 =	vadd.s32 s9, v27;
	v39 =	vor.u32 v22, v39;
	v26 =	vmovc v17  }
0xa3: {  	v17 =	vmovc v7;
	v31 =	vor.u32 v14, v31;
	v14 =	vmov v3;
	v44 =	vor.u32 v2, v43;
	v47 =	vld.idx.msk [tilespmem:v33+s5+$0x0], $0xffff  }
0xa4: {  	v25 =	vmovc v15;
	v15 =	vmovc v5;
	v35 =	vand.u32 $0x1FFF8, v35;
	v34 =	vand.u32 $0x1FFF8, v49;
	v49 =	vand.u32 $0x1FFF8, v42  }
0xa5: {  	v27 =	vmovc v19;
	v42 =	vor.u32 v10, v34;
	v34 =	vadd.s32 s24, v11;
	v45 =	vor.u32 v4, v46;
	v46 =	vld.idx.msk [tilespmem:v30+s13+$0x0], $0xffff  }
0xa6: {  	v19 =	vmovc v8;
	v28 =	vmovc v20;
	v34 =	vand.u32 $0x1FFF8, v34;
	v43 =	vor.u32 v6, v36;
	v37 =	vadd.s32 s30, v13  }
0xa7: {  	v20 =	vmovc v9;
	v36 =	vor.u32 v12, v49;
	v38 =	vor.u32 v18, v35;
	v13 =	vmovc v1;
	v49 =	vand.u32 $0x3FF8, v37  }
0xa8: {  	s31 =	simm.s32 $0x2;
	s4 =	simm.s32 $0x550;
	v41 =	vor.u32 v16, v48;
	v48 =	vor.u32 v12, v34;
	[tilespmem:v0+s18+$0x0] =	vst.idx.msk $0xffff, v47;
	v47 =	vld.idx.msk [tilespmem:v40+s13+$0x0], $0xffff  }
.LBB2_4:
0xa9: {  	v24 =	vld [tilespmem:$0x1FFF0]  }
0xaa: {  	v33 =	vld.idx.msk [tilespmem:v33+s13+$0x0], $0xffff;
	[tilespmem:v56+s18+$0x0] =	vst.idx.msk $0xffff, v46  }
0xab: {  	s9 =	sadd.s32 $0xFFFFFEF0, s4;
	v34 =	vadd.s32 s4, v13;
	s25 =	sadd.s32 $0x20, s25;
	[tilespmem:v53+s18+$0x0] =	vst.idx.msk $0xffff, v32  }
0xac: {  	v35 =	vadd.s32 s4, v14;
	v56 =	vmovc v44;
	v40 =	vadd.s32 s9, v13;
	v34 =	vand.u32 $0x1FFF8, v34;
	v44 =	vld [tilespmem:s25+$0x0]  }
0xad: {  	v46 =	vld [tilespmem:s25+$0xFFFFFFF0];
	v35 =	vand.u32 $0x1FFF8, v35;
	v53 =	vmovc v45;
	v40 =	vand.u32 $0x1FFF8, v40;
	v34 =	vor.u32 v2, v34;
	[tilespmem:v55+s18+$0x0] =	vst.idx.msk $0xffff, v32  }
0xae: {  	v45 =	vor.u32 v4, v35;
	v35 =	vadd.s32 s4, v15;
	[tilespmem:v57+s18+$0x0] =	vst.idx.msk $0xffff, v32;
	v37 =	vor.u32 v24, v49  }
0xaf: {  	v5 =	vld [tilespmem:$0x1FFE0];
	v40 =	vor.u32 v2, v40;
	v35 =	vand.u32 $0x1FFF8, v35;
	[tilespmem:v48+s18+$0x0] =	vst.idx.msk $0xffff, v47;
	v48 =	vadd.s32 s4, v11  }
0xb0: {  	v21 =	vld [tilespmem:$0x1FFA0];
	v57 =	vmovc v42;
	v42 =	vor.u32 v6, v35;
	v49 =	vadd.s32 s4, v20;
	[tilespmem:v62+s18+$0x0] =	vst.idx.msk $0xffff, v33;
	v62 =	vand.u32 $0x1FFF8, v48  }
0xb1: {  	v0 =	vld [tilespmem:$0x1FF90];
	v55 =	vmovc v43;
	v43 =	vand.u32 $0x1FFF8, v49;
	v49 =	vadd.s32 s24, v25;
	v33 =	vmul.f32 $5.000000000e-01, v44  }
0xb2: {  	v48 =	vadd.s32 s4, v25;
	v46 =	vmul.f32 $5.000000000e-01, v46;
	v47 =	vand.u32 $0x1FFF8, v49;
	v49 =	vld.idx.msk [tilespmem:v31+s5+$0x0], $0xffff;
	[tilespmem:v52+s18+$0x0] =	vst.idx.msk $0xffff, v32  }
0xb3: {  	s26 =	sadd.s32 $0x20, s26;
	v35 =	vor.u32 v10, v43;
	v47 =	vor.u32 v16, v47;
	[tilespmem:v34+s18+$0x0] =	vst.idx.msk $0xffff, v33;
	v43 =	vld.idx.msk [tilespmem:v37+s5+$0x0], $0xffff  }
0xb4: {  	v62 =	vor.u32 v12, v62;
	v52 =	vmov v41;
	[tilespmem:v40+s18+$0x0] =	vst.idx.msk $0xffff, v46;
	v40 =	vand.u32 $0x1FFF8, v48;
	v41 =	vld [tilespmem:s26+$0x0]  }
0xb5: {  	v48 =	vadd.s32 s4, v26;
	v46 =	vadd.s32 s9, v14;
	[tilespmem:v51+s18+$0x0] =	vst.idx.msk $0xffff, v32;
	v44 =	vld [tilespmem:s26+$0xFFFFFFF0];
	v33 =	vor.u32 v16, v40  }
0xb6: {  	v30 =	vld [tilespmem:$0x1FFB0];
	v48 =	vand.u32 $0x1FFF8, v48;
	v40 =	vand.u32 $0x1FFF8, v46;
	v46 =	vadd.s32 s4, v5;
	[tilespmem:v58+s18+$0x0] =	vst.idx.msk $0xffff, v32  }
0xb7: {  	v7 =	vld [tilespmem:$0x1FF60];
	v51 =	vmovc v39;
	v58 =	vmovc v36;
	v36 =	vadd.s32 s4, v0;
	v34 =	vor.u32 v18, v48;
	v39 =	vor.u32 v4, v40  }
0xb8: {  	v9 =	vld [tilespmem:$0x1FF80];
	v46 =	vand.u32 $0x1FFF8, v46;
	v48 =	vadd.s32 s30, v27;
	[tilespmem:v47+s18+$0x0] =	vst.idx.msk $0xffff, v43;
	v47 =	vadd.s32 s24, v26  }
0xb9: {  	v8 =	vld [tilespmem:$0x1FF70];
	s29 =	sadd.s32 $0x60, s29;
	[tilespmem:v61+s18+$0x0] =	vst.idx.msk $0xffff, v49;
	v36 =	vand.u32 $0x1FFF8, v36;
	v40 =	vor.u32 v22, v46;
	v43 =	vand.u32 $0x1FFF8, v47  }
0xba: {  	v61 =	vmovc v33;
	s30 =	sadd.s32 $0xFFFFFFD0, s29;
	v46 =	vand.u32 $0x3FF8, v48;
	v37 =	vld.idx.msk [tilespmem:v37+s13+$0x0], $0xffff;
	v33 =	vmul.f32 $5.000000000e-01, v44;
	v43 =	vor.u32 v18, v43  }
0xbb: {  	v31 =	vld.idx.msk [tilespmem:v31+s13+$0x0], $0xffff;
	[tilespmem:v54+s18+$0x0] =	vst.idx.msk $0xffff, v32;
	v48 =	vadd.s32 s4, v21;
	v54 =	vmovc v38;
	v38 =	vadd.s32 s4, v30;
	v1 =	vadd.s32 s30, v17  }
0xbc: {  	s28 =	sadd.s32 $0x20, s28;
	v46 =	vor.u32 v28, v46;
	v1 =	vand.u32 $0x3FF8, v1;
	v32 =	vmul.f32 $5.000000000e-01, v41;
	[tilespmem:v39+s18+$0x0] =	vst.idx.msk $0xffff, v33  }
0xbd: {  	v29 =	vmovc v18;
	v41 =	vadd.s32 s4, v9;
	v1 =	vor.u32 v19, v1;
	v33 =	vadd.s32 s9, v15;
	v49 =	vld [tilespmem:s28+$0xFFFFFFF0]  }
0xbe: {  	v47 =	vadd.s32 s4, v7;
	v18 =	vmovc v16;
	v16 =	vmovc v12;
	v12 =	vmov v4;
	v4 =	vld [tilespmem:$0x1FFC0];
	[tilespmem:v45+s18+$0x0] =	vst.idx.msk $0xffff, v32;
	v33 =	vand.u32 $0x1FFF8, v33  }
0xbf: {  	v44 =	vadd.s32 s4, v8;
	v3 =	vld [tilespmem:s28+$0x0];
	[tilespmem:v43+s18+$0x0] =	vst.idx.msk $0xffff, v37;
	v37 =	vadd.s32 s24, v5;
	v43 =	vor.u32 v6, v33  }
0xc0: {  	v32 =	vadd.s32 s29, v17;
	v45 =	vadd.s32 s29, v23;
	v37 =	vand.u32 $0x1FFF8, v37  }
0xc1: {  	v32 =	vand.u32 $0x3FF8, v32;
	[tilespmem:v60+s18+$0x0] =	vst.idx.msk $0xffff, v31;
	v31 =	vand.u32 $0x3FF8, v45;
	v5 =	vld.idx.msk [tilespmem:v46+s5+$0x0], $0xffff;
	v37 =	vor.u32 v22, v37  }
0xc2: {  	v60 =	vmovc v34;
	v33 =	vor.u32 v19, v32;
	v32 =	vadd.s32 s29, v27;
	v34 =	vmul.f32 $5.000000000e-01, v49  }
0xc3: {  	v31 =	vor.u32 v24, v31;
	v39 =	vadd.s32 s4, v4;
	v32 =	vand.u32 $0x3FF8, v32  }
0xc4: {  	v45 =	vld.idx.msk [tilespmem:v63+s5+$0x0], $0xffff;
	v3 =	vmul.f32 $5.000000000e-01, v3;
	v32 =	vor.u32 v28, v32;
	[tilespmem:v43+s18+$0x0] =	vst.idx.msk $0xffff, v34;
	v34 =	vadd.s32 s9, v20  }
0xc5: {  	v43 =	vand.u32 $0x1FFF8, v47;
	v47 =	vand.u32 $0x1FFF8, v44;
	v34 =	vand.u32 $0x1FFF8, v34  }
0xc6: {  	v44 =	vld.idx.msk [tilespmem:v1+s5+$0x0], $0xffff;
	[tilespmem:v37+s18+$0x0] =	vst.idx.msk $0xffff, v5;
	v37 =	vadd.s32 s24, v7;
	v7 =	vadd.s32 s24, v8;
	v34 =	vor.u32 v10, v34  }
0xc7: {  	[tilespmem:v42+s18+$0x0] =	vst.idx.msk $0xffff, v3;
	v3 =	vld.idx.msk [tilespmem:v46+s13+$0x0], $0xffff;
	v37 =	vand.u32 $0x1FFF8, v37;
	v46 =	vadd.s32 s24, v9;
	v7 =	vand.u32 $0x1FFF8, v7  }
0xc8: {  	v24 =	vld [tilespmem:$0x1FFD0];
	v9 =	vadd.s32 s24, v21;
	v21 =	vmovc v11;
	v11 =	vadd.s32 s24, v0;
	v37 =	vor.u32 v2, v37  }
0xc9: {  	v8 =	vld.idx.msk [tilespmem:v33+s5+$0x0], $0xffff;
	[tilespmem:v59+s18+$0x0] =	vst.idx.msk $0xffff, v45;
	v7 =	vor.u32 v12, v7;
	v42 =	vand.u32 $0x1FFF8, v46;
	v9 =	vand.u32 $0x1FFF8, v9  }
0xca: {  	v59 =	vmovc v40;
	v46 =	vld.idx.msk [tilespmem:v63+s13+$0x0], $0xffff;
	v63 =	vmovc v32;
	v32 =	vadd.s32 s24, v30;
	v11 =	vand.u32 $0x1FFF8, v11;
	v40 =	vor.u32 v6, v42  }
0xcb: {  	v9 =	vor.u32 v10, v9;
	v42 =	vadd.s32 s24, v4;
	v4 =	vmovc v12;
	v12 =	vmovc v16;
	v16 =	vmov v18  }
0xcc: {  	v5 =	vmul.f32 $0.0e+00, v5;
	v32 =	vand.u32 $0x1FFF8, v32;
	v11 =	vor.u32 v16, v11;
	[tilespmem:v34+s18+$0x0] =	vst.idx.msk $0xffff, v44  }
0xcd: {  	v38 =	vand.u32 $0x1FFF8, v38;
	v42 =	vand.u32 $0x1FFF8, v42;
	[tilespmem:v37+s18+$0x0] =	vst.idx.msk $0xffff, v3;
	v3 =	vor.u32 v22, v32  }
0xce: {  	v49 =	vadd.s32 s4, v24;
	v44 =	vadd.s32 s24, v24;
	[tilespmem:v7+s18+$0x0] =	vst.idx.msk $0xffff, v5;
	v7 =	vor.u32 v12, v42  }
0xcf: {  	s31 =	sadd.s32 $0x2, s31;
	v34 =	vand.u32 $0x1FFF8, v44;
	v44 =	vor.u32 v2, v43;
	v32 =	vmul.f32 $0.0e+00, v45;
	[tilespmem:v40+s18+$0x0] =	vst.idx.msk $0xffff, v5  }
0xd0: {  	p1 =	slt.u32 s31, $0x7A;
	v37 =	vand.u32 $0x1FFF8, v41;
	v41 =	vand.u32 $0x1FFF8, v48;
	v34 =	vor.u32 v29, v34;
	[tilespmem:v9+s18+$0x0] =	vst.idx.msk $0xffff, v5  }
.Ltmp5:
0xd1: {  	v48 =	vand.u32 $0x1FFF8, v39;
	v45 =	vor.u32 v4, v47;
	v39 =	vor.u32 v22, v38;
	[tilespmem:v11+s18+$0x0] =	vst.idx.msk $0xffff, v5;
	(pc) =	sbr.rel @p1 .LBB2_4-.Ltmp5, $4  }
0xd2: {  	v18 =	vmov v29;
	s24 =	smov.u32 s9;
	v43 =	vor.u32 v6, v37;
	v42 =	vor.u32 v10, v41;
	[tilespmem:v3+s18+$0x0] =	vst.idx.msk $0xffff, v5  }
0xd3: {  	v41 =	vor.u32 v16, v36;
	v36 =	vor.u32 v12, v48;
	v3 =	vadd.s32 s24, v21;
	[tilespmem:v7+s18+$0x0] =	vst.idx.msk $0xffff, v5  }
0xd4: {  	[tilespmem:v35+s18+$0x0] =	vst.idx.msk $0xffff, v8;
	v9 =	vand.u32 $0x1FFF8, v49;
	v11 =	vmovc v21;
	v47 =	vld.idx.msk [tilespmem:v1+s13+$0x0], $0xffff;
	v1 =	vand.u32 $0x1FFF8, v3;
	v3 =	vadd.s32 s30, v23  }
0xd5: {  	s4 =	sadd.s32 $0x220, s4;
	v38 =	vor.u32 v29, v9;
	[tilespmem:v34+s18+$0x0] =	vst.idx.msk $0xffff, v5;
	v48 =	vor.u32 v12, v1;
	v49 =	vand.u32 $0x3FF8, v3  }
0xd6: {  	v40 =	vmov v14;
	v14 =	vld [tilespmem:$0x1FFF0];
	_ =	sdelay $0x4  }
0xd7: {  	v1 =	vor.u32 v14, v49  }
0xd8: {  	v7 =	vld.idx.msk [tilespmem:v33+s13+$0x0], $0xffff;
	_ =	sdelay $0x1  }
0xd9: {  	v3 =	vadd.s32 s24, v25  }
0xda: {  	v3 =	vand.u32 $0x1FFF8, v3;
	[tilespmem:v48+s18+$0x0] =	vst.idx.msk $0xffff, v47  }
0xdb: {  	v3 =	vor.u32 v16, v3;
	v5 =	vld.idx.msk [tilespmem:v1+s5+$0x0], $0xffff  }
0xdc: {  	[tilespmem:v62+s18+$0x0] =	vst.idx.msk $0xffff, v7  }
0xdd: {  	v7 =	vld.idx.msk [tilespmem:v31+s5+$0x0], $0xffff;
	_ =	sdelay $0x2  }
0xde: {  	v8 =	vadd.s32 s24, v26;
	[tilespmem:v3+s18+$0x0] =	vst.idx.msk $0xffff, v5  }
0xdf: {  	v3 =	vand.u32 $0x1FFF8, v8;
	v1 =	vld.idx.msk [tilespmem:v1+s13+$0x0], $0xffff  }
0xe0: {  	v5 =	vadd.s32 s30, v27;
	v3 =	vor.u32 v18, v3;
	v23 =	vld [tilespmem:$0x1FFE0];
	[tilespmem:v61+s18+$0x0] =	vst.idx.msk $0xffff, v7  }
0xe1: {  	v5 =	vand.u32 $0x3FF8, v5;
	[tilespmem:v56+s18+$0x0] =	vst.idx.msk $0xffff, v46  }
0xe2: {  	v5 =	vor.u32 v28, v5;
	[tilespmem:v53+s18+$0x0] =	vst.idx.msk $0xffff, v32  }
0xe3: {  	[tilespmem:v55+s18+$0x0] =	vst.idx.msk $0xffff, v32  }
0xe4: {  	[tilespmem:v57+s18+$0x0] =	vst.idx.msk $0xffff, v32  }
0xe5: {  	v7 =	vld.idx.msk [tilespmem:v31+s13+$0x0], $0xffff;
	v8 =	vadd.s32 s24, v23;
	[tilespmem:v3+s18+$0x0] =	vst.idx.msk $0xffff, v1  }
0xe6: {  	v37 =	vmov v13;
	v1 =	vand.u32 $0x1FFF8, v8;
	v13 =	vld [tilespmem:$0x1FF60]  }
0xe7: {  	v3 =	vld.idx.msk [tilespmem:v5+s5+$0x0], $0xffff;
	v1 =	vor.u32 v22, v1;
	_ =	sdelay $0x3  }
0xe8: {  	[tilespmem:v60+s18+$0x0] =	vst.idx.msk $0xffff, v7;
	v8 =	vadd.s32 s24, v13  }
0xe9: {  	[tilespmem:v1+s18+$0x0] =	vst.idx.msk $0xffff, v3;
	v1 =	vand.u32 $0x1FFF8, v8;
	v8 =	vld.idx.msk [tilespmem:v63+s5+$0x0], $0xffff  }
0xea: {  	v24 =	vld [tilespmem:$0x1FF70]  }
0xeb: {  	v5 =	vld.idx.msk [tilespmem:v5+s13+$0x0], $0xffff;
	[tilespmem:v52+s18+$0x0] =	vst.idx.msk $0xffff, v32  }
0xec: {  	v1 =	vor.u32 v2, v1;
	v46 =	vld [tilespmem:$0x1FF80]  }
0xed: {  	v0 =	vld [tilespmem:$0x1FFA0];
	[tilespmem:v51+s18+$0x0] =	vst.idx.msk $0xffff, v32  }
0xee: {  	v47 =	vld [tilespmem:$0x1FF90];
	[tilespmem:v58+s18+$0x0] =	vst.idx.msk $0xffff, v32  }
0xef: {  	v29 =	vld [tilespmem:$0x1FFB0];
	[tilespmem:v54+s18+$0x0] =	vst.idx.msk $0xffff, v32  }
0xf0: {  	v49 =	vld [tilespmem:$0x1FFC0];
	[tilespmem:v59+s18+$0x0] =	vst.idx.msk $0xffff, v8  }
0xf1: {  	v7 =	vadd.s32 s24, v24;
	[tilespmem:v1+s18+$0x0] =	vst.idx.msk $0xffff, v5  }
0xf2: {  	v1 =	vmul.f32 $0.0e+00, v3;
	v9 =	vadd.s32 s24, v46;
	v7 =	vand.u32 $0x1FFF8, v7;
	v51 =	vld [tilespmem:$0x1FFD0]  }
0xf3: {  	v11 =	vadd.s32 s24, v0;
	v7 =	vor.u32 v4, v7;
	v9 =	vand.u32 $0x1FFF8, v9  }
0xf4: {  	v31 =	vadd.s32 s24, v47;
	v11 =	vand.u32 $0x1FFF8, v11;
	v9 =	vor.u32 v6, v9  }
0xf5: {  	v58 =	vadd.s32 s24, v29;
	v11 =	vor.u32 v10, v11;
	v31 =	vand.u32 $0x1FFF8, v31  }
0xf6: {  	v60 =	vadd.s32 s24, v49;
	v3 =	vor.u32 v16, v31;
	v5 =	vand.u32 $0x1FFF8, v58  }
0xf7: {  	v5 =	vor.u32 v22, v5;
	v31 =	vand.u32 $0x1FFF8, v60;
	v61 =	vadd.s32 s24, v51  }
0xf8: {  	[tilespmem:v7+s18+$0x0] =	vst.idx.msk $0xffff, v1;
	v7 =	vor.u32 v12, v31;
	v31 =	vand.u32 $0x1FFF8, v61  }
0xf9: {  	[tilespmem:v9+s18+$0x0] =	vst.idx.msk $0xffff, v1;
	v9 =	vor.u32 v18, v31  }
0xfa: {  	[tilespmem:v11+s18+$0x0] =	vst.idx.msk $0xffff, v1;
	v11 =	vld.idx.msk [tilespmem:v63+s13+$0x0], $0xffff  }
0xfb: {  	[tilespmem:v3+s18+$0x0] =	vst.idx.msk $0xffff, v1  }
0xfc: {  	[tilespmem:v5+s18+$0x0] =	vst.idx.msk $0xffff, v1  }
0xfd: {  	[tilespmem:v7+s18+$0x0] =	vst.idx.msk $0xffff, v1  }
0xfe: {  	[tilespmem:v9+s18+$0x0] =	vst.idx.msk $0xffff, v1;
	v1 =	vmul.f32 $0.0e+00, v8  }
0xff: {  	[tilespmem:v44+s18+$0x0] =	vst.idx.msk $0xffff, v11  }
0x100: {  	[tilespmem:v45+s18+$0x0] =	vst.idx.msk $0xffff, v1  }
0x101: {  	[tilespmem:v43+s18+$0x0] =	vst.idx.msk $0xffff, v1  }
0x102: {  	[tilespmem:v42+s18+$0x0] =	vst.idx.msk $0xffff, v1  }
0x103: {  	[tilespmem:v41+s18+$0x0] =	vst.idx.msk $0xffff, v1  }
0x104: {  	[tilespmem:v39+s18+$0x0] =	vst.idx.msk $0xffff, v1  }
0x105: {  	[tilespmem:v36+s18+$0x0] =	vst.idx.msk $0xffff, v1  }
0x106: {  	[tilespmem:v38+s18+$0x0] =	vst.idx.msk $0xffff, v1  }
0x107: {  	v3 =	vld [tilespmem:$0x1FDE0]  }
0x108: {  	v1 =	vld [tilespmem:$0x36A0];
	_ =	sdelay $0x4  }
0x109: {  	v1 =	vmul.f32 $5.000000000e-01, v1;
	_ =	sdelay $0x1  }
0x10a: {  	[tilespmem:v3+s18+$0x0] =	vst.idx.msk $0xffff, v1;
	v3 =	vld [tilespmem:$0x1FDF0]  }
0x10b: {  	v1 =	vld [tilespmem:$0x3E70];
	_ =	sdelay $0x4  }
0x10c: {  	v1 =	vmul.f32 $5.000000000e-01, v1;
	_ =	sdelay $0x1  }
0x10d: {  	[tilespmem:v3+s18+$0x0] =	vst.idx.msk $0xffff, v1;
	v3 =	vld [tilespmem:$0x1FE00]  }
0x10e: {  	v1 =	vld [tilespmem:$0x4640];
	_ =	sdelay $0x4  }
0x10f: {  	v1 =	vmul.f32 $5.000000000e-01, v1;
	_ =	sdelay $0x1  }
0x110: {  	[tilespmem:v3+s18+$0x0] =	vst.idx.msk $0xffff, v1;
	v3 =	vld [tilespmem:$0x1FE10];
	_ =	sdelay $0x4  }
0x111: {  	v5 =	vld [tilespmem:$0x1FE20];
	_ =	sdelay $0x2  }
0x112: {  	v1 =	vld.idx.msk [tilespmem:v3+s5+$0x0], $0xffff;
	_ =	sdelay $0x4  }
0x113: {  	[tilespmem:v5+s18+$0x0] =	vst.idx.msk $0xffff, v1  }
0x114: {  	v1 =	vld.idx.msk [tilespmem:v3+s13+$0x0], $0xffff  }
0x115: {  	v3 =	vld [tilespmem:$0x1FE30];
	_ =	sdelay $0x7  }
0x116: {  	[tilespmem:v3+s18+$0x0] =	vst.idx.msk $0xffff, v1;
	v3 =	vld [tilespmem:$0x1FE40];
	_ =	sdelay $0x4  }
0x117: {  	v5 =	vld [tilespmem:$0x1FE50];
	_ =	sdelay $0x2  }
0x118: {  	v1 =	vld.idx.msk [tilespmem:v3+s5+$0x0], $0xffff;
	_ =	sdelay $0x4  }
0x119: {  	[tilespmem:v5+s18+$0x0] =	vst.idx.msk $0xffff, v1  }
0x11a: {  	v1 =	vld.idx.msk [tilespmem:v3+s13+$0x0], $0xffff  }
0x11b: {  	v3 =	vld [tilespmem:$0x1FE60];
	_ =	sdelay $0x7  }
0x11c: {  	[tilespmem:v3+s18+$0x0] =	vst.idx.msk $0xffff, v1;
	v3 =	vld [tilespmem:$0x1FE70];
	_ =	sdelay $0x4  }
0x11d: {  	v5 =	vld [tilespmem:$0x1FE80];
	_ =	sdelay $0x2  }
0x11e: {  	v1 =	vld.idx.msk [tilespmem:v3+s5+$0x0], $0xffff;
	_ =	sdelay $0x4  }
0x11f: {  	[tilespmem:v5+s18+$0x0] =	vst.idx.msk $0xffff, v1;
	v5 =	vld [tilespmem:$0x1FE90];
	_ =	sdelay $0x2  }
0x120: {  	v3 =	vld.idx.msk [tilespmem:v3+s13+$0x0], $0xffff;
	_ =	sdelay $0x4  }
0x121: {  	[tilespmem:v5+s18+$0x0] =	vst.idx.msk $0xffff, v3;
	v3 =	vld [tilespmem:$0x1FEA0];
	_ =	sdelay $0x5  }
0x122: {  	v1 =	vmul.f32 $0.0e+00, v1;
	_ =	sdelay $0x1  }
0x123: {  	[tilespmem:v3+s18+$0x0] =	vst.idx.msk $0xffff, v1;
	v3 =	vld [tilespmem:$0x1FEB0];
	_ =	sdelay $0x7  }
0x124: {  	[tilespmem:v3+s18+$0x0] =	vst.idx.msk $0xffff, v1;
	v3 =	vld [tilespmem:$0x1FEC0]  }
0x125: {  	v5 =	vld [tilespmem:$0x1FED0]  }
0x126: {  	v7 =	vld [tilespmem:$0x1FEE0]  }
0x127: {  	v8 =	vld [tilespmem:$0x1FEF0]  }
0x128: {  	v9 =	vld [tilespmem:$0x1FF00];
	_ =	sdelay $0x2  }
0x129: {  	s4 =	simm.s32 $0x77;
	v30 =	vlaneseq.u32  }
0x12a: {  	s9 =	simm.s32 $0x11;
	[tilespmem:v3+s18+$0x0] =	vst.idx.msk $0xffff, v1;
	v3 =	vadd.s32 s4, v30  }
0x12b: {  	s31 =	simm.s32 $0x22;
	[tilespmem:v5+s18+$0x0] =	vst.idx.msk $0xffff, v1;
	v5 =	vadd.s32 s9, v30  }
0x12c: {  	[tilespmem:v7+s18+$0x0] =	vst.idx.msk $0xffff, v1;
	v7 =	vadd.s32 s31, v30  }
0x12d: {  	[tilespmem:v8+s18+$0x0] =	vst.idx.msk $0xffff, v1  }
0x12e: {  	s24 =	simm.s32 $0x44;
	[tilespmem:v9+s18+$0x0] =	vst.idx.msk $0xffff, v1  }
0x12f: {  	s26 =	simm.s32 $0x66;
	v8 =	vadd.s32 s24, v30;
	v1 =	vld.idx.msk [tilespmem:v3+s18+$0x0], $0xffff  }
0x130: {  	v9 =	vadd.s32 s26, v30;
	v5 =	vld.idx.msk [tilespmem:v5+s18+$0x0], $0xffff  }
0x131: {  	s28 =	simm.s32 $0x55;
	v7 =	vld.idx.msk [tilespmem:v7+s18+$0x0], $0xffff  }
0x132: {  	v11 =	vadd.s32 s28, v30  }
0x133: {  	s25 =	simm.s32 $0x0;
	s9 =	simm.s32 $0xCB60  }
0x134: {  	s29 =	simm.s32 $0x33;
	v3 =	vadd.s32 s25, v30;
	v8 =	vld.idx.msk [tilespmem:v8+s18+$0x0], $0xffff;
	[tilespmem:s9+$0x30] =	vst v1  }
0x135: {  	v31 =	vadd.s32 s29, v30;
	v3 =	vand.u32 $0x1FFF8, v3;
	v9 =	vld.idx.msk [tilespmem:v9+s18+$0x0], $0xffff;
	[tilespmem:s9+$0xFFFFFFD0] =	vst v5;
	v5 =	vmul.f32 v50, v5  }
0x136: {  	s4 =	simm.s32 $0x14860;
	v3 =	vor.u32 v2, v3;
	v1 =	vmul.f32 v50, v1;
	[tilespmem:s9+$0xFFFFFFE0] =	vst v7  }
0x137: {  	[tilespmem:s4+$0xFFFFFFD0] =	vst v5;
	v5 =	vmul.f32 v50, v7;
	v7 =	vld.idx.msk [tilespmem:v11+s18+$0x0], $0xffff  }
0x138: {  	s26 =	simm.s32 $0x99;
	[tilespmem:s4+$0x30] =	vst v1  }
0x139: {  	s30 =	simm.s32 $0xFF;
	s25 =	simm.s32 $0x88;
	v63 =	vadd.s32 s26, v30;
	[tilespmem:s9+$0x0] =	vst v8  }
0x13a: {  	s31 =	simm.s32 $0xAA;
	v62 =	vmul.f32 v50, v8;
	v8 =	vadd.s32 s30, v30;
	v11 =	vld.idx.msk [tilespmem:v31+s18+$0x0], $0xffff;
	v31 =	vadd.s32 s25, v30;
	[tilespmem:s9+$0x20] =	vst v9  }
0x13b: {  	v3 =	vld.idx.msk [tilespmem:v3+s18+$0x0], $0xffff;
	v31 =	vand.u32 $0x1FFF8, v31;
	v9 =	vmul.f32 v50, v9;
	[tilespmem:s4+$0xFFFFFFE0] =	vst v5;
	v5 =	vadd.s32 s31, v30  }
0x13c: {  	s28 =	simm.s32 $0xBB;
	v31 =	vor.u32 v2, v31;
	[tilespmem:s9+$0x10] =	vst v7;
	v7 =	vmul.f32 v50, v7  }
0x13d: {  	s29 =	simm.s32 $0xCC;
	[tilespmem:s4+$0x20] =	vst v9;
	v9 =	vadd.s32 s28, v30  }
0x13e: {  	v36 =	vld.idx.msk [tilespmem:v63+s18+$0x0], $0xffff;
	[tilespmem:s4+$0x10] =	vst v7;
	v7 =	vadd.s32 s29, v30  }
0x13f: {  	s30 =	simm.s32 $0xDD;
	[tilespmem:s4+$0x0] =	vst v62;
	v33 =	vld.idx.msk [tilespmem:v8+s18+$0x0], $0xffff  }
0x140: {  	v1 =	vadd.s32 s30, v30;
	[tilespmem:s9+$0xFFFFFFC0] =	vst v3;
	v35 =	vld.idx.msk [tilespmem:v5+s18+$0x0], $0xffff;
	v5 =	vmul.f32 v50, v11  }
0x141: {  	s31 =	simm.s32 $0xEE;
	[tilespmem:s9+$0xFFFFFFF0] =	vst v11;
	v31 =	vld.idx.msk [tilespmem:v31+s18+$0x0], $0xffff  }
0x142: {  	s9 =	simm.s32 $0xCBE0;
	v32 =	vld.idx.msk [tilespmem:v9+s18+$0x0], $0xffff;
	[tilespmem:s4+$0xFFFFFFF0] =	vst v5;
	v5 =	vadd.s32 s31, v30  }
0x143: {  	[tilespmem:s9+$0xFFFFFFD0] =	vst v36;
	v41 =	vld.idx.msk [tilespmem:v7+s18+$0x0], $0xffff  }
0x144: {  	[tilespmem:s9+$0x30] =	vst v33  }
0x145: {  	v38 =	vld.idx.msk [tilespmem:v1+s18+$0x0], $0xffff;
	[tilespmem:s9+$0xFFFFFFE0] =	vst v35  }
0x146: {  	v15 =	vmovc v25;
	v17 =	vmovc v26;
	v19 =	vmov v27;
	v20 =	vmov v28;
	v42 =	vmul.f32 v50, v3;
	[tilespmem:s9+$0xFFFFFFC0] =	vst v31  }
0x147: {  	v25 =	vmovc v13;
	v26 =	vmovc v46;
	v27 =	vmov v0;
	v28 =	vmov v47;
	v0 =	vmov v51;
	s24 =	simm.s32 $0x148E0;
	s26 =	simm.s32 $0x187;
	s25 =	simm.s32 $0x8;
	[tilespmem:s9+$0xFFFFFFF0] =	vst v32;
	v39 =	vld.idx.msk [tilespmem:v5+s18+$0x0], $0xffff  }
.LBB2_6:
0x148: {  	s28 =	sadd.s32 $0xFFFFFF89, s26;
	s29 =	sadd.s32 $0xFFFFFF9A, s26;
	s30 =	sadd.s32 $0xFFFFFFAB, s26;
	v1 =	vadd.s32 s26, v30;
	v3 =	vmul.f32 v50, v36;
	v5 =	vmul.f32 v50, v41;
	[tilespmem:s4+$0xFFFFFFC0] =	vst v42  }
0x149: {  	s25 =	sadd.s32 $0x8, s25;
	s4 =	smov.u32 s24;
	v7 =	vadd.s32 s28, v30;
	v8 =	vadd.s32 s29, v30;
	v9 =	vadd.s32 s30, v30;
	s28 =	sadd.s32 $0xFFFFFFCD, s26;
	[tilespmem:s9+$0x0] =	vst v41  }
0x14a: {  	v34 =	vmul.f32 v50, v38;
	p1 =	slt.u32 s25, $0x7C8;
	v7 =	vand.u32 $0x1FFF8, v7;
	v11 =	vadd.s32 s28, v30;
	[tilespmem:s9+$0x10] =	vst v38  }
0x14b: {  	s28 =	sadd.s32 $0xFFFFFFBC, s26;
	v7 =	vor.u32 v2, v7;
	[tilespmem:s24+$0xFFFFFFD0] =	vst v3  }
0x14c: {  	v35 =	vmul.f32 v50, v35;
	v3 =	vadd.s32 s28, v30;
	[tilespmem:s24+$0x0] =	vst v5  }
0x14d: {  	s28 =	sadd.s32 $0xFFFFFFDE, s26;
	v5 =	vmul.f32 v50, v39;
	v1 =	vld.idx.msk [tilespmem:v1+s18+$0x0], $0xffff;
	[tilespmem:s9+$0x20] =	vst v39  }
0x14e: {  	v36 =	vld.idx.msk [tilespmem:v8+s18+$0x0], $0xffff;
	v8 =	vadd.s32 s28, v30;
	[tilespmem:s24+$0xFFFFFFE0] =	vst v35  }
0x14f: {  	v35 =	vld.idx.msk [tilespmem:v9+s18+$0x0], $0xffff;
	[tilespmem:s24+$0x20] =	vst v5;
	v5 =	vmul.f32 v50, v33  }
0x150: {  	v9 =	vmul.f32 v50, v32;
	v7 =	vld.idx.msk [tilespmem:v7+s18+$0x0], $0xffff;
	[tilespmem:s24+$0x10] =	vst v34  }
0x151: {  	s28 =	sadd.s32 $0xFFFFFFEF, s26;
	v32 =	vld.idx.msk [tilespmem:v3+s18+$0x0], $0xffff;
	[tilespmem:s24+$0x30] =	vst v5  }
0x152: {  	s9 =	sadd.s32 $0x80, s9;
	v3 =	vadd.s32 s28, v30;
	v41 =	vld.idx.msk [tilespmem:v11+s18+$0x0], $0xffff;
	[tilespmem:s24+$0xFFFFFFF0] =	vst v9  }
.Ltmp6:
0x153: {  	v33 =	vmov v1;
	v38 =	vld.idx.msk [tilespmem:v8+s18+$0x0], $0xffff;
	[tilespmem:s9+$0x30] =	vst v1;
	(pc) =	sbr.rel @p1 .LBB2_6-.Ltmp6, $4  }
0x154: {  	[tilespmem:s9+$0xFFFFFFD0] =	vst v36  }
0x155: {  	[tilespmem:s9+$0xFFFFFFE0] =	vst v35  }
0x156: {  	v42 =	vmul.f32 v50, v31;
	v31 =	vmov v7;
	[tilespmem:s9+$0xFFFFFFC0] =	vst v7  }
0x157: {  	s26 =	sadd.s32 $0x88, s26;
	s24 =	sadd.s32 $0x80, s24;
	[tilespmem:s9+$0xFFFFFFF0] =	vst v32;
	v39 =	vld.idx.msk [tilespmem:v3+s18+$0x0], $0xffff  }
0x158: {  	[tilespmem:s4+$0xFFFFFFC0] =	vst v42  }
0x159: {  	v1 =	vmul.f32 v50, v36;
	[tilespmem:s9+$0x0] =	vst v41  }
0x15a: {  	v3 =	vmul.f32 v50, v41;
	[tilespmem:s9+$0x10] =	vst v38  }
0x15b: {  	v5 =	vmul.f32 v50, v38;
	[tilespmem:s24+$0xFFFFFFD0] =	vst v1  }
0x15c: {  	[tilespmem:s24+$0x0] =	vst v3  }
0x15d: {  	v1 =	vmul.f32 v50, v35;
	[tilespmem:s24+$0x10] =	vst v5  }
0x15e: {  	[tilespmem:s9+$0x20] =	vst v39;
	v3 =	vmul.f32 v50, v39  }
0x15f: {  	[tilespmem:s24+$0xFFFFFFE0] =	vst v1;
	v1 =	vmul.f32 v50, v33  }
0x160: {  	[tilespmem:s24+$0x20] =	vst v3;
	v3 =	vmul.f32 v50, v32  }
0x161: {  	s30 =	smul.u32 $0xFA0, s23;
	[tilespmem:s24+$0x30] =	vst v1;
	v1 =	vmul.f32 v50, v31  }
0x162: {  	[tilespmem:s24+$0xFFFFFFF0] =	vst v3  }
0x163: {  	s31 =	sadd.s32 s8, s30;
	[tilespmem:s24+$0xFFFFFFC0] =	vst v1  }
0x164: {  	[hbm4b:s31+s5] =	stream.linear.scatter [tilespmem:s19], [sflag:$0x2], $0x7D00, $0x38;
	[tilespmem:$0x1C520] =	vst v63  }
0x165: {  	s4 =	sadd.s32 s10, s30  }
0x166: {  	[hbm4b:s4+s5] =	stream.linear.scatter [tilespmem:s20], [sflag:$0x2], $0x7D00, $0x38;
	[tilespmem:$0x1C520] =	vst v63  }
0x167: {  	_ =	swait.ge [sflag:s21], $0x7D00  }
0x168: {  	[sflag:s21] =	ssyncset.done $0x0  }
0x169: {  	[sflag:s21] =	ssyncadd.s32 $0xFFFF8300  }
0x16a: {  	_ =	swait.ge [sflag:s21], $0x7D00  }
.Ltmp7:
0x16b: {  	v5 =	vld [tilespmem:$0x1FF10];
	(pc) =	sbr.rel .LBB2_8-.Ltmp7, $4  }
0x16c: {  	v7 =	vld [tilespmem:$0x1FF20]  }
0x16d: {  	v8 =	vld [tilespmem:$0x1FF30]  }
0x16e: {  	[sflag:s21] =	ssyncset.done $0x0;
	v9 =	vld [tilespmem:$0x1FF40]  }
0x16f: {  	v11 =	vmov v21;
	v1 =	vmov v37;
	v3 =	vmov v40;
	v13 =	vld [tilespmem:$0x1FF50];
	[sflag:s21] =	ssyncadd.s32 $0xFFFF8300  }
.LBB2_10:
0x170: {  	_ =	sfence.sel $0x180000  }
0x171: {  	[bflag:$0x0] =	sbarrier.arrive $0xFFFF  }
0x172: {  	_ =	strace $0x90000047  }
0x173: {  	s0 =	stileid.u32;
	[bflag:$0x2] =	sbarrier.arrive $0xFFFF  }
0x174: {  	p0 =	sne.s32 s0, $0x0;
	s0 =	rddreg [dreg:$0x5]  }
0x175: {  	s0 =	sadd.s32 @!p0 $0x100000, s0  }
0x176: {  	[sflag:s0] =	ssyncadd.tile.s32 @!p0 $0x1;
	_ =	shalt  }
.Lfunc_end2:
_tile_overlayer_lowered:
.L_overlay_start_2:
0x177: {  	(tag) =	ssettag $0x2  }
0x178: {  	s0 =	rddreg [dreg:$0x0];
	s2 =	stileid.u32  }
0x179: {  	s1 =	rddreg [dreg:$0x1];
	p0 =	sne.s32 s2, $0x0  }
0x17a: {  	s3 =	rddreg [dreg:$0x2];
	[bflag:$0x3] =	sbarrier.arrive $0xFFFF;
	s2 =	simm.s32 @!p0 $0x1C03  }
0x17b: {  	[timem:s3], [sflag:s2] =	dma.local @!p0 [hbm:s0], s1  }
0x17c: {  	s0 =	simm.s32 @!p0 $0x3  }
0x17d: {  	_ =	swait.ge @!p0 [sflag:s0], s1  }
0x17e: {  	s1 =	ssub.s32 @!p0 $0x0, s1;
	[sflag:s0] =	ssyncset.done @!p0 $0x0  }
0x17f: {  	[sflag:s0] =	ssyncadd.s32 @!p0 s1  }
0x180: {  	[bflag:$0x3] =	sbarrier.arrive $0xFFFF  }
0x181: {  	_ =	shalt  }

// kernel: kernel.7.cloned.1.call-start
scs
__scs_entry_jumppad:
0x0: {  	(pc) =	sbr.rel $0x88, $3  }
0x1: {  	(tag) =	ssettag $0x0;
	lr =	simm.s32 $0x1  }
0x2: {  	[smem:$0x3F9B] =	sst lr;
	_ =	strace $0xD0000000  }
0x3: {  	_ = 	snop  }
0x4: {  	_ = 	snop  }
0x5: {  	_ = 	snop  }
0x6: {  	_ = 	snop  }
0x7: {  	_ = 	snop  }
__scs_overlays_trampoline_lowered:
0x8: {  	[smem:$0x3FAA] =	sst s0  }
0x9: {  	[smem:$0x3FAB] =	sst s1  }
0xa: {  	[smem:$0x3FAC] =	sst s2  }
0xb: {  	[smem:$0x3FAD] =	sst s3  }
0xc: {  	[smem:$0x3FAE] =	sst s4  }
0xd: {  	[smem:$0x3FAF] =	sst s5  }
0xe: {  	[smem:$0x3FB0] =	sst s6  }
0xf: {  	[smem:$0x3FB1] =	sst s7  }
0x10: {  	[smem:$0x3FB2] =	sst s8  }
0x11: {  	[smem:$0x3FB3] =	sst s9;
	s0 =	simm.s32 @!p0 $0x0  }
0x12: {  	s1 =	sld [smem:$0x3F99];
	s0 =	simm.s32 @p0 $0x1  }
0x13: {  	[smem:$0x3FB4] =	sst s0;
	s0 =	simm.s32 @!p1 $0x0  }
0x14: {  	s2 =	sld [smem:$0x3F98];
	s0 =	simm.s32 @p1 $0x1  }
0x15: {  	[smem:$0x3FB5] =	sst s0;
	s0 =	simm.s32 @!p2 $0x0  }
0x16: {  	s3 =	sld [smem:$0x3FDB];
	s0 =	simm.s32 @p2 $0x1  }
0x17: {  	s4 =	simm.s32 $0x1BF5;
	[smem:$0x3FB7] =	sst s0  }
0x18: {  	s0 =	sld [smem:$0x3F9A];
	_ =	swait.ge [sflag:s4], $0x0  }
0x19: {  	s7 =	sld [smem:$0x3F9B]  }
0x1a: {  	s8 =	sadd.s32 $0xFFFFE003, lr  }
0x1b: {  	s9 =	sadd.s32 $0xFFFFFEF7, lr;
	s5 =	simm.s32 $0xFFFFFFFF;
	p2 =	slt.u32 s8, $0xFFFFF086  }
0x1c: {  	p1 =	slt.u32 s9, $0xF7A;
	s5 =	simm.s32 @!p2 $0x0  }
0x1d: {  	s5 =	simm.s32 @p1 $0x1;
	p0 =	seq.s32 s7, s2  }
0x1e: {  	s7 =	smul.u32 @!p0 $0xF7A, s2;
	p2 =	seq.s32 @!p0 s5, $0x0  }
0x1f: {  	s9 =	smul.u32 $0xF7A, s1;
	s8 =	simm.s32 @!p0 $0x1BF5;
	p2 =	por !p2, p0  }
0x20: {  	[sflag:s8] =	ssyncset.s32 @!p0 $0xFFFFF086;
	s6 =	sadd.s32 @!p0 s3, s7;
	s7 =	simm.s32 @!p0 $0x108  }
0x21: {  	s3 =	sadd.s32 s3, s9;
	s6 =	sadd.s32 @!p0 $0x88, s6;
	s7 =	simm.s32 @p2 $0x1082  }
0x22: {  	[simem:s7], [sflag:s8] =	dma.local @!p0 [hbm:s6], $0xF7A  }
0x23: {  	s9 =	sor.u32 $0xD0000000, s2;
	s6 =	simm.s32 $0x108;
	_ =	swait.ge @!p0 [sflag:s8], $0x0  }
0x24: {  	s3 =	sadd.s32 $0x88, s3;
	s6 =	simm.s32 @!p1 $0x1082;
	[sflag:s4] =	ssyncset.s32 $0xFFFFF086  }
0x25: {  	[simem:s6], [sflag:s4] =	dma.local [hbm:s3], $0xF7A  }
0x26: {  	[smem:$0x3F9B] =	sst s1;
	(tag) =	ssettag s2;
	_ =	strace s9  }
0x27: {  	s1 =	sld [smem:$0x3FAB]  }
0x28: {  	s2 =	sld [smem:$0x3FAC]  }
0x29: {  	s4 =	sld [smem:$0x3FAE]  }
0x2a: {  	p0 =	seq.s32 s5, $0x0;
	s5 =	sld [smem:$0x3FAF]  }
0x2b: {  	s6 =	sld [smem:$0x3FB0]  }
0x2c: {  	s7 =	sld [smem:$0x3FB1]  }
0x2d: {  	s3 =	simm.s32 $0x108;
	s8 =	sld [smem:$0x3FB2]  }
0x2e: {  	s3 =	simm.s32 @!p0 $0x1082;
	s9 =	sld [smem:$0x3FB3]  }
0x2f: {  	lr =	sadd.s32 s0, s3;
	s0 =	sld [smem:$0x3FAA]  }
0x30: {  	s3 =	sld [smem:$0x3FAD]  }
0x31: {  	[smem:$0x3FB6] =	sst s10  }
0x32: {  	s10 =	sld [smem:$0x3FB4];
	_ =	sdelay $0x3  }
0x33: {  	p0 =	seq.s32 s10, $0x1;
	s10 =	sld [smem:$0x3FB6];
	_ =	sdelay $0x3  }
0x34: {  	[smem:$0x3FB6] =	sst s10  }
0x35: {  	s10 =	sld [smem:$0x3FB5];
	_ =	sdelay $0x3  }
0x36: {  	p1 =	seq.s32 s10, $0x1;
	s10 =	sld [smem:$0x3FB6];
	_ =	sdelay $0x3  }
0x37: {  	[smem:$0x3FB6] =	sst s10  }
0x38: {  	s10 =	sld [smem:$0x3FB7]  }
0x39: {  	_ = 	snop;
	(pc) =	sbr.ind lr, $3  }
0x3a: {  	_ = 	snop  }
0x3b: {  	_ = 	snop  }
0x3c: {  	p2 =	seq.s32 s10, $0x1;
	s10 =	sld [smem:$0x3FB6]  }
0x3d: {  	_ =	shalt  }
0x3e: {  	_ =	shalt  }
0x3f: {  	_ =	shalt  }
0x40: {  	_ =	shalt  }
0x41: {  	_ =	shalt  }
0x42: {  	_ =	shalt  }
0x43: {  	_ =	shalt  }
0x44: {  	_ =	shalt  }
0x45: {  	_ =	shalt  }
0x46: {  	_ =	shalt  }
0x47: {  	_ =	shalt  }
0x48: {  	_ =	shalt  }
0x49: {  	_ =	shalt  }
0x4a: {  	_ =	shalt  }
0x4b: {  	_ =	shalt  }
0x4c: {  	_ =	shalt  }
0x4d: {  	_ =	shalt  }
0x4e: {  	_ =	shalt  }
0x4f: {  	_ =	shalt  }
0x50: {  	_ =	shalt  }
0x51: {  	_ =	shalt  }
0x52: {  	_ =	shalt  }
0x53: {  	_ =	shalt  }
0x54: {  	_ =	shalt  }
0x55: {  	_ =	shalt  }
0x56: {  	_ =	shalt  }
0x57: {  	_ =	shalt  }
0x58: {  	_ =	shalt  }
0x59: {  	_ =	shalt  }
0x5a: {  	_ =	shalt  }
0x5b: {  	_ =	shalt  }
0x5c: {  	_ =	shalt  }
0x5d: {  	_ =	shalt  }
0x5e: {  	_ =	shalt  }
0x5f: {  	_ =	shalt  }
0x60: {  	_ =	shalt  }
0x61: {  	_ =	shalt  }
0x62: {  	_ =	shalt  }
0x63: {  	_ =	shalt  }
0x64: {  	_ =	shalt  }
0x65: {  	_ =	shalt  }
0x66: {  	_ =	shalt  }
0x67: {  	_ =	shalt  }
0x68: {  	_ =	shalt  }
0x69: {  	_ =	shalt  }
0x6a: {  	_ =	shalt  }
0x6b: {  	_ =	shalt  }
0x6c: {  	_ =	shalt  }
0x6d: {  	_ =	shalt  }
0x6e: {  	_ =	shalt  }
0x6f: {  	_ =	shalt  }
0x70: {  	_ =	shalt  }
0x71: {  	_ =	shalt  }
0x72: {  	_ =	shalt  }
0x73: {  	_ =	shalt  }
0x74: {  	_ =	shalt  }
0x75: {  	_ =	shalt  }
0x76: {  	_ =	shalt  }
0x77: {  	_ =	shalt  }
0x78: {  	_ =	shalt  }
0x79: {  	_ =	shalt  }
0x7a: {  	_ =	shalt  }
0x7b: {  	_ =	shalt  }
0x7c: {  	_ =	shalt  }
0x7d: {  	_ =	shalt  }
0x7e: {  	_ =	shalt  }
0x7f: {  	_ =	shalt  }
0x80: {  	_ =	shalt  }
0x81: {  	_ =	shalt  }
0x82: {  	_ =	shalt  }
0x83: {  	_ =	shalt  }
0x84: {  	_ =	shalt  }
0x85: {  	_ =	shalt  }
0x86: {  	_ =	shalt  }
0x87: {  	_ =	shalt  }
.Lfunc_end0:
.L_simem_size_0:
called_computation.1_lowered:
.L_overlay_start_0:
0x88: {  	s2 =	sld [smem:$0x3FD9]  }
0x89: {  	s3 =	sld [smem:$0x3FFE];
	_ =	sdelay $0x1  }
0x8a: {  	s1 =	srdreg.scid  }
0x8b: {  	s0 =	sand.u32 $0x1, s1  }
0x8c: {  	s14 =	sshll.u32 s0, $0xA;
	s2 =	sadd.s32 s3, s2  }
0x8d: {  	s2 =	sadd.s32 s2, s14  }
0x8e: {  	[smem:$0x3FC2] =	sst s2  }
0x8f: {  	_ = 	snop  }
0x90: {  	s2 =	sld [smem:$0x3FD0];
	_ =	sdelay $0x2  }
0x91: {  	s15 =	simm.s32 $0xA;
	s4 =	simm.s32 $0x10  }
0x92: {  	[smem:s4], [sflag:s15] =	dma.local [hbm:s2], $0x1  }
0x93: {  	_ =	swait.eq [sflag:s15], $0x1  }
0x94: {  	s16 =	sld [smem:$0x10]  }
0x95: {  	s17 =	sld [smem:$0x11]  }
0x96: {  	s5 =	sld [smem:$0x12];
	[sflag:s15] =	ssyncset.done $0x0  }
0x97: {  	s6 =	sld [smem:$0x13];
	[sflag:s15] =	ssyncadd.s32 $0xFFFFFFFF  }
0x98: {  	s18 =	sld [smem:$0x14];
	(tm) =	ssettm $0x1  }
0x99: {  	s7 =	sld [smem:$0x3FFB];
	_ =	sdelay $0x3  }
0x9a: {  	_ =	strace s7  }
0x9b: {  	s7 =	sld [smem:$0x3FFC];
	_ =	sdelay $0x3  }
0x9c: {  	_ =	strace s7  }
0x9d: {  	s7 =	sld [smem:$0x3FFD];
	_ =	sdelay $0x3  }
0x9e: {  	_ =	strace s7  }
0x9f: {  	_ =	strace $0x8FFFFFFF  }
0xa0: {  	s19 =	sld [smem:$0x3FDB];
	_ =	sdelay $0x1  }
0xa1: {  	s8 =	simm.s32 $_scs_section_size  }
0xa2: {  	s9 =	simm.s32 $_size__tile_overlayer_lowered;
	s10 =	simm.s32 $_tile_overlayer_lowered  }
0xa3: {  	s22 =	simm.s32 $0x1BFF;
	s21 =	sshll.u32 s10, $0x1;
	s7 =	sadd.s32 s8, s19  }
0xa4: {  	s11 =	simm.s32 $0x0;
	s20 =	sshll.u32 s9, $0x1;
	s9 =	sadd.s32 s21, s7  }
0xa5: {  	[timem:s11], [sflag:s22] =	dma.local [hbm:s9], s20  }
0xa6: {  	_ =	swait.ge [sflag:s22], s20  }
0xa7: {  	s8 =	ssub.s32 $0x0, s20;
	[sflag:s22] =	ssyncset.done $0x0  }
0xa8: {  	[sflag:s22] =	ssyncadd.s32 s8;
	_ =	sdelay $0x1  }
0xa9: {  	s23 =	simm.s32 $0x1B8B  }
0xaa: {  	_ =	swait.ge [sflag:s23], $0x1  }
0xab: {  	[sflag:s23] =	ssyncset.done $0x0  }
0xac: {  	s25 =	simm.s32 $0x1B8E;
	s24 =	sld [smem:$0x3FFE];
	[sflag:s23] =	ssyncadd.s32 $0xFFFFFFFF  }
0xad: {  	s26 =	simm.s32 $execute0_lowered;
	[smem:$0x3FD2] =	sst s25  }
0xae: {  	s9 =	sshll.u32 s26, $0x1;
	_ =	strace $0x80000049;
	[dreg:$0x1] =	wrdreg $0xFFFFFFFF  }
0xaf: {  	s28 =	simm.s32 $_size_execute0_lowered;
	s7 =	sadd.s32 s7, s9;
	[dreg:$0x0] =	wrdreg $0x0  }
0xb0: {  	s9 =	sshll.u32 s28, $0x1;
	[dreg:$0x2] =	wrdreg s7  }
0xb1: {  	[dreg:$0x3] =	wrdreg s9  }
0xb2: {  	[dreg:$0x4] =	wrdreg $0xC0  }
0xb3: {  	_ =	task [dreg:s11], $0x5FFFF  }
0xb4: {  	[dreg:$0x1] =	wrdreg $0xFFFFFFFF  }
0xb5: {  	[dreg:$0x0] =	wrdreg $0x60  }
0xb6: {  	[dreg:$0x2] =	wrdreg s24  }
0xb7: {  	[dreg:$0x3] =	wrdreg s16  }
0xb8: {  	[dreg:$0x4] =	wrdreg s17  }
0xb9: {  	[dreg:$0x5] =	wrdreg s5  }
0xba: {  	[dreg:$0x6] =	wrdreg s6  }
0xbb: {  	[dreg:$0x7] =	wrdreg s18  }
0xbc: {  	[dreg:$0x8] =	wrdreg $0x9  }
0xbd: {  	_ =	task.clear_ibuf [dreg:s11], $0x9FFFF;
	_ =	strace $0x90000049  }
0xbe: {  	s29 =	simm.s32 $0x9;
	_ =	strace $0x8000004B  }
0xbf: {  	_ =	swait.ge [sflag:s29], $0x1  }
0xc0: {  	[sflag:s29] =	ssyncadd.s32 $0xFFFFFFFF  }
0xc1: {  	_ =	strace $0x9000004B  }
0xc2: {  	_ =	sfence  }
0xc3: {  	s30 =	sld [smem:$0x0];
	_ =	sdelay $0x2  }
0xc4: {  	s31 =	sshll.u32 s1, $0xD;
	s1 =	sshrl.u32 s1, $0x2  }
0xc5: {  	s3 =	sand.u32 $0x4000, s31;
	s1 =	sadd.s32 s1, s30  }
0xc6: {  	s0 =	sor.u32 s3, s0;
	s1 =	sshll.u32 s1, $0x11  }
0xc7: {  	s0 =	sor.u32 s1, s0  }
0xc8: {  	s0 =	sadd.s32 $0x8F2B, s0  }
0xc9: {  	[sflag:s0] =	ssyncadd.remote.s32 $0x1  }
0xca: {  	_ =	sfence.sel $0xFFFF  }
0xcb: {  	[dreg:$0x0] =	wrdreg $0xFFFFFFFF;
	(pc) =	sbr.abs _section_cstart, $3  }
0xcc: {  	[dreg:$0x1] =	wrdreg $0xFFFFFFFF  }
0xcd: {  	_ =	task.clear_ibuf [dreg:s11], $0x2FFFF;
	_ =	strace $0x9FFFFFFF  }
0xce: {  	(tm) =	ssettm $0x7FFFFFFF  }
0xcf: {  	_ =	shalt  }
tec
execute0_lowered:
.L_overlay_start_1:
0x0: {  	(tag) =	ssettag $0x1  }
0x1: {  	s0 =	rddreg [dreg:$0x0];
	s7 =	simm.s32 $0x0;
	s1 =	srdreg.scid  }
0x2: {  	s4 =	stileid.u32;
	v2 =	vimm.s32 $0x7654321;
	s31 =	simm.s32 $0x5;
	s6 =	simm.s32 $0x8800  }
0x3: {  	v3 =	vimm.s32 $0x10765432;
	v5 =	vimm.s32 $0x21076543;
	s30 =	simm.s32 $0x9;
	[smem:$0x7FF] =	sst s7;
	s1 =	sand.u32 $0x1, s1  }
0x4: {  	v0 =	vlaneseq.u32;
	v10 =	vimm.s32 $0x54321076;
	v11 =	vimm.s32 $0x32107654;
	s2 =	sshll.u32 s4, $0x1;
	s8 =	sadd.s32 $0x5000, s0;
	s10 =	sadd.s32 $0x66C00, s0  }
0x5: {  	v12 =	vimm.s32 $0x65432107;
	s11 =	sadd.s32 $0x35E00, s0;
	s18 =	sadd.s32 $0xC8680, s0;
	v1 =	vmul.u32 $0x11, v0;
	s5 =	sor.u32 s1, s2  }
0x6: {  	v4 =	vunpack.c.l.s4.s8 v2;
	p0 =	sgt.u32 s4, $0x4;
	v2 =	vand.u32 $0x7, v0;
	v6 =	vunpack.c.l.s4.s8 v3;
	_ =	strace $0x8000004A;
	s26 =	sor.u32 $0x40, s5  }
0x7: {  	v8 =	vunpack.c.l.s4.s8 v5;
	v14 =	vunpack.c.l.s4.s8 v12;
	v12 =	vimm.s32 $0x43210765;
	s2 =	sshll.u32 s5, $0x6;
	s28 =	sor.u32 $0x60, s5;
	[dreg:$0xb] =	wrdreg s26  }
0x8: {  	v10 =	vunpack.c.l.s4.s8 v10;
	v13 =	vunpack.c.l.s4.s8 v11;
	s3 =	ssub.s32 $0x2, s1;
	v16 =	vunpack.c.l.s4.s8 v12;
	s2 =	sadd.s32 s10, s2;
	[dreg:$0xc] =	wrdreg s28  }
.Ltmp0:
0x9: {  	v3 =	vadd.s32 $0x1, v1;
	v4 =	vunpack.c.0.s8.s32 v4;
	v5 =	vadd.s32 $0x2, v1;
	s24 =	sadd.s32 $0x61A80, s2;
	[dreg:$0x7] =	wrdreg s2;
	(pc) =	sbr.rel .LBB2_1-.Ltmp0, $4  }
0xa: {  	s23 =	sshrl.u32 s3, $0x1;
	v6 =	vunpack.c.0.s8.s32 v6;
	v7 =	vadd.s32 $0x3, v1;
	v8 =	vunpack.c.0.s8.s32 v8;
	s25 =	sadd.s32 $0x800, s2;
	[dreg:$0x8] =	wrdreg s24  }
0xb: {  	v9 =	vadd.s32 $0x6, v1;
	v10 =	vunpack.c.0.s8.s32 v10;
	v11 =	vadd.s32 $0x4, v1;
	s1 =	ssub.s32 s3, s23;
	s2 =	sadd.s32 $0x62280, s2;
	[dreg:$0x9] =	wrdreg s25  }
0xc: {  	s0 =	simm.s32 $0x7;
	v12 =	vunpack.c.0.s8.s32 v13;
	v13 =	vadd.s32 $0x7, v1;
	v14 =	vunpack.c.0.s8.s32 v14;
	s29 =	smax.u32 s1, $0x1;
	[dreg:$0xa] =	wrdreg s2  }
0xd: {  	s17 =	smov.u32 s5;
	v15 =	vadd.s32 $0x5, v1;
	v17 =	vadd.s32 $0x8, v1;
	v16 =	vunpack.c.0.s8.s32 v16;
	s3 =	simm.s32 $0x0;
	[dreg:$0xd] =	wrdreg s29  }
.LBB2_13:
0xe: {  	s1 =	simm.s32 @!p0 $0xA  }
0xf: {  	_ =	swait.ge @!p0 [sflag:s1], $0x200  }
0x10: {  	[sflag:s1] =	ssyncset.done @!p0 $0x0  }
0x11: {  	[sflag:s1] =	ssyncadd.s32 @!p0 $0xFFFFFE00  }
0x12: {  	_ =	swait.ge @!p0 [sflag:s1], $0x200  }
0x13: {  	[sflag:s1] =	ssyncset.done @!p0 $0x0  }
0x14: {  	[sflag:s1] =	ssyncadd.s32 @!p0 $0xFFFFFE00  }
0x15: {  	_ =	swait.ge @!p0 [sflag:s1], $0x200  }
0x16: {  	[sflag:s1] =	ssyncset.done @!p0 $0x0  }
0x17: {  	[sflag:s1] =	ssyncadd.s32 @!p0 $0xFFFFFE00  }
0x18: {  	_ =	swait.ge @!p0 [sflag:s1], $0x800  }
0x19: {  	[sflag:s1] =	ssyncset.done @!p0 $0x0  }
0x1a: {  	[sflag:s1] =	ssyncadd.s32 @!p0 $0xFFFFF800  }
0x1b: {  	_ =	swait.ge @!p0 [sflag:s1], $0x800  }
0x1c: {  	s3 =	rddreg [dreg:$0xe]  }
0x1d: {  	s2 =	rddreg [dreg:$0xd];
	s3 =	sadd.s32 $0x1, s3  }
0x1e: {  	p1 =	sne.s32 s3, s2  }
.Ltmp1:
0x1f: {  	_ = 	snop;
	(pc) =	sbr.rel @!p1 .LBB2_14-.Ltmp1, $3  }
0x20: {  	_ =	sdelay $0x1  }
0x21: {  	[sflag:s1] =	ssyncset.done @!p0 $0x0  }
0x22: {  	[sflag:s1] =	ssyncadd.s32 @!p0 $0xFFFFF800  }
.LBB2_1:
0x23: {  	[dreg:$0xe] =	wrdreg s3  }
0x24: {  	s1 =	rddreg [dreg:$0x7]  }
0x25: {  	[tilespmem:s7], [sflag:$0x1] =	stream.linear.gather [hbm4b:s1+s7], $0x200, $0x38;
	[tilespmem:$0xD600] =	vst v63  }
0x26: {  	s26 =	rddreg [dreg:$0x8];
	s2 =	simm.s32 $0x400  }
0x27: {  	[tilespmem:s2], [sflag:$0x3] =	stream.linear.gather [hbm4b:s26+s7], $0x200, $0x38;
	[tilespmem:$0xD600] =	vst v63  }
0x28: {  	s28 =	rddreg [dreg:$0x9];
	s29 =	simm.s32 $0x200  }
0x29: {  	[tilespmem:s29], [sflag:$0x2] =	stream.linear.gather [hbm4b:s28+s7], $0x200, $0x38;
	[tilespmem:$0xD600] =	vst v63  }
0x2a: {  	s4 =	rddreg [dreg:$0xa];
	s5 =	simm.s32 $0x600;
	s9 =	simm.s32 $0x1  }
0x2b: {  	[tilespmem:s5], [sflag:$0x4] =	stream.linear.gather [hbm4b:s4+s7], $0x200, $0x38;
	[tilespmem:$0xD600] =	vst v63  }
0x2c: {  	_ =	swait.ge [sflag:s9], $0x200  }
0x2d: {  	[sflag:s9] =	ssyncset.done $0x0  }
0x2e: {  	s12 =	simm.s32 $0x3;
	[sflag:s9] =	ssyncadd.s32 $0xFFFFFE00  }
0x2f: {  	_ =	swait.ge [sflag:s12], $0x200  }
0x30: {  	[sflag:s12] =	ssyncset.done $0x0  }
0x31: {  	s13 =	simm.s32 $0x80;
	s14 =	simm.s32 $0x800;
	[sflag:s12] =	ssyncadd.s32 $0xFFFFFE00  }
0x32: {  	[tilespmem:s14], [sflag:$0x5] =	stream.indirect.gather [hbm4b:s8+s13], $0x10, s7, s13, $0xb8;
	[tilespmem:$0xD600] =	vst v63  }
0x33: {  	s15 =	simm.s32 $0x4800  }
0x34: {  	[tilespmem:s15], [sflag:$0x7] =	stream.indirect.gather [hbm4b:s11+s13], $0x10, s2, s13, $0xb8;
	[tilespmem:$0xD600] =	vst v63  }
0x35: {  	s16 =	simm.s32 $0x1000  }
0x36: {  	[tilespmem:s16], [sflag:$0x5] =	stream.indirect.gather [hbm4b:s8+s13], $0x10, s13, s13, $0xb8;
	[tilespmem:$0xD600] =	vst v63  }
0x37: {  	s19 =	simm.s32 $0x480;
	s20 =	simm.s32 $0x5000  }
0x38: {  	[tilespmem:s20], [sflag:$0x7] =	stream.indirect.gather [hbm4b:s11+s13], $0x10, s19, s13, $0xb8;
	[tilespmem:$0xD600] =	vst v63  }
0x39: {  	s21 =	simm.s32 $0x100;
	s22 =	simm.s32 $0x1800  }
0x3a: {  	[tilespmem:s22], [sflag:$0x5] =	stream.indirect.gather [hbm4b:s8+s13], $0x10, s21, s13, $0xb8;
	[tilespmem:$0xD600] =	vst v63  }
0x3b: {  	s23 =	simm.s32 $0x500;
	s24 =	simm.s32 $0x5800  }
0x3c: {  	[tilespmem:s24], [sflag:$0x7] =	stream.indirect.gather [hbm4b:s11+s13], $0x10, s23, s13, $0xb8;
	[tilespmem:$0xD600] =	vst v63  }
.Ltmp2:
0x3d: {  	_ = 	snop;
	(pc) =	sbr.rel .LBB2_2-.Ltmp2, $4  }
0x3e: {  	s25 =	simm.s32 $0x180;
	s26 =	simm.s32 $0x2000  }
0x3f: {  	[tilespmem:s26], [sflag:$0x5] =	stream.indirect.gather [hbm4b:s8+s13], $0x10, s25, s13, $0xb8;
	[tilespmem:$0xD600] =	vst v63  }
0x40: {  	s28 =	simm.s32 $0x580;
	s29 =	simm.s32 $0x6000;
	s23 =	simm.s32 $0x0  }
0x41: {  	[tilespmem:s29], [sflag:$0x7] =	stream.indirect.gather [hbm4b:s11+s13], $0x10, s28, s13, $0xb8;
	[tilespmem:$0xD600] =	vst v63  }
.LBB2_12:
0x42: {  	s23 =	sadd.s32 $0x1, s23  }
0x43: {  	p1 =	sne.s32 s23, $0x62  }
.Ltmp3:
0x44: {  	_ = 	snop;
	(pc) =	sbr.rel @!p1 .LBB2_13-.Ltmp3, $1  }
0x45: {  	_ =	sdelay $0x3  }
.LBB2_2:
0x46: {  	_ =	swait.ge [sflag:s31], $0x800  }
0x47: {  	[sflag:s31] =	ssyncset.done $0x0  }
0x48: {  	[sflag:s31] =	ssyncadd.s32 $0xFFFFF800  }
0x49: {  	_ =	swait.ge [sflag:s0], $0x800  }
0x4a: {  	[sflag:s0] =	ssyncset.done $0x0  }
0x4b: {  	[sflag:s0] =	ssyncadd.s32 $0xFFFFF800  }
0x4c: {  	_ =	swait.ge [sflag:s31], $0x800  }
0x4d: {  	[sflag:s31] =	ssyncset.done $0x0  }
0x4e: {  	[sflag:s31] =	ssyncadd.s32 $0xFFFFF800  }
0x4f: {  	_ =	swait.ge [sflag:s0], $0x800  }
0x50: {  	[sflag:s0] =	ssyncset.done $0x0  }
0x51: {  	[sflag:s0] =	ssyncadd.s32 $0xFFFFF800  }
0x52: {  	_ =	swait.ge [sflag:s31], $0x800  }
0x53: {  	[sflag:s31] =	ssyncset.done $0x0  }
0x54: {  	[sflag:s31] =	ssyncadd.s32 $0xFFFFF800  }
0x55: {  	_ =	swait.ge [sflag:s0], $0x800  }
0x56: {  	[sflag:s0] =	ssyncset.done $0x0  }
0x57: {  	[sflag:s0] =	ssyncadd.s32 $0xFFFFF800  }
0x58: {  	_ =	swait.ge [sflag:s31], $0x800  }
0x59: {  	s25 =	sshll.u32 s23, $0x6;
	[sflag:s31] =	ssyncset.done $0x0;
	s1 =	rddreg [dreg:$0xb]  }
0x5a: {  	[sflag:s31] =	ssyncadd.s32 $0xFFFFF800;
	s1 =	sadd.s32 s1, s25  }
0x5b: {  	_ =	swait.ge [sflag:s0], $0x800;
	p1 =	sgt.u32 s1, $0x1869  }
0x5c: {  	[sflag:s0] =	ssyncset.done $0x0;
	s1 =	sshll.u32 @!p1 s1, $0x6  }
0x5d: {  	s3 =	simm.s32 @!p1 $0x0;
	[sflag:s0] =	ssyncadd.s32 $0xFFFFF800;
	s2 =	sadd.s32 @!p1 s10, s1  }
0x5e: {  	[tilespmem:s3], [sflag:$0x1] =	stream.linear.gather @!p1 [hbm4b:s2+s3], $0x200, $0x38;
	[tilespmem:$0xD600] =	vst v63  }
0x5f: {  	p3 =	seq.s32 s23, $0x0;
	s1 =	sadd.s32 @!p1 s1, s18;
	s2 =	simm.s32 @!p1 $0x400  }
0x60: {  	[tilespmem:s2], [sflag:$0x3] =	stream.linear.gather @!p1 [hbm4b:s1+s3], $0x200, $0x38;
	[tilespmem:$0xD600] =	vst v63  }
0x61: {  	s1 =	simm.s32 @!p3 $0xA  }
0x62: {  	_ =	swait.ge @!p3 [sflag:s1], $0x200  }
0x63: {  	[sflag:s1] =	ssyncset.done @!p3 $0x0  }
0x64: {  	[sflag:s1] =	ssyncadd.s32 @!p3 $0xFFFFFE00  }
0x65: {  	_ =	swait.ge @!p3 [sflag:s1], $0x200  }
0x66: {  	[sflag:s1] =	ssyncset.done @!p3 $0x0  }
0x67: {  	[sflag:s1] =	ssyncadd.s32 @!p3 $0xFFFFFE00  }
0x68: {  	_ =	swait.ge @!p3 [sflag:s1], $0x200  }
0x69: {  	[sflag:s1] =	ssyncset.done @!p3 $0x0  }
0x6a: {  	[sflag:s1] =	ssyncadd.s32 @!p3 $0xFFFFFE00  }
0x6b: {  	_ =	swait.ge @!p3 [sflag:s1], $0x800  }
0x6c: {  	[sflag:s1] =	ssyncset.done @!p3 $0x0  }
0x6d: {  	s12 =	sor.u32 s17, s25;
	[sflag:s1] =	ssyncadd.s32 @!p3 $0xFFFFF800  }
0x6e: {  	s24 =	sor.u32 $0x20, s12;
	_ =	swait.ge @!p3 [sflag:s1], $0x800  }
0x6f: {  	p2 =	sgt.u32 s24, $0x1869;
	[sflag:s1] =	ssyncset.done @!p3 $0x0  }
0x70: {  	[sflag:s1] =	ssyncadd.s32 @!p3 $0xFFFFF800;
	s1 =	simm.s32 @!p2 $0x2  }
0x71: {  	_ =	swait.ge @!p2 [sflag:s1], $0x200  }
0x72: {  	[sflag:s1] =	ssyncset.done @!p2 $0x0  }
0x73: {  	[sflag:s1] =	ssyncadd.s32 @!p2 $0xFFFFFE00;
	s1 =	simm.s32 @!p2 $0x4  }
0x74: {  	_ =	swait.ge @!p2 [sflag:s1], $0x200  }
0x75: {  	s2 =	simm.s32 @!p2 $0x200;
	[sflag:s1] =	ssyncset.done @!p2 $0x0  }
0x76: {  	s3 =	simm.s32 @!p2 $0x2800;
	[sflag:s1] =	ssyncadd.s32 @!p2 $0xFFFFFE00;
	s1 =	simm.s32 @!p2 $0x80  }
0x77: {  	[tilespmem:s3], [sflag:$0x6] =	stream.indirect.gather @!p2 [hbm4b:s8+s1], $0x10, s2, s1, $0xb8;
	[tilespmem:$0xD600] =	vst v63  }
0x78: {  	s2 =	simm.s32 @!p2 $0x600;
	s3 =	simm.s32 @!p2 $0x6800  }
0x79: {  	[tilespmem:s3], [sflag:$0x8] =	stream.indirect.gather @!p2 [hbm4b:s11+s1], $0x10, s2, s1, $0xb8;
	[tilespmem:$0xD600] =	vst v63  }
0x7a: {  	s2 =	simm.s32 @!p2 $0x280;
	s3 =	simm.s32 @!p2 $0x3000  }
0x7b: {  	[tilespmem:s3], [sflag:$0x6] =	stream.indirect.gather @!p2 [hbm4b:s8+s1], $0x10, s2, s1, $0xb8;
	[tilespmem:$0xD600] =	vst v63  }
0x7c: {  	s2 =	simm.s32 @!p2 $0x680;
	s3 =	simm.s32 @!p2 $0x7000  }
0x7d: {  	[tilespmem:s3], [sflag:$0x8] =	stream.indirect.gather @!p2 [hbm4b:s11+s1], $0x10, s2, s1, $0xb8;
	[tilespmem:$0xD600] =	vst v63  }
0x7e: {  	s2 =	simm.s32 @!p2 $0x300;
	s3 =	simm.s32 @!p2 $0x3800  }
0x7f: {  	[tilespmem:s3], [sflag:$0x6] =	stream.indirect.gather @!p2 [hbm4b:s8+s1], $0x10, s2, s1, $0xb8;
	[tilespmem:$0xD600] =	vst v63  }
0x80: {  	s2 =	simm.s32 @!p2 $0x700;
	s3 =	simm.s32 @!p2 $0x7800  }
0x81: {  	[tilespmem:s3], [sflag:$0x8] =	stream.indirect.gather @!p2 [hbm4b:s11+s1], $0x10, s2, s1, $0xb8;
	[tilespmem:$0xD600] =	vst v63  }
0x82: {  	s2 =	simm.s32 @!p2 $0x380;
	s3 =	simm.s32 @!p2 $0x4000  }
0x83: {  	[tilespmem:s3], [sflag:$0x6] =	stream.indirect.gather @!p2 [hbm4b:s8+s1], $0x10, s2, s1, $0xb8;
	[tilespmem:$0xD600] =	vst v63  }
0x84: {  	s20 =	simm.s32 $0x840;
	s2 =	simm.s32 @!p2 $0x780;
	s3 =	simm.s32 @!p2 $0x8000  }
0x85: {  	[tilespmem:s3], [sflag:$0x8] =	stream.indirect.gather @!p2 [hbm4b:s11+s1], $0x10, s2, s1, $0xb8;
	[tilespmem:$0xD600] =	vst v63  }
0x86: {  	s2 =	simm.s32 $0x4840;
	v18 =	vld [tilespmem:s20+$0xFFFFFFC0]  }
0x87: {  	v19 =	vld [tilespmem:s2+$0xFFFFFFC0]  }
0x88: {  	v20 =	vld [tilespmem:s20+$0xFFFFFFD0]  }
0x89: {  	v21 =	vld [tilespmem:s2+$0xFFFFFFD0]  }
0x8a: {  	s21 =	simm.s32 $0x0;
	v22 =	vld [tilespmem:s20+$0xFFFFFFE0]  }
0x8b: {  	v23 =	vadd.s32 s21, v0;
	v25 =	vld [tilespmem:s2+$0xFFFFFFE0]  }
0x8c: {  	v23 =	vand.u32 $0x7FF8, v23;
	v27 =	vld [tilespmem:s20+$0xFFFFFFF0]  }
0x8d: {  	s4 =	simm.s32 $0x22;
	v23 =	vor.u32 v2, v23;
	v28 =	vld [tilespmem:s2+$0xFFFFFFF0]  }
0x8e: {  	s22 =	simm.s32 $0x11;
	v31 =	vadd.s32 s4, v0;
	v30 =	vld [tilespmem:s20+$0x0]  }
0x8f: {  	s26 =	simm.s32 $0x33;
	v29 =	vadd.s32 s22, v0;
	v32 =	vld [tilespmem:s2+$0x0]  }
0x90: {  	s29 =	simm.s32 $0x44;
	v33 =	vadd.s32 s26, v0;
	v24 =	vld [tilespmem:s20+$0x10];
	v18 =	vadd.f32 v19, v18  }
0x91: {  	v26 =	vld [tilespmem:s2+$0x10];
	v19 =	vadd.f32 v21, v20;
	v20 =	vadd.f32 v25, v22;
	v21 =	vadd.s32 s29, v0  }
0x92: {  	s5 =	simm.s32 $0x55;
	v22 =	vld [tilespmem:s20+$0x20];
	[tilespmem:v23+s6+$0x0] =	vst.idx.msk $0xffff, v18  }
0x93: {  	v27 =	vadd.f32 v28, v27;
	v25 =	vld [tilespmem:s2+$0x20];
	[tilespmem:v31+s6+$0x0] =	vst.idx.msk $0xffff, v20;
	v20 =	vadd.s32 s5, v0  }
0x94: {  	s28 =	simm.s32 $0x77;
	s13 =	simm.s32 $0x66;
	s4 =	simm.s32 $0xFF;
	v28 =	vadd.f32 v32, v30;
	[tilespmem:v29+s6+$0x0] =	vst.idx.msk $0xffff, v19;
	v23 =	vld [tilespmem:s20+$0x30]  }
0x95: {  	s3 =	simm.s32 $0x0;
	v18 =	vadd.s32 s28, v0;
	v19 =	vadd.s32 s13, v0;
	s13 =	simm.s32 $0x10;
	[tilespmem:v33+s6+$0x0] =	vst.idx.msk $0xffff, v27;
	v27 =	vld [tilespmem:s2+$0x30];
	s5 =	simm.s32 $0x8C0  }
.LBB2_3:
0x96: {  	v29 =	vld [tilespmem:s5+$0xFFFFFFC0];
	s1 =	sadd.s32 $0xFFFFFF89, s4;
	v30 =	vadd.s32 s4, v0;
	s3 =	sadd.s32 $0x8, s3;
	[tilespmem:v21+s6+$0x0] =	vst.idx.msk $0xffff, v28;
	v21 =	vadd.f32 v26, v24;
	s2 =	sadd.s32 $0x80, s2  }
0x97: {  	s14 =	sadd.s32 $0xFFFFFFAB, s4;
	v24 =	vld [tilespmem:s2+$0xFFFFFFC0];
	v26 =	vadd.s32 s1, v0;
	s1 =	sadd.s32 $0xFFFFFF9A, s4;
	p3 =	slt.u32 s3, $0x1F8  }
0x98: {  	s15 =	sadd.s32 $0xFFFFFFCD, s4;
	s19 =	sadd.s32 $0xFFFFFFDE, s4;
	v26 =	vand.u32 $0x7FF8, v26;
	v28 =	vld [tilespmem:s5+$0xFFFFFFD0];
	v31 =	vadd.s32 s1, v0;
	s1 =	sadd.s32 $0xFFFFFFBC, s4;
	[tilespmem:v20+s6+$0x0] =	vst.idx.msk $0xffff, v21;
	v22 =	vadd.f32 v25, v22  }
0x99: {  	v32 =	vadd.s32 s14, v0;
	v25 =	vor.u32 v2, v26;
	v26 =	vld [tilespmem:s2+$0xFFFFFFD0];
	v33 =	vadd.s32 s1, v0;
	s1 =	sadd.s32 $0xFFFFFFEF, s4  }
0x9a: {  	v21 =	vadd.s32 s15, v0;
	v20 =	vadd.s32 s19, v0;
	v34 =	vld [tilespmem:s5+$0xFFFFFFE0];
	[tilespmem:v19+s6+$0x0] =	vst.idx.msk $0xffff, v22;
	v22 =	vadd.f32 v27, v23  }
0x9b: {  	v19 =	vadd.s32 s1, v0;
	v23 =	vld [tilespmem:s2+$0xFFFFFFE0]  }
0x9c: {  	v24 =	vadd.f32 v24, v29;
	v27 =	vld [tilespmem:s5+$0xFFFFFFF0];
	[tilespmem:v18+s6+$0x0] =	vst.idx.msk $0xffff, v22;
	v18 =	vmov v30  }
0x9d: {  	v22 =	vld [tilespmem:s2+$0xFFFFFFF0]  }
0x9e: {  	s1 =	simm.s32 $0x0;
	[tilespmem:v25+s6+$0x0] =	vst.idx.msk $0xffff, v24;
	v24 =	vadd.f32 v26, v28;
	v28 =	vld [tilespmem:s5+$0x0]  }
0x9f: {  	v29 =	vld [tilespmem:s2+$0x0]  }
0xa0: {  	[tilespmem:v31+s6+$0x0] =	vst.idx.msk $0xffff, v24;
	v23 =	vadd.f32 v23, v34;
	v24 =	vld [tilespmem:s5+$0x10]  }
.Ltmp4:
0xa1: {  	v26 =	vld [tilespmem:s2+$0x10];
	(pc) =	sbr.rel @p3 .LBB2_3-.Ltmp4, $4  }
0xa2: {  	[tilespmem:v32+s6+$0x0] =	vst.idx.msk $0xffff, v23;
	v23 =	vadd.f32 v22, v27;
	v22 =	vld [tilespmem:s5+$0x20]  }
0xa3: {  	v25 =	vld [tilespmem:s2+$0x20]  }
0xa4: {  	[tilespmem:v33+s6+$0x0] =	vst.idx.msk $0xffff, v23;
	v28 =	vadd.f32 v29, v28;
	v23 =	vld [tilespmem:s5+$0x30]  }
0xa5: {  	s4 =	sadd.s32 $0x88, s4;
	s5 =	sadd.s32 $0x80, s5;
	v27 =	vld [tilespmem:s2+$0x30]  }
0xa6: {  	s22 =	simm.s32 $0x110  }
0xa7: {  	v29 =	vadd.s32 s22, v1  }
0xa8: {  	v29 =	vand.u32 $0x7FF8, v29  }
0xa9: {  	v24 =	vadd.f32 v26, v24;
	v22 =	vadd.f32 v25, v22;
	v25 =	vor.u32 v2, v29  }
0xaa: {  	[tilespmem:v21+s6+$0x0] =	vst.idx.msk $0xffff, v28;
	v26 =	vadd.s32 s1, v3;
	s2 =	simm.s32 $0x220;
	v21 =	vadd.f32 v27, v23;
	v23 =	vadd.s32 s1, v1  }
0xab: {  	v31 =	vadd.s32 s2, v3;
	[tilespmem:v20+s6+$0x0] =	vst.idx.msk $0xffff, v24;
	v24 =	vadd.s32 s1, v5;
	v20 =	vand.u32 $0x3FF8, v23  }
0xac: {  	[tilespmem:v19+s6+$0x0] =	vst.idx.msk $0xffff, v22;
	v22 =	vand.u32 $0x3FF8, v24;
	v24 =	vadd.s32 s1, v9;
	v19 =	vor.u32 v2, v20  }
0xad: {  	v23 =	vand.u32 $0x3FF8, v26;
	[tilespmem:v18+s6+$0x0] =	vst.idx.msk $0xffff, v21;
	v18 =	vadd.s32 s1, v7;
	v21 =	vadd.s32 s22, v3  }
0xae: {  	v20 =	vor.u32 v4, v23;
	v18 =	vand.u32 $0x3FF8, v18;
	v21 =	vand.u32 $0x7FF8, v21;
	v23 =	vld.idx.msk [tilespmem:v25+s6+$0x0], $0xffff  }
0xaf: {  	v25 =	vor.u32 v8, v18;
	v18 =	vand.u32 $0x3FF8, v24;
	v24 =	vor.u32 v4, v21  }
0xb0: {  	v32 =	vadd.s32 s22, v7;
	v30 =	vor.u32 v10, v18;
	v18 =	vadd.s32 s1, v13  }
0xb1: {  	v35 =	vadd.s32 s2, v11;
	v26 =	vadd.s32 s1, v15;
	v18 =	vand.u32 $0x3FF8, v18;
	v19 =	vld.idx.msk [tilespmem:v19+s6+$0x0], $0xffff  }
0xb2: {  	s3 =	simm.s32 $0x0;
	v49 =	vadd.s32 s22, v9;
	v28 =	vor.u32 v14, v18;
	v18 =	vand.u32 $0x3FF8, v26  }
0xb3: {  	s20 =	simm.s32 $0x330;
	v50 =	vadd.s32 s2, v15;
	v26 =	vor.u32 v16, v18;
	v18 =	vadd.s32 s22, v5;
	[tilespmem:s3+$0xAA10] =	vst v23  }
0xb4: {  	v51 =	vadd.s32 s2, v17;
	v29 =	vadd.s32 s20, v1;
	v18 =	vand.u32 $0x7FF8, v18;
	v24 =	vld.idx.msk [tilespmem:v24+s6+$0x0], $0xffff  }
0xb5: {  	v27 =	vadd.s32 s2, v1;
	v29 =	vand.u32 $0x7FF8, v29;
	v18 =	vor.u32 v6, v18  }
0xb6: {  	v39 =	vadd.s32 s22, v11;
	v27 =	vand.u32 $0x3FF8, v27;
	v29 =	vor.u32 v2, v29;
	[tilespmem:s3+$0xAA00] =	vst v19  }
0xb7: {  	v55 =	vadd.s32 s20, v7;
	v57 =	vadd.s32 s22, v13;
	v27 =	vor.u32 v2, v27;
	v20 =	vld.idx.msk [tilespmem:v20+s6+$0x0], $0xffff  }
0xb8: {  	v60 =	vadd.s32 s20, v9;
	v22 =	vor.u32 v6, v22;
	v19 =	vadd.s32 s2, v5  }
0xb9: {  	v32 =	vand.u32 $0x7FF8, v32;
	v19 =	vand.u32 $0x3FF8, v19;
	[tilespmem:s3+$0xAE10] =	vst v24;
	v24 =	vadd.s32 s2, v7  }
0xba: {  	v33 =	vor.u32 v6, v19;
	v18 =	vld.idx.msk [tilespmem:v18+s6+$0x0], $0xffff;
	v19 =	vand.u32 $0x3FF8, v24;
	v24 =	vadd.s32 s20, v3  }
0xbb: {  	v31 =	vand.u32 $0x3FF8, v31;
	v32 =	vor.u32 v8, v32;
	v36 =	vld.idx.msk [tilespmem:v29+s6+$0x0], $0xffff;
	v24 =	vand.u32 $0x7FF8, v24  }
0xbc: {  	v37 =	vld.idx.msk [tilespmem:v27+s6+$0x0], $0xffff;
	v34 =	vor.u32 v8, v19;
	v19 =	vadd.s32 s2, v9;
	v24 =	vor.u32 v4, v24;
	[tilespmem:s3+$0xAE00] =	vst v20  }
0xbd: {  	v39 =	vand.u32 $0x7FF8, v39;
	v31 =	vor.u32 v4, v31;
	v19 =	vand.u32 $0x3FF8, v19;
	v22 =	vld.idx.msk [tilespmem:v22+s6+$0x0], $0xffff  }
0xbe: {  	v23 =	vadd.s32 s1, v17;
	v20 =	vand.u32 $0x7FF8, v49;
	v29 =	vor.u32 v10, v19  }
0xbf: {  	s4 =	simm.s32 $0x20;
	v19 =	vand.u32 $0x3FF8, v35;
	v38 =	vor.u32 v10, v20;
	v20 =	vadd.s32 s20, v5;
	[tilespmem:s3+$0xB210] =	vst v18  }
0xc0: {  	v23 =	vand.u32 $0x3FF8, v23;
	[tilespmem:s4+$0xAA10] =	vst v36;
	v27 =	vor.u32 v12, v19;
	v20 =	vand.u32 $0x7FF8, v20;
	v32 =	vld.idx.msk [tilespmem:v32+s6+$0x0], $0xffff  }
0xc1: {  	[tilespmem:s4+$0xAA00] =	vst v37;
	v19 =	vadd.s32 s2, v13;
	s2 =	simm.s32 $0x440;
	v52 =	vor.u32 v6, v20;
	v20 =	vor.u32 v2, v23;
	v23 =	vld.idx.msk [tilespmem:v24+s6+$0x0], $0xffff  }
0xc2: {  	v48 =	vadd.s32 s22, v15;
	v54 =	vor.u32 v12, v39;
	v24 =	vadd.s32 s2, v1;
	[tilespmem:s3+$0xB200] =	vst v22;
	v22 =	vld.idx.msk [tilespmem:v31+s6+$0x0], $0xffff  }
0xc3: {  	s21 =	sand.u32 $0x600, s1;
	s5 =	sand.u32 $0x70, s13;
	v39 =	vand.u32 $0x7FF8, v55;
	v21 =	vadd.s32 s1, v11;
	v24 =	vand.u32 $0x3FF8, v24  }
0xc4: {  	s28 =	sor.u32 s21, s5;
	v39 =	vor.u32 v8, v39;
	v21 =	vand.u32 $0x3FF8, v21;
	v25 =	vld.idx.msk [tilespmem:v25+s6+$0x0], $0xffff;
	v24 =	vor.u32 v2, v24  }
0xc5: {  	s13 =	simm.s32 $0x550;
	v21 =	vor.u32 v12, v21;
	v35 =	vand.u32 $0x3FF8, v51;
	v18 =	vand.u32 $0x3FF8, v19;
	[tilespmem:s28+$0xB600] =	vst v32  }
0xc6: {  	s26 =	simm.s32 $0x0;
	v53 =	vadd.s32 s2, v3;
	v40 =	vadd.s32 s2, v5;
	v31 =	vadd.s32 s13, v1;
	v38 =	vld.idx.msk [tilespmem:v38+s6+$0x0], $0xffff;
	[tilespmem:s4+$0xAE10] =	vst v23  }
0xc7: {  	v56 =	vadd.s32 s2, v7;
	v58 =	vadd.s32 s2, v9;
	s3 =	sand.u32 $0x60, s26;
	v31 =	vand.u32 $0x7FF8, v31;
	[tilespmem:s4+$0xAE00] =	vst v22;
	v22 =	vld.idx.msk [tilespmem:v52+s6+$0x0], $0xffff  }
0xc8: {  	v59 =	vadd.s32 s2, v11;
	v62 =	vadd.s32 s2, v15;
	s14 =	sor.u32 s3, s21;
	v31 =	vor.u32 v2, v31;
	v33 =	vld.idx.msk [tilespmem:v33+s6+$0x0], $0xffff  }
0xc9: {  	v51 =	vadd.s32 s2, v17;
	v19 =	vor.u32 v14, v18;
	v18 =	vand.u32 $0x3FF8, v50;
	[tilespmem:s14+$0xB600] =	vst v25;
	v43 =	vld.idx.msk [tilespmem:v24+s6+$0x0], $0xffff  }
0xca: {  	v37 =	vand.u32 $0x3FF8, v53;
	v50 =	vand.u32 $0x7FF8, v48;
	v23 =	vand.u32 $0x3FF8, v40;
	v30 =	vld.idx.msk [tilespmem:v30+s6+$0x0], $0xffff  }
0xcb: {  	v37 =	vor.u32 v4, v37;
	v36 =	vor.u32 v6, v23;
	v23 =	vand.u32 $0x3FF8, v56;
	[tilespmem:s28+$0xC600] =	vst v38  }
0xcc: {  	v41 =	vor.u32 v8, v23;
	v23 =	vadd.s32 s13, v3;
	v25 =	vand.u32 $0x7FF8, v57;
	v32 =	vld.idx.msk [tilespmem:v54+s6+$0x0], $0xffff;
	[tilespmem:s4+$0xB210] =	vst v22  }
0xcd: {  	s9 =	simm.s32 $0x40;
	v44 =	vand.u32 $0x3FF8, v51;
	v23 =	vand.u32 $0x7FF8, v23;
	v40 =	vor.u32 v14, v25;
	v31 =	vld.idx.msk [tilespmem:v31+s6+$0x0], $0xffff;
	[tilespmem:s4+$0xB200] =	vst v33  }
0xce: {  	s16 =	simm.s32 $0x30;
	s5 =	simm.s32 $0x80;
	v51 =	vadd.s32 s20, v13;
	v18 =	vor.u32 v16, v18;
	v42 =	vor.u32 v4, v23;
	v61 =	vld.idx.msk [tilespmem:v39+s6+$0x0], $0xffff;
	[tilespmem:s9+$0xAA00] =	vst v43  }
0xcf: {  	s19 =	simm.s32 $0x20;
	s15 =	sand.u32 $0x600, s5;
	s21 =	sand.u32 $0x70, s16;
	v24 =	vand.u32 $0x7FF8, v60;
	v57 =	vadd.s32 s20, v11;
	v22 =	vadd.s32 s2, v13;
	[tilespmem:s14+$0xC600] =	vst v30;
	v30 =	vld.idx.msk [tilespmem:v34+s6+$0x0], $0xffff  }
0xd0: {  	s26 =	sand.u32 $0x60, s19;
	s19 =	sor.u32 s15, s21;
	s21 =	simm.s32 $0x770;
	v25 =	vand.u32 $0x3FF8, v58;
	v63 =	vor.u32 v10, v24;
	v22 =	vand.u32 $0x3FF8, v22;
	v54 =	vld.idx.msk [tilespmem:v37+s6+$0x0], $0xffff  }
0xd1: {  	v58 =	vadd.s32 s21, v1;
	v24 =	vor.u32 v14, v22;
	v22 =	vand.u32 $0x3FF8, v62;
	v49 =	vld.idx.msk [tilespmem:v21+s6+$0x0], $0xffff;
	[tilespmem:s28+$0xB680] =	vst v32  }
0xd2: {  	v25 =	vor.u32 v10, v25;
	[tilespmem:s9+$0xAA10] =	vst v31;
	v21 =	vor.u32 v16, v22;
	v22 =	vadd.s32 s13, v5;
	v31 =	vld.idx.msk [tilespmem:v40+s6+$0x0], $0xffff  }
0xd3: {  	v23 =	vand.u32 $0x3FF8, v59;
	s4 =	simm.s32 $0x660;
	v52 =	vld.idx.msk [tilespmem:v42+s6+$0x0], $0xffff;
	v22 =	vand.u32 $0x7FF8, v22;
	v32 =	vor.u32 v16, v50  }
0xd4: {  	s15 =	sor.u32 s26, s15;
	v59 =	vand.u32 $0x7FF8, v58;
	v55 =	vadd.s32 s4, v1;
	v53 =	vor.u32 v6, v22;
	[tilespmem:s19+$0xB600] =	vst v61  }
0xd5: {  	v23 =	vor.u32 v12, v23;
	v56 =	vadd.s32 s4, v3;
	v33 =	vand.u32 $0x3FF8, v55;
	[tilespmem:s15+$0xB600] =	vst v30;
	v30 =	vld.idx.msk [tilespmem:v63+s6+$0x0], $0xffff  }
0xd6: {  	v62 =	vadd.s32 s22, v17;
	v42 =	vand.u32 $0x7FF8, v57;
	v33 =	vor.u32 v2, v33;
	[tilespmem:s9+$0xAE00] =	vst v54;
	v29 =	vld.idx.msk [tilespmem:v29+s6+$0x0], $0xffff  }
0xd7: {  	v38 =	vand.u32 $0x7FF8, v62;
	v61 =	vor.u32 v2, v59;
	v36 =	vld.idx.msk [tilespmem:v36+s6+$0x0], $0xffff;
	[tilespmem:s28+$0xC680] =	vst v31;
	v31 =	vand.u32 $0x3FF8, v56  }
0xd8: {  	v60 =	vor.u32 v12, v42;
	[tilespmem:s9+$0xAE10] =	vst v52;
	v32 =	vld.idx.msk [tilespmem:v32+s6+$0x0], $0xffff;
	v63 =	vor.u32 v4, v31;
	v31 =	vadd.s32 s13, v7  }
0xd9: {  	v39 =	vand.u32 $0x7FF8, v51;
	v38 =	vor.u32 v2, v38;
	[tilespmem:s14+$0xB680] =	vst v49;
	v34 =	vld.idx.msk [tilespmem:v53+s6+$0x0], $0xffff;
	v31 =	vand.u32 $0x7FF8, v31  }
0xda: {  	v47 =	vadd.s32 s4, v5;
	v48 =	vadd.s32 s4, v7;
	v28 =	vld.idx.msk [tilespmem:v28+s6+$0x0], $0xffff;
	v31 =	vor.u32 v8, v31  }
0xdb: {  	v45 =	vor.u32 v14, v39;
	v55 =	vadd.s32 s4, v9;
	v57 =	vadd.s32 s4, v11;
	v54 =	vld.idx.msk [tilespmem:v33+s6+$0x0], $0xffff;
	[tilespmem:s19+$0xC600] =	vst v30  }
0xdc: {  	v62 =	vadd.s32 s4, v17;
	v58 =	vand.u32 $0x3FF8, v57;
	v22 =	vor.u32 v2, v35;
	v52 =	vld.idx.msk [tilespmem:v61+s6+$0x0], $0xffff;
	[tilespmem:s15+$0xC600] =	vst v29  }
0xdd: {  	v35 =	vand.u32 $0x3FF8, v47;
	v59 =	vadd.s32 s4, v13;
	v53 =	vadd.s32 s21, v3;
	v50 =	vld.idx.msk [tilespmem:v60+s6+$0x0], $0xffff;
	[tilespmem:s28+$0xB700] =	vst v32  }
0xde: {  	v49 =	vand.u32 $0x3FF8, v48;
	v37 =	vand.u32 $0x7FF8, v53;
	v56 =	vand.u32 $0x3FF8, v55;
	[tilespmem:s9+$0xB210] =	vst v34;
	v46 =	vld.idx.msk [tilespmem:v38+s6+$0x0], $0xffff  }
0xdf: {  	v61 =	vadd.s32 s20, v15;
	v37 =	vor.u32 v4, v37;
	[tilespmem:s9+$0xB200] =	vst v36;
	v47 =	vld.idx.msk [tilespmem:v31+s6+$0x0], $0xffff;
	v31 =	vadd.s32 s13, v9  }
0xe0: {  	s29 =	simm.s32 $0x60;
	v30 =	vor.u32 v6, v35;
	v60 =	vadd.s32 s4, v15;
	[tilespmem:s14+$0xC680] =	vst v28;
	v36 =	vld.idx.msk [tilespmem:v27+s6+$0x0], $0xffff;
	v31 =	vand.u32 $0x7FF8, v31  }
0xe1: {  	s5 =	simm.s32 $0x100;
	v33 =	vor.u32 v10, v56;
	v27 =	vand.u32 $0x3FF8, v60;
	[tilespmem:s29+$0xAA00] =	vst v54;
	v38 =	vld.idx.msk [tilespmem:v41+s6+$0x0], $0xffff;
	v39 =	vor.u32 v10, v31  }
0xe2: {  	s5 =	sand.u32 $0x600, s5;
	s26 =	simm.s32 $0x50;
	v29 =	vor.u32 v8, v49;
	v34 =	vor.u32 v16, v27;
	v32 =	vand.u32 $0x3FF8, v59;
	v42 =	vld.idx.msk [tilespmem:v63+s6+$0x0], $0xffff;
	[tilespmem:s19+$0xB680] =	vst v50  }
0xe3: {  	s1 =	simm.s32 $0x6;
	s16 =	sand.u32 $0x70, s26;
	v27 =	vadd.s32 s21, v5;
	s9 =	simm.s32 $0x40;
	[tilespmem:s29+$0xAA10] =	vst v52;
	v35 =	vld.idx.msk [tilespmem:v45+s6+$0x0], $0xffff;
	v31 =	vor.u32 v14, v32;
	v32 =	vand.u32 $0x7FF8, v61  }
0xe4: {  	s3 =	simm.s32 $0x880;
	s4 =	sor.u32 s5, s16;
	v28 =	vor.u32 v12, v58;
	s9 =	sand.u32 $0x60, s9;
	v63 =	vand.u32 $0x7FF8, v27;
	v41 =	vld.idx.msk [tilespmem:v37+s6+$0x0], $0xffff;
	v37 =	vor.u32 v16, v32;
	[tilespmem:s28+$0xC700] =	vst v46  }
0xe5: {  	s2 =	simm.s32 $0x180;
	v40 =	vld.idx.msk [tilespmem:v26+s6+$0x0], $0xffff;
	v27 =	vand.u32 $0x3FF8, v62;
	s22 =	sor.u32 s9, s5;
	v43 =	vor.u32 v6, v63;
	v32 =	vor.u32 v2, v44;
	s28 =	simm.s32 $0x180;
	[tilespmem:s4+$0xB600] =	vst v47  }
.LBB2_5:
0xe6: {  	v44 =	vadd.s32 s3, v1;
	v45 =	vadd.s32 s3, v3;
	s9 =	sadd.s32 $0x110, s3;
	s1 =	sadd.s32 $0x2, s1;
	[tilespmem:s22+$0xB600] =	vst v38;
	v38 =	vld.idx.msk [tilespmem:v39+s6+$0x0], $0xffff;
	v39 =	vadd.s32 s13, v11;
	v26 =	vmovc v18;
	v18 =	vmovc v21;
	s5 =	smov.u32 s4  }
0xe7: {  	v21 =	vmovc v34;
	v44 =	vand.u32 $0x3FF8, v44;
	v46 =	vadd.s32 s9, v1;
	p3 =	slt.u32 s1, $0x1E;
	v47 =	vld.idx.msk [tilespmem:v25+s6+$0x0], $0xffff;
	v39 =	vand.u32 $0x7FF8, v39;
	[tilespmem:s15+$0xB680] =	vst v36;
	v25 =	vmovc v33  }
0xe8: {  	v33 =	vor.u32 v2, v44;
	v34 =	vand.u32 $0x7FF8, v46;
	v36 =	vor.u32 v12, v39;
	v39 =	vld.idx.msk [tilespmem:v19+s6+$0x0], $0xffff;
	[tilespmem:s19+$0xC680] =	vst v35  }
0xe9: {  	v35 =	vand.u32 $0x3FF8, v45;
	v19 =	vmovc v24;
	v34 =	vor.u32 v2, v34;
	[tilespmem:s29+$0xAE10] =	vst v41;
	v37 =	vld.idx.msk [tilespmem:v37+s6+$0x0], $0xffff;
	v41 =	vadd.s32 s20, v17;
	s20 =	smov.u32 s13;
	s13 =	smov.u32 s21;
	s21 =	smov.u32 s9  }
0xea: {  	v24 =	vmovc v31;
	v44 =	vor.u32 v4, v35;
	[tilespmem:s29+$0xAE00] =	vst v42;
	v35 =	vld.idx.msk [tilespmem:v43+s6+$0x0], $0xffff;
	v42 =	vadd.s32 s13, v7;
	v41 =	vand.u32 $0x7FF8, v41  }
0xeb: {  	v31 =	vadd.s32 s3, v5;
	v43 =	vld.idx.msk [tilespmem:v30+s6+$0x0], $0xffff;
	v30 =	vand.u32 $0x7FF8, v42;
	v41 =	vor.u32 v2, v41;
	[tilespmem:s14+$0xB700] =	vst v40  }
0xec: {  	v31 =	vand.u32 $0x3FF8, v31;
	v40 =	vadd.s32 s3, v7;
	v42 =	vor.u32 v8, v30;
	[tilespmem:s5+$0xC600] =	vst v38;
	v45 =	vld.idx.msk [tilespmem:v20+s6+$0x0], $0xffff;
	v20 =	vmovc v22  }
0xed: {  	v30 =	vor.u32 v6, v31;
	v31 =	vand.u32 $0x3FF8, v40;
	v22 =	vmovc v32;
	[tilespmem:s22+$0xC600] =	vst v47;
	v40 =	vld.idx.msk [tilespmem:v36+s6+$0x0], $0xffff;
	v36 =	vadd.s32 s20, v13  }
0xee: {  	v31 =	vor.u32 v8, v31;
	v32 =	vld.idx.msk [tilespmem:v34+s6+$0x0], $0xffff;
	v34 =	vadd.s32 s21, v3;
	v36 =	vand.u32 $0x7FF8, v36;
	[tilespmem:s15+$0xC680] =	vst v39  }
0xef: {  	v46 =	vld.idx.msk [tilespmem:v33+s6+$0x0], $0xffff;
	v33 =	vadd.s32 s3, v9;
	v34 =	vand.u32 $0x7FF8, v34;
	v47 =	vor.u32 v14, v36;
	[tilespmem:s19+$0xB700] =	vst v37  }
0xf0: {  	v36 =	vadd.s32 s3, v11;
	v33 =	vand.u32 $0x3FF8, v33;
	v37 =	vor.u32 v4, v34;
	[tilespmem:s29+$0xB210] =	vst v35;
	v48 =	vld.idx.msk [tilespmem:v41+s6+$0x0], $0xffff  }
0xf1: {  	v34 =	vand.u32 $0x3FF8, v36;
	v35 =	vadd.s32 s13, v9;
	v33 =	vor.u32 v10, v33;
	[tilespmem:s29+$0xB200] =	vst v43;
	v49 =	vld.idx.msk [tilespmem:v42+s6+$0x0], $0xffff  }
0xf2: {  	s2 =	sadd.s32 $0x80, s2;
	v36 =	vadd.s32 s3, v13;
	v34 =	vor.u32 v12, v34;
	v35 =	vand.u32 $0x7FF8, v35;
	v38 =	vld.idx.msk [tilespmem:v29+s6+$0x0], $0xffff;
	[tilespmem:s14+$0xC700] =	vst v45;
	v29 =	vmovc v31;
	s14 =	smov.u32 s15;
	s15 =	smov.u32 s22  }
.Ltmp5:
0xf3: {  	v41 =	vadd.s32 s3, v15;
	s29 =	sshra.s32 s2, $0x2;
	v31 =	vand.u32 $0x3FF8, v36;
	v39 =	vor.u32 v10, v35;
	v36 =	vld.idx.msk [tilespmem:v23+s6+$0x0], $0xffff;
	[tilespmem:s5+$0xB680] =	vst v40;
	v23 =	vmovc v28;
	(pc) =	sbr.rel @p3 .LBB2_5-.Ltmp5, $4  }
0xf4: {  	s26 =	sadd.s32 $0x20, s26;
	v31 =	vor.u32 v14, v31;
	v40 =	vand.u32 $0x3FF8, v41;
	v28 =	vmovc v34;
	[tilespmem:s29+$0xAA10] =	vst v32;
	v35 =	vld.idx.msk [tilespmem:v47+s6+$0x0], $0xffff;
	v32 =	vadd.s32 s20, v15  }
0xf5: {  	s4 =	sadd.s32 $0xFFFFFFF0, s26;
	s9 =	sand.u32 $0x600, s28;
	s22 =	sand.u32 $0x70, s26;
	v34 =	vor.u32 v16, v40;
	[tilespmem:s29+$0xAA00] =	vst v46;
	v41 =	vld.idx.msk [tilespmem:v37+s6+$0x0], $0xffff;
	v37 =	vadd.s32 s21, v5;
	v32 =	vand.u32 $0x7FF8, v32  }
0xf6: {  	s16 =	sand.u32 $0x60, s4;
	s28 =	smov.u32 s2;
	s4 =	sor.u32 s9, s22;
	v40 =	vadd.s32 s3, v17;
	v42 =	vld.idx.msk [tilespmem:v44+s6+$0x0], $0xffff;
	v43 =	vand.u32 $0x7FF8, v37;
	v37 =	vor.u32 v16, v32;
	[tilespmem:s19+$0xC700] =	vst v48  }
0xf7: {  	s22 =	sor.u32 s16, s9;
	s3 =	sadd.s32 $0x220, s3;
	v32 =	vor.u32 v2, v27;
	v27 =	vand.u32 $0x3FF8, v40;
	s19 =	smov.u32 s5;
	v43 =	vor.u32 v6, v43;
	[tilespmem:s4+$0xB600] =	vst v49;
	v40 =	vld.idx.msk [tilespmem:v26+s6+$0x0], $0xffff  }
0xf8: {  	_ =	sdelay $0x2  }
0xf9: {  	v26 =	vadd.s32 s21, v7;
	[tilespmem:s29+$0xAE10] =	vst v41  }
0xfa: {  	v26 =	vand.u32 $0x7FF8, v26;
	[tilespmem:s29+$0xAE00] =	vst v42;
	v41 =	vld.idx.msk [tilespmem:v43+s6+$0x0], $0xffff  }
0xfb: {  	v26 =	vor.u32 v8, v26;
	v30 =	vld.idx.msk [tilespmem:v30+s6+$0x0], $0xffff;
	_ =	sdelay $0x3  }
0xfc: {  	v63 =	vadd.s32 s21, v9;
	[tilespmem:s29+$0xB210] =	vst v41  }
0xfd: {  	v44 =	vand.u32 $0x7FF8, v63;
	[tilespmem:s29+$0xB200] =	vst v30;
	v26 =	vld.idx.msk [tilespmem:v26+s6+$0x0], $0xffff  }
0xfe: {  	v30 =	vor.u32 v10, v44;
	v29 =	vld.idx.msk [tilespmem:v29+s6+$0x0], $0xffff  }
0xff: {  	s1 =	sadd.s32 $0x20, s26;
	[tilespmem:s22+$0xB600] =	vst v38  }
0x100: {  	s3 =	sand.u32 $0x600, s28;
	s2 =	sadd.s32 $0xFFFFFFF0, s1;
	s1 =	sand.u32 $0x70, s1;
	v25 =	vld.idx.msk [tilespmem:v25+s6+$0x0], $0xffff  }
0x101: {  	v45 =	vadd.s32 s13, v11;
	s5 =	sand.u32 $0x60, s2;
	s1 =	sor.u32 s3, s1  }
0x102: {  	v46 =	vld.idx.msk [tilespmem:v39+s6+$0x0], $0xffff;
	v48 =	vadd.s32 s21, v11;
	v47 =	vand.u32 $0x7FF8, v45;
	s3 =	sor.u32 s5, s3;
	[tilespmem:s1+$0xB600] =	vst v26  }
0x103: {  	v39 =	vor.u32 v12, v47;
	v26 =	vand.u32 $0x7FF8, v48;
	[tilespmem:s3+$0xB600] =	vst v29;
	v49 =	vld.idx.msk [tilespmem:v30+s6+$0x0], $0xffff  }
0x104: {  	v26 =	vor.u32 v12, v26;
	v50 =	vld.idx.msk [tilespmem:v33+s6+$0x0], $0xffff  }
0x105: {  	[tilespmem:s22+$0xC600] =	vst v25  }
0x106: {  	[tilespmem:s14+$0xB700] =	vst v40;
	v23 =	vld.idx.msk [tilespmem:v23+s6+$0x0], $0xffff  }
0x107: {  	v51 =	vadd.s32 s13, v13;
	v20 =	vld.idx.msk [tilespmem:v20+s6+$0x0], $0xffff;
	[tilespmem:s4+$0xC600] =	vst v46  }
0x108: {  	v53 =	vadd.s32 s21, v13;
	v52 =	vld.idx.msk [tilespmem:v39+s6+$0x0], $0xffff;
	v33 =	vand.u32 $0x7FF8, v51;
	[tilespmem:s1+$0xC600] =	vst v49  }
0x109: {  	v29 =	vand.u32 $0x7FF8, v53;
	v33 =	vor.u32 v14, v33;
	[tilespmem:s3+$0xC600] =	vst v50;
	v26 =	vld.idx.msk [tilespmem:v26+s6+$0x0], $0xffff  }
0x10a: {  	[tilespmem:s15+$0xB680] =	vst v36;
	v54 =	vor.u32 v14, v29;
	v28 =	vld.idx.msk [tilespmem:v28+s6+$0x0], $0xffff  }
0x10b: {  	v19 =	vld.idx.msk [tilespmem:v19+s6+$0x0], $0xffff;
	[tilespmem:s22+$0xB680] =	vst v23  }
0x10c: {  	[tilespmem:s14+$0xC700] =	vst v20;
	v24 =	vld.idx.msk [tilespmem:v24+s6+$0x0], $0xffff  }
0x10d: {  	v55 =	vadd.s32 s13, v15;
	[tilespmem:s4+$0xB680] =	vst v52  }
0x10e: {  	v58 =	vadd.s32 s21, v15;
	v25 =	vand.u32 $0x7FF8, v55;
	v56 =	vld.idx.msk [tilespmem:v33+s6+$0x0], $0xffff;
	[tilespmem:s1+$0xB680] =	vst v26  }
0x10f: {  	v57 =	vor.u32 v16, v25;
	v25 =	vand.u32 $0x7FF8, v58;
	v20 =	vld.idx.msk [tilespmem:v54+s6+$0x0], $0xffff;
	[tilespmem:s3+$0xB680] =	vst v28  }
0x110: {  	[tilespmem:s15+$0xC680] =	vst v19;
	v25 =	vor.u32 v16, v25;
	v28 =	vld.idx.msk [tilespmem:v31+s6+$0x0], $0xffff  }
0x111: {  	v18 =	vld.idx.msk [tilespmem:v18+s6+$0x0], $0xffff;
	[tilespmem:s22+$0xC680] =	vst v24  }
0x112: {  	v59 =	vadd.s32 s20, v17;
	[tilespmem:s19+$0xC680] =	vst v35;
	v21 =	vld.idx.msk [tilespmem:v21+s6+$0x0], $0xffff  }
0x113: {  	v60 =	vld.idx.msk [tilespmem:v37+s6+$0x0], $0xffff;
	v19 =	vadd.s32 s13, v17;
	v26 =	vand.u32 $0x7FF8, v59;
	[tilespmem:s4+$0xC680] =	vst v56  }
0x114: {  	v61 =	vadd.s32 s21, v17;
	v19 =	vand.u32 $0x7FF8, v19;
	v26 =	vor.u32 v2, v26;
	v23 =	vld.idx.msk [tilespmem:v57+s6+$0x0], $0xffff;
	[tilespmem:s1+$0xC680] =	vst v20  }
0x115: {  	v19 =	vor.u32 v2, v19;
	v24 =	vand.u32 $0x7FF8, v61;
	v20 =	vld.idx.msk [tilespmem:v25+s6+$0x0], $0xffff;
	[tilespmem:s3+$0xC680] =	vst v28  }
0x116: {  	[tilespmem:s15+$0xB700] =	vst v18;
	v24 =	vor.u32 v2, v24;
	v62 =	vld.idx.msk [tilespmem:v34+s6+$0x0], $0xffff  }
0x117: {  	v27 =	vor.u32 v2, v27;
	v18 =	vld.idx.msk [tilespmem:v22+s6+$0x0], $0xffff;
	[tilespmem:s22+$0xB700] =	vst v21  }
0x118: {  	[tilespmem:s19+$0xB700] =	vst v60;
	v21 =	vld.idx.msk [tilespmem:v32+s6+$0x0], $0xffff  }
0x119: {  	v26 =	vld.idx.msk [tilespmem:v26+s6+$0x0], $0xffff;
	[tilespmem:s4+$0xB700] =	vst v23  }
0x11a: {  	v19 =	vld.idx.msk [tilespmem:v19+s6+$0x0], $0xffff;
	[tilespmem:s1+$0xB700] =	vst v20  }
0x11b: {  	v20 =	vld.idx.msk [tilespmem:v24+s6+$0x0], $0xffff;
	[tilespmem:s3+$0xB700] =	vst v62  }
0x11c: {  	[tilespmem:s15+$0xC700] =	vst v18;
	v63 =	vld.idx.msk [tilespmem:v27+s6+$0x0], $0xffff  }
0x11d: {  	[tilespmem:s22+$0xC700] =	vst v21  }
0x11e: {  	[tilespmem:s19+$0xC700] =	vst v26  }
0x11f: {  	s9 =	rddreg [dreg:$0x1];
	[tilespmem:s4+$0xC700] =	vst v19  }
0x120: {  	s16 =	rddreg [dreg:$0x3];
	s5 =	sshll.u32 s12, $0x6;
	[tilespmem:s1+$0xC700] =	vst v20  }
0x121: {  	s13 =	simm.s32 $0xAA00;
	s14 =	rddreg [dreg:$0x2];
	s1 =	sadd.s32 s9, s5;
	[tilespmem:s3+$0xC700] =	vst v63  }
0x122: {  	[hbm4b:s1+s7] =	stream.linear.scatter [tilespmem:s13], [sflag:$0x9], $0x200, $0x38;
	[tilespmem:$0xD600] =	vst v63  }
0x123: {  	s20 =	sshll.u32 s12, $0x8;
	s15 =	simm.s32 $0xAE00;
	s1 =	sadd.s32 s14, s5  }
0x124: {  	[hbm4b:s1+s7] =	stream.linear.scatter [tilespmem:s15], [sflag:$0x9], $0x200, $0x38;
	[tilespmem:$0xD600] =	vst v63  }
0x125: {  	s21 =	rddreg [dreg:$0x5];
	s19 =	simm.s32 $0xB200;
	s1 =	sadd.s32 s16, s5  }
0x126: {  	[hbm4b:s1+s7] =	stream.linear.scatter [tilespmem:s19], [sflag:$0x9], $0x200, $0x38;
	[tilespmem:$0xD600] =	vst v63  }
0x127: {  	s26 =	rddreg [dreg:$0x4];
	s2 =	sadd.s32 s21, s20;
	s22 =	simm.s32 $0xB600  }
0x128: {  	[hbm4b:s2+s7] =	stream.linear.scatter [tilespmem:s22], [sflag:$0x9], $0x800, $0x38;
	[tilespmem:$0xD600] =	vst v63  }
0x129: {  	s28 =	simm.s32 $0xC600;
	s1 =	sadd.s32 s26, s20  }
0x12a: {  	[hbm4b:s1+s7] =	stream.linear.scatter [tilespmem:s28], [sflag:$0x9], $0x800, $0x38;
	[tilespmem:$0xD600] =	vst v63  }
0x12b: {  	s1 =	simm.s32 @!p2 $0x6  }
0x12c: {  	_ =	swait.ge @!p2 [sflag:s1], $0x800  }
0x12d: {  	[sflag:s1] =	ssyncset.done @!p2 $0x0  }
0x12e: {  	s2 =	simm.s32 @!p2 $0x8;
	[sflag:s1] =	ssyncadd.s32 @!p2 $0xFFFFF800  }
0x12f: {  	_ =	swait.ge @!p2 [sflag:s2], $0x800  }
0x130: {  	[sflag:s2] =	ssyncset.done @!p2 $0x0  }
0x131: {  	[sflag:s2] =	ssyncadd.s32 @!p2 $0xFFFFF800  }
0x132: {  	_ =	swait.ge @!p2 [sflag:s1], $0x800  }
0x133: {  	[sflag:s1] =	ssyncset.done @!p2 $0x0  }
0x134: {  	[sflag:s1] =	ssyncadd.s32 @!p2 $0xFFFFF800  }
0x135: {  	_ =	swait.ge @!p2 [sflag:s2], $0x800  }
0x136: {  	[sflag:s2] =	ssyncset.done @!p2 $0x0  }
0x137: {  	[sflag:s2] =	ssyncadd.s32 @!p2 $0xFFFFF800  }
0x138: {  	_ =	swait.ge @!p2 [sflag:s1], $0x800  }
0x139: {  	[sflag:s1] =	ssyncset.done @!p2 $0x0  }
0x13a: {  	[sflag:s1] =	ssyncadd.s32 @!p2 $0xFFFFF800  }
0x13b: {  	_ =	swait.ge @!p2 [sflag:s2], $0x800  }
0x13c: {  	[sflag:s2] =	ssyncset.done @!p2 $0x0  }
0x13d: {  	[sflag:s2] =	ssyncadd.s32 @!p2 $0xFFFFF800  }
0x13e: {  	_ =	swait.ge @!p2 [sflag:s1], $0x800  }
0x13f: {  	[sflag:s1] =	ssyncset.done @!p2 $0x0  }
0x140: {  	[sflag:s1] =	ssyncadd.s32 @!p2 $0xFFFFF800  }
0x141: {  	_ =	swait.ge @!p2 [sflag:s2], $0x800  }
0x142: {  	s29 =	rddreg [dreg:$0xc]  }
0x143: {  	s1 =	sadd.s32 s29, s25  }
0x144: {  	[sflag:s2] =	ssyncset.done @!p2 $0x0;
	p3 =	sgt.u32 s1, $0x1869  }
0x145: {  	[sflag:s2] =	ssyncadd.s32 @!p2 $0xFFFFF800;
	s1 =	sshll.u32 @!p3 s1, $0x6  }
0x146: {  	s3 =	simm.s32 @!p3 $0x0;
	s4 =	simm.s32 @!p3 $0x200;
	s2 =	sadd.s32 @!p3 s10, s1  }
0x147: {  	[tilespmem:s4], [sflag:$0x2] =	stream.linear.gather @!p3 [hbm4b:s2+s3], $0x200, $0x38;
	[tilespmem:$0xD600] =	vst v63  }
0x148: {  	s1 =	sadd.s32 @!p3 s1, s18;
	s2 =	simm.s32 @!p3 $0x600  }
0x149: {  	[tilespmem:s2], [sflag:$0x4] =	stream.linear.gather @!p3 [hbm4b:s1+s3], $0x200, $0x38;
	[tilespmem:$0xD600] =	vst v63  }
0x14a: {  	_ =	swait.ge [sflag:s30], $0x200  }
0x14b: {  	[sflag:s30] =	ssyncset.done $0x0  }
0x14c: {  	[sflag:s30] =	ssyncadd.s32 $0xFFFFFE00  }
0x14d: {  	_ =	swait.ge [sflag:s30], $0x200  }
0x14e: {  	[sflag:s30] =	ssyncset.done $0x0  }
0x14f: {  	[sflag:s30] =	ssyncadd.s32 $0xFFFFFE00  }
0x150: {  	_ =	swait.ge [sflag:s30], $0x200  }
0x151: {  	[sflag:s30] =	ssyncset.done $0x0  }
0x152: {  	[sflag:s30] =	ssyncadd.s32 $0xFFFFFE00  }
0x153: {  	_ =	swait.ge [sflag:s30], $0x800  }
0x154: {  	[sflag:s30] =	ssyncset.done $0x0  }
0x155: {  	[sflag:s30] =	ssyncadd.s32 $0xFFFFF800  }
0x156: {  	_ =	swait.ge [sflag:s30], $0x800  }
0x157: {  	[sflag:s30] =	ssyncset.done $0x0  }
0x158: {  	s1 =	simm.s32 @!p1 $0x1;
	[sflag:s30] =	ssyncadd.s32 $0xFFFFF800  }
0x159: {  	_ =	swait.ge @!p1 [sflag:s1], $0x200  }
0x15a: {  	[sflag:s1] =	ssyncset.done @!p1 $0x0  }
0x15b: {  	[sflag:s1] =	ssyncadd.s32 @!p1 $0xFFFFFE00;
	s1 =	simm.s32 @!p1 $0x3  }
0x15c: {  	_ =	swait.ge @!p1 [sflag:s1], $0x200  }
0x15d: {  	s2 =	simm.s32 @!p1 $0x0;
	[sflag:s1] =	ssyncset.done @!p1 $0x0  }
0x15e: {  	s3 =	simm.s32 @!p1 $0x800;
	[sflag:s1] =	ssyncadd.s32 @!p1 $0xFFFFFE00;
	s1 =	simm.s32 @!p1 $0x80  }
0x15f: {  	[tilespmem:s3], [sflag:$0x5] =	stream.indirect.gather @!p1 [hbm4b:s8+s1], $0x10, s2, s1, $0xb8;
	[tilespmem:$0xD600] =	vst v63  }
0x160: {  	s2 =	simm.s32 @!p1 $0x400;
	s3 =	simm.s32 @!p1 $0x4800  }
0x161: {  	[tilespmem:s3], [sflag:$0x7] =	stream.indirect.gather @!p1 [hbm4b:s11+s1], $0x10, s2, s1, $0xb8;
	[tilespmem:$0xD600] =	vst v63  }
0x162: {  	s2 =	simm.s32 @!p1 $0x1000  }
0x163: {  	[tilespmem:s2], [sflag:$0x5] =	stream.indirect.gather @!p1 [hbm4b:s8+s1], $0x10, s1, s1, $0xb8;
	[tilespmem:$0xD600] =	vst v63  }
0x164: {  	s3 =	simm.s32 @!p1 $0x5000;
	s2 =	simm.s32 @!p1 $0x480  }
0x165: {  	[tilespmem:s3], [sflag:$0x7] =	stream.indirect.gather @!p1 [hbm4b:s11+s1], $0x10, s2, s1, $0xb8;
	[tilespmem:$0xD600] =	vst v63  }
0x166: {  	s2 =	simm.s32 @!p1 $0x100;
	s3 =	simm.s32 @!p1 $0x1800  }
0x167: {  	[tilespmem:s3], [sflag:$0x5] =	stream.indirect.gather @!p1 [hbm4b:s8+s1], $0x10, s2, s1, $0xb8;
	[tilespmem:$0xD600] =	vst v63  }
0x168: {  	s2 =	simm.s32 @!p1 $0x500;
	s3 =	simm.s32 @!p1 $0x5800  }
0x169: {  	[tilespmem:s3], [sflag:$0x7] =	stream.indirect.gather @!p1 [hbm4b:s11+s1], $0x10, s2, s1, $0xb8;
	[tilespmem:$0xD600] =	vst v63  }
.Ltmp6:
0x16a: {  	_ = 	snop;
	(pc) =	sbr.rel @p2 .LBB2_12-.Ltmp6, $4  }
0x16b: {  	s2 =	simm.s32 @!p1 $0x180;
	s3 =	simm.s32 @!p1 $0x2000  }
0x16c: {  	[tilespmem:s3], [sflag:$0x5] =	stream.indirect.gather @!p1 [hbm4b:s8+s1], $0x10, s2, s1, $0xb8;
	[tilespmem:$0xD600] =	vst v63  }
0x16d: {  	s2 =	simm.s32 @!p1 $0x580;
	s3 =	simm.s32 @!p1 $0x6000  }
0x16e: {  	[tilespmem:s3], [sflag:$0x7] =	stream.indirect.gather @!p1 [hbm4b:s11+s1], $0x10, s2, s1, $0xb8;
	[tilespmem:$0xD600] =	vst v63  }
0x16f: {  	s1 =	simm.s32 $0x2840  }
0x170: {  	s3 =	simm.s32 $0x6840;
	v18 =	vld [tilespmem:s1+$0xFFFFFFC0]  }
0x171: {  	v19 =	vld [tilespmem:s3+$0xFFFFFFC0]  }
0x172: {  	v20 =	vld [tilespmem:s1+$0xFFFFFFD0]  }
0x173: {  	v21 =	vld [tilespmem:s3+$0xFFFFFFD0]  }
0x174: {  	s2 =	simm.s32 $0x0;
	v22 =	vld [tilespmem:s1+$0xFFFFFFE0]  }
0x175: {  	v23 =	vadd.s32 s2, v0;
	v25 =	vld [tilespmem:s3+$0xFFFFFFE0]  }
0x176: {  	v27 =	vld [tilespmem:s1+$0xFFFFFFF0];
	v23 =	vand.u32 $0x7FF8, v23  }
0x177: {  	s4 =	simm.s32 $0x22;
	v28 =	vld [tilespmem:s3+$0xFFFFFFF0];
	v23 =	vor.u32 v2, v23  }
0x178: {  	s22 =	simm.s32 $0x11;
	v30 =	vld [tilespmem:s1+$0x0];
	v31 =	vadd.s32 s4, v0  }
0x179: {  	s25 =	simm.s32 $0x33;
	v29 =	vadd.s32 s22, v0;
	v32 =	vld [tilespmem:s3+$0x0]  }
0x17a: {  	s28 =	simm.s32 $0x44;
	v33 =	vadd.s32 s25, v0;
	v24 =	vld [tilespmem:s1+$0x10];
	v18 =	vadd.f32 v19, v18  }
0x17b: {  	v26 =	vld [tilespmem:s3+$0x10];
	v19 =	vadd.f32 v21, v20;
	v20 =	vadd.f32 v25, v22;
	v21 =	vadd.s32 s28, v0  }
0x17c: {  	s29 =	simm.s32 $0x55;
	v22 =	vld [tilespmem:s1+$0x20];
	[tilespmem:v23+s6+$0x0] =	vst.idx.msk $0xffff, v18  }
0x17d: {  	v27 =	vadd.f32 v28, v27;
	v25 =	vld [tilespmem:s3+$0x20];
	[tilespmem:v31+s6+$0x0] =	vst.idx.msk $0xffff, v20;
	v20 =	vadd.s32 s29, v0  }
0x17e: {  	s26 =	simm.s32 $0x77;
	s5 =	simm.s32 $0x66;
	v28 =	vadd.f32 v32, v30;
	[tilespmem:v29+s6+$0x0] =	vst.idx.msk $0xffff, v19;
	v23 =	vld [tilespmem:s1+$0x30]  }
0x17f: {  	s12 =	simm.s32 $0x28C0;
	s4 =	simm.s32 $0x0;
	v18 =	vadd.s32 s26, v0;
	v19 =	vadd.s32 s5, v0;
	[tilespmem:v33+s6+$0x0] =	vst.idx.msk $0xffff, v27;
	v27 =	vld [tilespmem:s3+$0x30];
	s5 =	simm.s32 $0xFF  }
.LBB2_8:
0x180: {  	v29 =	vld [tilespmem:s12+$0xFFFFFFC0];
	s1 =	sadd.s32 $0xFFFFFF89, s5;
	v30 =	vadd.s32 s5, v0;
	s4 =	sadd.s32 $0x8, s4;
	[tilespmem:v21+s6+$0x0] =	vst.idx.msk $0xffff, v28;
	v21 =	vadd.f32 v26, v24;
	s3 =	sadd.s32 $0x80, s3  }
0x181: {  	s2 =	sadd.s32 $0xFFFFFFAB, s5;
	v24 =	vld [tilespmem:s3+$0xFFFFFFC0];
	v26 =	vadd.s32 s1, v0;
	s1 =	sadd.s32 $0xFFFFFF9A, s5;
	p1 =	slt.u32 s4, $0x1F8  }
0x182: {  	s9 =	sadd.s32 $0xFFFFFFCD, s5;
	s13 =	sadd.s32 $0xFFFFFFDE, s5;
	v26 =	vand.u32 $0x7FF8, v26;
	v28 =	vld [tilespmem:s12+$0xFFFFFFD0];
	v31 =	vadd.s32 s1, v0;
	s1 =	sadd.s32 $0xFFFFFFBC, s5;
	[tilespmem:v20+s6+$0x0] =	vst.idx.msk $0xffff, v21;
	v22 =	vadd.f32 v25, v22  }
0x183: {  	v32 =	vadd.s32 s2, v0;
	v25 =	vor.u32 v2, v26;
	v26 =	vld [tilespmem:s3+$0xFFFFFFD0];
	v33 =	vadd.s32 s1, v0;
	s1 =	sadd.s32 $0xFFFFFFEF, s5  }
0x184: {  	v21 =	vadd.s32 s9, v0;
	v20 =	vadd.s32 s13, v0;
	v34 =	vld [tilespmem:s12+$0xFFFFFFE0];
	[tilespmem:v19+s6+$0x0] =	vst.idx.msk $0xffff, v22;
	v22 =	vadd.f32 v27, v23  }
0x185: {  	v19 =	vadd.s32 s1, v0;
	v23 =	vld [tilespmem:s3+$0xFFFFFFE0]  }
0x186: {  	v24 =	vadd.f32 v24, v29;
	v27 =	vld [tilespmem:s12+$0xFFFFFFF0];
	[tilespmem:v18+s6+$0x0] =	vst.idx.msk $0xffff, v22;
	v18 =	vmov v30  }
0x187: {  	v22 =	vld [tilespmem:s3+$0xFFFFFFF0]  }
0x188: {  	s2 =	simm.s32 $0x0;
	s1 =	simm.s32 $0x10;
	[tilespmem:v25+s6+$0x0] =	vst.idx.msk $0xffff, v24;
	v24 =	vadd.f32 v26, v28;
	v28 =	vld [tilespmem:s12+$0x0]  }
0x189: {  	v29 =	vld [tilespmem:s3+$0x0]  }
0x18a: {  	[tilespmem:v31+s6+$0x0] =	vst.idx.msk $0xffff, v24;
	v23 =	vadd.f32 v23, v34;
	v24 =	vld [tilespmem:s12+$0x10]  }
.Ltmp7:
0x18b: {  	v26 =	vld [tilespmem:s3+$0x10];
	(pc) =	sbr.rel @p1 .LBB2_8-.Ltmp7, $4  }
0x18c: {  	[tilespmem:v32+s6+$0x0] =	vst.idx.msk $0xffff, v23;
	v23 =	vadd.f32 v22, v27;
	v22 =	vld [tilespmem:s12+$0x20]  }
0x18d: {  	v25 =	vld [tilespmem:s3+$0x20]  }
0x18e: {  	[tilespmem:v33+s6+$0x0] =	vst.idx.msk $0xffff, v23;
	v28 =	vadd.f32 v29, v28;
	v23 =	vld [tilespmem:s12+$0x30]  }
0x18f: {  	s5 =	sadd.s32 $0x88, s5;
	s12 =	sadd.s32 $0x80, s12;
	v27 =	vld [tilespmem:s3+$0x30]  }
0x190: {  	_ = 	snop  }
0x191: {  	s21 =	simm.s32 $0x110  }
0x192: {  	v29 =	vadd.s32 s21, v1  }
0x193: {  	v24 =	vadd.f32 v26, v24;
	v29 =	vand.u32 $0x7FF8, v29  }
0x194: {  	[tilespmem:v21+s6+$0x0] =	vst.idx.msk $0xffff, v28;
	s3 =	simm.s32 $0x220;
	v22 =	vadd.f32 v25, v22;
	v25 =	vor.u32 v2, v29  }
0x195: {  	v26 =	vadd.s32 s2, v3;
	v31 =	vadd.s32 s3, v3;
	[tilespmem:v20+s6+$0x0] =	vst.idx.msk $0xffff, v24;
	v24 =	vadd.s32 s2, v5  }
0x196: {  	v21 =	vadd.f32 v27, v23;
	v23 =	vadd.s32 s2, v1;
	[tilespmem:v19+s6+$0x0] =	vst.idx.msk $0xffff, v22;
	v22 =	vand.u32 $0x3FF8, v24  }
0x197: {  	v24 =	vadd.s32 s2, v9;
	v20 =	vand.u32 $0x3FF8, v23;
	v23 =	vand.u32 $0x3FF8, v26  }
0x198: {  	v19 =	vor.u32 v2, v20;
	[tilespmem:v18+s6+$0x0] =	vst.idx.msk $0xffff, v21;
	v18 =	vadd.s32 s2, v7;
	v21 =	vadd.s32 s21, v3  }
0x199: {  	v20 =	vor.u32 v4, v23;
	v18 =	vand.u32 $0x3FF8, v18;
	v21 =	vand.u32 $0x7FF8, v21;
	v23 =	vld.idx.msk [tilespmem:v25+s6+$0x0], $0xffff  }
0x19a: {  	v25 =	vor.u32 v8, v18;
	v18 =	vand.u32 $0x3FF8, v24;
	v24 =	vor.u32 v4, v21  }
0x19b: {  	v32 =	vadd.s32 s21, v7;
	v30 =	vor.u32 v10, v18;
	v18 =	vadd.s32 s2, v13  }
0x19c: {  	v35 =	vadd.s32 s3, v11;
	v26 =	vadd.s32 s2, v15;
	v18 =	vand.u32 $0x3FF8, v18  }
0x19d: {  	s4 =	simm.s32 $0x0;
	v53 =	vadd.s32 s21, v9;
	v28 =	vor.u32 v14, v18;
	v18 =	vand.u32 $0x3FF8, v26  }
0x19e: {  	s28 =	simm.s32 $0x440;
	v38 =	vadd.s32 s3, v17;
	v19 =	vld.idx.msk [tilespmem:v19+s6+$0x0], $0xffff;
	v26 =	vor.u32 v16, v18;
	v18 =	vadd.s32 s21, v5;
	[tilespmem:s4+$0xAC10] =	vst v23  }
0x19f: {  	s12 =	simm.s32 $0x330;
	v55 =	vadd.s32 s28, v3;
	v39 =	vadd.s32 s21, v11;
	v18 =	vand.u32 $0x7FF8, v18;
	v24 =	vld.idx.msk [tilespmem:v24+s6+$0x0], $0xffff  }
0x1a0: {  	v57 =	vadd.s32 s12, v7;
	v40 =	vadd.s32 s28, v5;
	v18 =	vor.u32 v6, v18  }
0x1a1: {  	v58 =	vadd.s32 s28, v7;
	v59 =	vadd.s32 s21, v13;
	v29 =	vadd.s32 s12, v1  }
0x1a2: {  	v31 =	vand.u32 $0x3FF8, v31;
	v27 =	vadd.s32 s3, v1;
	v29 =	vand.u32 $0x7FF8, v29  }
0x1a3: {  	v32 =	vand.u32 $0x7FF8, v32;
	v27 =	vand.u32 $0x3FF8, v27;
	v29 =	vor.u32 v2, v29;
	[tilespmem:s4+$0xAC00] =	vst v19  }
0x1a4: {  	v31 =	vor.u32 v4, v31;
	v27 =	vor.u32 v2, v27;
	v19 =	vadd.s32 s3, v5;
	v20 =	vld.idx.msk [tilespmem:v20+s6+$0x0], $0xffff;
	[tilespmem:s4+$0xB010] =	vst v24  }
0x1a5: {  	v22 =	vor.u32 v6, v22;
	v19 =	vand.u32 $0x3FF8, v19;
	v24 =	vadd.s32 s3, v7;
	v18 =	vld.idx.msk [tilespmem:v18+s6+$0x0], $0xffff  }
0x1a6: {  	v32 =	vor.u32 v8, v32;
	v33 =	vor.u32 v6, v19;
	v19 =	vand.u32 $0x3FF8, v24  }
0x1a7: {  	v24 =	vadd.s32 s12, v3;
	v34 =	vor.u32 v8, v19;
	v19 =	vadd.s32 s3, v9  }
0x1a8: {  	v36 =	vld.idx.msk [tilespmem:v29+s6+$0x0], $0xffff;
	v23 =	vadd.s32 s2, v17;
	v24 =	vand.u32 $0x7FF8, v24;
	v19 =	vand.u32 $0x3FF8, v19  }
0x1a9: {  	v37 =	vld.idx.msk [tilespmem:v27+s6+$0x0], $0xffff;
	v24 =	vor.u32 v4, v24;
	[tilespmem:s4+$0xB000] =	vst v20;
	v29 =	vor.u32 v10, v19;
	v19 =	vand.u32 $0x3FF8, v35  }
0x1aa: {  	v20 =	vand.u32 $0x7FF8, v53;
	v22 =	vld.idx.msk [tilespmem:v22+s6+$0x0], $0xffff;
	v27 =	vor.u32 v12, v19;
	v19 =	vadd.s32 s3, v13;
	[tilespmem:s4+$0xB410] =	vst v18  }
0x1ab: {  	v35 =	vor.u32 v10, v20;
	v18 =	vand.u32 $0x3FF8, v19;
	v19 =	vadd.s32 s3, v15;
	v32 =	vld.idx.msk [tilespmem:v32+s6+$0x0], $0xffff  }
0x1ac: {  	s5 =	simm.s32 $0x20;
	v20 =	vor.u32 v14, v18;
	v18 =	vand.u32 $0x3FF8, v19;
	v19 =	vadd.s32 s12, v5  }
0x1ad: {  	v60 =	vadd.s32 s28, v9;
	v23 =	vand.u32 $0x3FF8, v23;
	[tilespmem:s5+$0xAC10] =	vst v36;
	v19 =	vand.u32 $0x7FF8, v19  }
0x1ae: {  	s29 =	sand.u32 $0x600, s2;
	s1 =	sand.u32 $0x70, s1;
	v61 =	vadd.s32 s28, v11;
	[tilespmem:s5+$0xAC00] =	vst v37;
	v54 =	vor.u32 v6, v19;
	v19 =	vor.u32 v2, v23;
	v23 =	vld.idx.msk [tilespmem:v24+s6+$0x0], $0xffff  }
0x1af: {  	s25 =	sor.u32 s29, s1;
	v62 =	vadd.s32 s12, v9;
	v47 =	vadd.s32 s28, v15;
	v39 =	vand.u32 $0x7FF8, v39;
	[tilespmem:s4+$0xB400] =	vst v22;
	v22 =	vld.idx.msk [tilespmem:v31+s6+$0x0], $0xffff  }
0x1b0: {  	s20 =	simm.s32 $0x550;
	v49 =	vadd.s32 s21, v15;
	v56 =	vor.u32 v12, v39;
	v39 =	vand.u32 $0x7FF8, v57;
	v25 =	vld.idx.msk [tilespmem:v25+s6+$0x0], $0xffff;
	[tilespmem:s25+$0xBE00] =	vst v32  }
0x1b1: {  	v52 =	vadd.s32 s28, v17;
	v39 =	vor.u32 v8, v39;
	v31 =	vadd.s32 s20, v1;
	v35 =	vld.idx.msk [tilespmem:v35+s6+$0x0], $0xffff  }
0x1b2: {  	v21 =	vadd.s32 s2, v11;
	v24 =	vadd.s32 s28, v1;
	s4 =	simm.s32 $0x0;
	v31 =	vand.u32 $0x7FF8, v31  }
0x1b3: {  	v21 =	vand.u32 $0x3FF8, v21;
	v24 =	vand.u32 $0x3FF8, v24;
	s1 =	sand.u32 $0x60, s4;
	v31 =	vor.u32 v2, v31;
	[tilespmem:s5+$0xB010] =	vst v23  }
0x1b4: {  	v51 =	vand.u32 $0x7FF8, v49;
	v21 =	vor.u32 v12, v21;
	v24 =	vor.u32 v2, v24;
	s13 =	sor.u32 s1, s29;
	[tilespmem:s5+$0xB000] =	vst v22;
	v22 =	vld.idx.msk [tilespmem:v54+s6+$0x0], $0xffff  }
0x1b5: {  	v36 =	vand.u32 $0x3FF8, v38;
	v37 =	vand.u32 $0x3FF8, v55;
	v23 =	vand.u32 $0x3FF8, v40;
	[tilespmem:s13+$0xBE00] =	vst v25;
	v33 =	vld.idx.msk [tilespmem:v33+s6+$0x0], $0xffff  }
0x1b6: {  	v37 =	vor.u32 v4, v37;
	v38 =	vor.u32 v6, v23;
	v23 =	vand.u32 $0x3FF8, v58;
	v30 =	vld.idx.msk [tilespmem:v30+s6+$0x0], $0xffff;
	[tilespmem:s25+$0xCE00] =	vst v35  }
0x1b7: {  	s19 =	simm.s32 $0x770;
	v25 =	vand.u32 $0x7FF8, v59;
	v41 =	vor.u32 v8, v23;
	v23 =	vadd.s32 s20, v3;
	v32 =	vld.idx.msk [tilespmem:v56+s6+$0x0], $0xffff  }
0x1b8: {  	v59 =	vadd.s32 s19, v1;
	v40 =	vor.u32 v14, v25;
	v31 =	vld.idx.msk [tilespmem:v31+s6+$0x0], $0xffff;
	v23 =	vand.u32 $0x7FF8, v23  }
0x1b9: {  	v25 =	vand.u32 $0x3FF8, v60;
	v43 =	vld.idx.msk [tilespmem:v24+s6+$0x0], $0xffff;
	v60 =	vand.u32 $0x7FF8, v59;
	v42 =	vor.u32 v4, v23;
	[tilespmem:s5+$0xB410] =	vst v22  }
0x1ba: {  	v23 =	vand.u32 $0x3FF8, v61;
	v35 =	vor.u32 v2, v60;
	v22 =	vadd.s32 s28, v13;
	[tilespmem:s5+$0xB400] =	vst v33;
	v63 =	vld.idx.msk [tilespmem:v39+s6+$0x0], $0xffff  }
0x1bb: {  	v24 =	vor.u32 v12, v23;
	v23 =	vand.u32 $0x7FF8, v62;
	v22 =	vand.u32 $0x3FF8, v22;
	[tilespmem:s13+$0xCE00] =	vst v30;
	v30 =	vld.idx.msk [tilespmem:v34+s6+$0x0], $0xffff  }
0x1bc: {  	s9 =	simm.s32 $0x40;
	v48 =	vor.u32 v10, v23;
	v23 =	vor.u32 v14, v22;
	v22 =	vand.u32 $0x3FF8, v47;
	v50 =	vld.idx.msk [tilespmem:v21+s6+$0x0], $0xffff;
	[tilespmem:s25+$0xBE80] =	vst v32  }
0x1bd: {  	s14 =	simm.s32 $0x30;
	s16 =	simm.s32 $0x660;
	v44 =	vand.u32 $0x3FF8, v52;
	s5 =	simm.s32 $0x80;
	[tilespmem:s9+$0xAC10] =	vst v31;
	v21 =	vor.u32 v16, v22;
	v22 =	vadd.s32 s20, v5;
	v31 =	vld.idx.msk [tilespmem:v40+s6+$0x0], $0xffff  }
0x1be: {  	s15 =	simm.s32 $0x20;
	v49 =	vadd.s32 s16, v5;
	s4 =	sand.u32 $0x70, s14;
	s2 =	sand.u32 $0x600, s5;
	[tilespmem:s9+$0xAC00] =	vst v43;
	v53 =	vld.idx.msk [tilespmem:v42+s6+$0x0], $0xffff;
	v22 =	vand.u32 $0x7FF8, v22;
	v32 =	vor.u32 v16, v51  }
0x1bf: {  	v52 =	vadd.s32 s12, v13;
	v56 =	vadd.s32 s16, v1;
	s5 =	sand.u32 $0x60, s15;
	s15 =	sor.u32 s2, s4;
	v55 =	vld.idx.msk [tilespmem:v37+s6+$0x0], $0xffff;
	v54 =	vor.u32 v6, v22  }
0x1c0: {  	v57 =	vadd.s32 s16, v3;
	v18 =	vor.u32 v16, v18;
	v33 =	vand.u32 $0x3FF8, v56;
	s14 =	sor.u32 s5, s2;
	v35 =	vld.idx.msk [tilespmem:v35+s6+$0x0], $0xffff;
	[tilespmem:s15+$0xBE00] =	vst v63  }
0x1c1: {  	v58 =	vadd.s32 s12, v11;
	v62 =	vadd.s32 s21, v17;
	v33 =	vor.u32 v2, v33;
	[tilespmem:s14+$0xBE00] =	vst v30;
	v30 =	vld.idx.msk [tilespmem:v48+s6+$0x0], $0xffff  }
0x1c2: {  	v37 =	vand.u32 $0x7FF8, v62;
	v42 =	vand.u32 $0x7FF8, v58;
	v29 =	vld.idx.msk [tilespmem:v29+s6+$0x0], $0xffff;
	[tilespmem:s25+$0xCE80] =	vst v31;
	v31 =	vand.u32 $0x3FF8, v57  }
0x1c3: {  	v61 =	vor.u32 v12, v42;
	[tilespmem:s9+$0xB010] =	vst v53;
	v32 =	vld.idx.msk [tilespmem:v32+s6+$0x0], $0xffff;
	v63 =	vor.u32 v4, v31;
	v31 =	vadd.s32 s20, v7  }
0x1c4: {  	v59 =	vadd.s32 s16, v13;
	v37 =	vor.u32 v2, v37;
	[tilespmem:s13+$0xBE80] =	vst v50;
	v34 =	vld.idx.msk [tilespmem:v54+s6+$0x0], $0xffff;
	v31 =	vand.u32 $0x7FF8, v31  }
0x1c5: {  	s26 =	simm.s32 $0x60;
	v25 =	vor.u32 v10, v25;
	v60 =	vadd.s32 s16, v15;
	[tilespmem:s9+$0xB000] =	vst v55;
	v28 =	vld.idx.msk [tilespmem:v28+s6+$0x0], $0xffff;
	v31 =	vor.u32 v8, v31  }
0x1c6: {  	v62 =	vadd.s32 s16, v17;
	v22 =	vor.u32 v2, v36;
	v40 =	vand.u32 $0x7FF8, v52;
	v38 =	vld.idx.msk [tilespmem:v38+s6+$0x0], $0xffff;
	[tilespmem:s26+$0xAC10] =	vst v35  }
0x1c7: {  	v36 =	vand.u32 $0x3FF8, v49;
	v45 =	vor.u32 v14, v40;
	v50 =	vadd.s32 s16, v7;
	v54 =	vld.idx.msk [tilespmem:v33+s6+$0x0], $0xffff;
	[tilespmem:s15+$0xCE00] =	vst v30  }
0x1c8: {  	v55 =	vadd.s32 s16, v9;
	v51 =	vand.u32 $0x3FF8, v50;
	v53 =	vadd.s32 s19, v3;
	v39 =	vld.idx.msk [tilespmem:v61+s6+$0x0], $0xffff;
	[tilespmem:s25+$0xBF00] =	vst v32  }
0x1c9: {  	v56 =	vand.u32 $0x3FF8, v55;
	v30 =	vor.u32 v6, v36;
	v36 =	vand.u32 $0x7FF8, v53;
	[tilespmem:s9+$0xB410] =	vst v34;
	v47 =	vld.idx.msk [tilespmem:v37+s6+$0x0], $0xffff  }
0x1ca: {  	v57 =	vadd.s32 s16, v11;
	[tilespmem:s14+$0xCE00] =	vst v29;
	v46 =	vor.u32 v4, v36;
	v48 =	vld.idx.msk [tilespmem:v31+s6+$0x0], $0xffff;
	v31 =	vadd.s32 s20, v9  }
0x1cb: {  	v33 =	vor.u32 v10, v56;
	v58 =	vand.u32 $0x3FF8, v57;
	[tilespmem:s9+$0xB400] =	vst v38;
	v36 =	vld.idx.msk [tilespmem:v27+s6+$0x0], $0xffff;
	v31 =	vand.u32 $0x7FF8, v31  }
0x1cc: {  	v29 =	vor.u32 v8, v51;
	v27 =	vand.u32 $0x3FF8, v60;
	[tilespmem:s26+$0xAC00] =	vst v54;
	v37 =	vld.idx.msk [tilespmem:v41+s6+$0x0], $0xffff;
	v40 =	vor.u32 v10, v31  }
0x1cd: {  	s22 =	simm.s32 $0x50;
	s3 =	simm.s32 $0x880;
	s21 =	simm.s32 $0x100;
	v61 =	vadd.s32 s12, v15;
	v34 =	vor.u32 v16, v27;
	v32 =	vand.u32 $0x3FF8, v59;
	v42 =	vld.idx.msk [tilespmem:v63+s6+$0x0], $0xffff;
	[tilespmem:s15+$0xBE80] =	vst v39  }
0x1ce: {  	s28 =	simm.s32 $0x40;
	s29 =	sand.u32 $0x600, s21;
	[tilespmem:s13+$0xCE80] =	vst v28;
	v27 =	vadd.s32 s19, v5;
	s9 =	sand.u32 $0x70, s22;
	v35 =	vld.idx.msk [tilespmem:v45+s6+$0x0], $0xffff;
	v31 =	vor.u32 v14, v32;
	v32 =	vand.u32 $0x7FF8, v61  }
0x1cf: {  	s1 =	simm.s32 $0x6;
	s16 =	sand.u32 $0x60, s28;
	v28 =	vor.u32 v12, v58;
	v63 =	vand.u32 $0x7FF8, v27;
	s4 =	sor.u32 s29, s9;
	v41 =	vld.idx.msk [tilespmem:v46+s6+$0x0], $0xffff;
	v38 =	vor.u32 v16, v32;
	[tilespmem:s25+$0xCF00] =	vst v47  }
0x1d0: {  	s2 =	simm.s32 $0x180;
	s21 =	sor.u32 s16, s29;
	v27 =	vand.u32 $0x3FF8, v62;
	v43 =	vor.u32 v6, v63;
	v39 =	vld.idx.msk [tilespmem:v26+s6+$0x0], $0xffff;
	v32 =	vor.u32 v2, v44;
	s25 =	simm.s32 $0x180;
	[tilespmem:s4+$0xBE00] =	vst v48  }
.LBB2_10:
0x1d1: {  	v44 =	vadd.s32 s3, v1;
	v45 =	vadd.s32 s3, v3;
	s9 =	sadd.s32 $0x110, s3;
	s1 =	sadd.s32 $0x2, s1;
	[tilespmem:s21+$0xBE00] =	vst v37;
	v37 =	vld.idx.msk [tilespmem:v40+s6+$0x0], $0xffff;
	v40 =	vadd.s32 s20, v11;
	v26 =	vmovc v18;
	v18 =	vmovc v21;
	s5 =	smov.u32 s4  }
0x1d2: {  	v21 =	vmovc v34;
	v44 =	vand.u32 $0x3FF8, v44;
	v46 =	vadd.s32 s9, v1;
	p1 =	slt.u32 s1, $0x1E;
	v47 =	vld.idx.msk [tilespmem:v25+s6+$0x0], $0xffff;
	v40 =	vand.u32 $0x7FF8, v40;
	[tilespmem:s14+$0xBE80] =	vst v36;
	v25 =	vmovc v33  }
0x1d3: {  	v33 =	vor.u32 v2, v44;
	v34 =	vand.u32 $0x7FF8, v46;
	v36 =	vor.u32 v12, v40;
	v40 =	vld.idx.msk [tilespmem:v20+s6+$0x0], $0xffff;
	[tilespmem:s15+$0xCE80] =	vst v35  }
0x1d4: {  	v35 =	vand.u32 $0x3FF8, v45;
	v20 =	vmovc v23;
	v34 =	vor.u32 v2, v34;
	[tilespmem:s26+$0xB010] =	vst v41;
	v38 =	vld.idx.msk [tilespmem:v38+s6+$0x0], $0xffff;
	v41 =	vadd.s32 s12, v17;
	s12 =	smov.u32 s20;
	s20 =	smov.u32 s19;
	s19 =	smov.u32 s9  }
0x1d5: {  	v23 =	vmovc v31;
	v44 =	vor.u32 v4, v35;
	[tilespmem:s26+$0xB000] =	vst v42;
	v35 =	vld.idx.msk [tilespmem:v43+s6+$0x0], $0xffff;
	v42 =	vadd.s32 s20, v7;
	v41 =	vand.u32 $0x7FF8, v41  }
0x1d6: {  	v31 =	vadd.s32 s3, v5;
	v43 =	vld.idx.msk [tilespmem:v30+s6+$0x0], $0xffff;
	v30 =	vand.u32 $0x7FF8, v42;
	v41 =	vor.u32 v2, v41;
	[tilespmem:s13+$0xBF00] =	vst v39  }
0x1d7: {  	v31 =	vand.u32 $0x3FF8, v31;
	v39 =	vadd.s32 s3, v7;
	v42 =	vor.u32 v8, v30;
	[tilespmem:s5+$0xCE00] =	vst v37;
	v45 =	vld.idx.msk [tilespmem:v19+s6+$0x0], $0xffff;
	v19 =	vmovc v22  }
0x1d8: {  	v30 =	vor.u32 v6, v31;
	v31 =	vand.u32 $0x3FF8, v39;
	v22 =	vmovc v32;
	[tilespmem:s21+$0xCE00] =	vst v47;
	v39 =	vld.idx.msk [tilespmem:v36+s6+$0x0], $0xffff;
	v36 =	vadd.s32 s12, v13  }
0x1d9: {  	v31 =	vor.u32 v8, v31;
	v32 =	vld.idx.msk [tilespmem:v34+s6+$0x0], $0xffff;
	v34 =	vadd.s32 s19, v3;
	v36 =	vand.u32 $0x7FF8, v36;
	[tilespmem:s14+$0xCE80] =	vst v40  }
0x1da: {  	v46 =	vld.idx.msk [tilespmem:v33+s6+$0x0], $0xffff;
	v33 =	vadd.s32 s3, v9;
	v34 =	vand.u32 $0x7FF8, v34;
	v47 =	vor.u32 v14, v36;
	[tilespmem:s15+$0xBF00] =	vst v38  }
0x1db: {  	v36 =	vadd.s32 s3, v11;
	v33 =	vand.u32 $0x3FF8, v33;
	v38 =	vor.u32 v4, v34;
	[tilespmem:s26+$0xB410] =	vst v35;
	v48 =	vld.idx.msk [tilespmem:v41+s6+$0x0], $0xffff  }
0x1dc: {  	v34 =	vand.u32 $0x3FF8, v36;
	v35 =	vadd.s32 s20, v9;
	v33 =	vor.u32 v10, v33;
	[tilespmem:s26+$0xB400] =	vst v43;
	v49 =	vld.idx.msk [tilespmem:v42+s6+$0x0], $0xffff  }
0x1dd: {  	s2 =	sadd.s32 $0x80, s2;
	v36 =	vadd.s32 s3, v13;
	v34 =	vor.u32 v12, v34;
	v35 =	vand.u32 $0x7FF8, v35;
	v37 =	vld.idx.msk [tilespmem:v29+s6+$0x0], $0xffff;
	[tilespmem:s13+$0xCF00] =	vst v45;
	v29 =	vmovc v31;
	s13 =	smov.u32 s14;
	s14 =	smov.u32 s21  }
.Ltmp8:
0x1de: {  	v41 =	vadd.s32 s3, v15;
	s26 =	sshra.s32 s2, $0x2;
	v31 =	vand.u32 $0x3FF8, v36;
	v40 =	vor.u32 v10, v35;
	v36 =	vld.idx.msk [tilespmem:v24+s6+$0x0], $0xffff;
	[tilespmem:s5+$0xBE80] =	vst v39;
	v24 =	vmovc v28;
	(pc) =	sbr.rel @p1 .LBB2_10-.Ltmp8, $4  }
0x1df: {  	s22 =	sadd.s32 $0x20, s22;
	v31 =	vor.u32 v14, v31;
	v39 =	vand.u32 $0x3FF8, v41;
	v28 =	vmovc v34;
	[tilespmem:s26+$0xAC10] =	vst v32;
	v35 =	vld.idx.msk [tilespmem:v47+s6+$0x0], $0xffff;
	v32 =	vadd.s32 s12, v15  }
0x1e0: {  	s4 =	sadd.s32 $0xFFFFFFF0, s22;
	s16 =	sand.u32 $0x70, s22;
	s9 =	sand.u32 $0x600, s25;
	v34 =	vor.u32 v16, v39;
	[tilespmem:s26+$0xAC00] =	vst v46;
	v41 =	vld.idx.msk [tilespmem:v38+s6+$0x0], $0xffff;
	v38 =	vadd.s32 s19, v5;
	v32 =	vand.u32 $0x7FF8, v32  }
0x1e1: {  	s25 =	smov.u32 s2;
	s21 =	sand.u32 $0x60, s4;
	s4 =	sor.u32 s9, s16;
	v39 =	vadd.s32 s3, v17;
	v42 =	vld.idx.msk [tilespmem:v44+s6+$0x0], $0xffff;
	v43 =	vand.u32 $0x7FF8, v38;
	v38 =	vor.u32 v16, v32;
	[tilespmem:s15+$0xCF00] =	vst v48  }
0x1e2: {  	s21 =	sor.u32 s21, s9;
	s3 =	sadd.s32 $0x220, s3;
	v32 =	vor.u32 v2, v27;
	v27 =	vand.u32 $0x3FF8, v39;
	s15 =	smov.u32 s5;
	v43 =	vor.u32 v6, v43;
	[tilespmem:s4+$0xBE00] =	vst v49;
	v39 =	vld.idx.msk [tilespmem:v26+s6+$0x0], $0xffff  }
0x1e3: {  	_ =	sdelay $0x2  }
0x1e4: {  	v26 =	vadd.s32 s19, v7;
	[tilespmem:s26+$0xB010] =	vst v41  }
0x1e5: {  	v26 =	vand.u32 $0x7FF8, v26;
	[tilespmem:s26+$0xB000] =	vst v42;
	v41 =	vld.idx.msk [tilespmem:v43+s6+$0x0], $0xffff  }
0x1e6: {  	v26 =	vor.u32 v8, v26;
	v30 =	vld.idx.msk [tilespmem:v30+s6+$0x0], $0xffff;
	_ =	sdelay $0x3  }
0x1e7: {  	v60 =	vadd.s32 s19, v9;
	[tilespmem:s26+$0xB410] =	vst v41  }
0x1e8: {  	v61 =	vand.u32 $0x7FF8, v60;
	[tilespmem:s26+$0xB400] =	vst v30;
	v26 =	vld.idx.msk [tilespmem:v26+s6+$0x0], $0xffff  }
0x1e9: {  	v30 =	vor.u32 v10, v61;
	v29 =	vld.idx.msk [tilespmem:v29+s6+$0x0], $0xffff  }
0x1ea: {  	s1 =	sadd.s32 $0x20, s22;
	[tilespmem:s21+$0xBE00] =	vst v37  }
0x1eb: {  	s3 =	sand.u32 $0x600, s25;
	s2 =	sadd.s32 $0xFFFFFFF0, s1;
	s1 =	sand.u32 $0x70, s1;
	v25 =	vld.idx.msk [tilespmem:v25+s6+$0x0], $0xffff  }
0x1ec: {  	v62 =	vadd.s32 s20, v11;
	s2 =	sand.u32 $0x60, s2;
	s1 =	sor.u32 s3, s1  }
0x1ed: {  	v63 =	vld.idx.msk [tilespmem:v40+s6+$0x0], $0xffff;
	v45 =	vadd.s32 s19, v11;
	v44 =	vand.u32 $0x7FF8, v62;
	s2 =	sor.u32 s2, s3;
	[tilespmem:s1+$0xBE00] =	vst v26  }
0x1ee: {  	v40 =	vor.u32 v12, v44;
	v26 =	vand.u32 $0x7FF8, v45;
	[tilespmem:s2+$0xBE00] =	vst v29;
	v46 =	vld.idx.msk [tilespmem:v30+s6+$0x0], $0xffff  }
0x1ef: {  	v26 =	vor.u32 v12, v26;
	v47 =	vld.idx.msk [tilespmem:v33+s6+$0x0], $0xffff  }
0x1f0: {  	[tilespmem:s21+$0xCE00] =	vst v25  }
0x1f1: {  	[tilespmem:s14+$0xBE80] =	vst v36;
	v24 =	vld.idx.msk [tilespmem:v24+s6+$0x0], $0xffff  }
0x1f2: {  	v48 =	vadd.s32 s20, v13;
	[tilespmem:s4+$0xCE00] =	vst v63  }
0x1f3: {  	v50 =	vadd.s32 s19, v13;
	v49 =	vld.idx.msk [tilespmem:v40+s6+$0x0], $0xffff;
	v33 =	vand.u32 $0x7FF8, v48;
	[tilespmem:s1+$0xCE00] =	vst v46  }
0x1f4: {  	v29 =	vand.u32 $0x7FF8, v50;
	v33 =	vor.u32 v14, v33;
	[tilespmem:s2+$0xCE00] =	vst v47;
	v26 =	vld.idx.msk [tilespmem:v26+s6+$0x0], $0xffff  }
0x1f5: {  	[tilespmem:s15+$0xCE80] =	vst v35;
	v29 =	vor.u32 v14, v29;
	v28 =	vld.idx.msk [tilespmem:v28+s6+$0x0], $0xffff  }
0x1f6: {  	v20 =	vld.idx.msk [tilespmem:v20+s6+$0x0], $0xffff;
	[tilespmem:s21+$0xBE80] =	vst v24  }
0x1f7: {  	[tilespmem:s13+$0xBF00] =	vst v39;
	v23 =	vld.idx.msk [tilespmem:v23+s6+$0x0], $0xffff  }
0x1f8: {  	v52 =	vadd.s32 s20, v15;
	v19 =	vld.idx.msk [tilespmem:v19+s6+$0x0], $0xffff;
	[tilespmem:s4+$0xBE80] =	vst v49  }
0x1f9: {  	v54 =	vadd.s32 s19, v15;
	v25 =	vand.u32 $0x7FF8, v52;
	v33 =	vld.idx.msk [tilespmem:v33+s6+$0x0], $0xffff;
	[tilespmem:s1+$0xBE80] =	vst v26  }
0x1fa: {  	v53 =	vor.u32 v16, v25;
	v25 =	vand.u32 $0x7FF8, v54;
	v26 =	vld.idx.msk [tilespmem:v29+s6+$0x0], $0xffff;
	[tilespmem:s2+$0xBE80] =	vst v28  }
0x1fb: {  	[tilespmem:s14+$0xCE80] =	vst v20;
	v56 =	vor.u32 v16, v25;
	v57 =	vld.idx.msk [tilespmem:v31+s6+$0x0], $0xffff  }
0x1fc: {  	v18 =	vld.idx.msk [tilespmem:v18+s6+$0x0], $0xffff;
	[tilespmem:s21+$0xCE80] =	vst v23  }
0x1fd: {  	v55 =	vadd.s32 s12, v17;
	[tilespmem:s13+$0xCF00] =	vst v19;
	v21 =	vld.idx.msk [tilespmem:v21+s6+$0x0], $0xffff  }
0x1fe: {  	v58 =	vadd.s32 s20, v17;
	v51 =	vld.idx.msk [tilespmem:v38+s6+$0x0], $0xffff;
	v28 =	vand.u32 $0x7FF8, v55;
	[tilespmem:s4+$0xCE80] =	vst v33  }
0x1ff: {  	v60 =	vadd.s32 s19, v17;
	v29 =	vand.u32 $0x7FF8, v58;
	v28 =	vor.u32 v2, v28;
	v24 =	vld.idx.msk [tilespmem:v53+s6+$0x0], $0xffff;
	[tilespmem:s1+$0xCE80] =	vst v26  }
0x200: {  	v59 =	vor.u32 v2, v29;
	v26 =	vand.u32 $0x7FF8, v60;
	v20 =	vld.idx.msk [tilespmem:v56+s6+$0x0], $0xffff;
	[tilespmem:s2+$0xCE80] =	vst v57  }
0x201: {  	[tilespmem:s14+$0xBF00] =	vst v18;
	v19 =	vor.u32 v2, v26;
	v25 =	vld.idx.msk [tilespmem:v34+s6+$0x0], $0xffff  }
0x202: {  	v27 =	vor.u32 v2, v27;
	v18 =	vld.idx.msk [tilespmem:v22+s6+$0x0], $0xffff;
	[tilespmem:s21+$0xBF00] =	vst v21  }
0x203: {  	[tilespmem:s15+$0xBF00] =	vst v51;
	v21 =	vld.idx.msk [tilespmem:v32+s6+$0x0], $0xffff  }
0x204: {  	v61 =	vld.idx.msk [tilespmem:v28+s6+$0x0], $0xffff;
	[tilespmem:s4+$0xBF00] =	vst v24  }
0x205: {  	v62 =	vld.idx.msk [tilespmem:v59+s6+$0x0], $0xffff;
	[tilespmem:s1+$0xBF00] =	vst v20  }
0x206: {  	v19 =	vld.idx.msk [tilespmem:v19+s6+$0x0], $0xffff;
	[tilespmem:s2+$0xBF00] =	vst v25  }
0x207: {  	[tilespmem:s14+$0xCF00] =	vst v18;
	v63 =	vld.idx.msk [tilespmem:v27+s6+$0x0], $0xffff  }
0x208: {  	[tilespmem:s21+$0xCF00] =	vst v21  }
0x209: {  	[tilespmem:s15+$0xCF00] =	vst v61  }
0x20a: {  	[tilespmem:s4+$0xCF00] =	vst v62  }
0x20b: {  	s14 =	sshll.u32 s24, $0x6;
	s15 =	rddreg [dreg:$0x1];
	[tilespmem:s1+$0xCF00] =	vst v19  }
0x20c: {  	s16 =	simm.s32 $0xAC00;
	s19 =	rddreg [dreg:$0x2];
	[tilespmem:s2+$0xCF00] =	vst v63;
	s2 =	sadd.s32 s15, s14  }
0x20d: {  	[hbm4b:s2+s7] =	stream.linear.scatter [tilespmem:s16], [sflag:$0xA], $0x200, $0x38;
	[tilespmem:$0xD600] =	vst v63  }
0x20e: {  	s20 =	simm.s32 $0xB000;
	s21 =	rddreg [dreg:$0x3];
	s2 =	sadd.s32 s19, s14  }
0x20f: {  	[hbm4b:s2+s7] =	stream.linear.scatter [tilespmem:s20], [sflag:$0xA], $0x200, $0x38;
	[tilespmem:$0xD600] =	vst v63  }
0x210: {  	s22 =	simm.s32 $0xB400;
	s1 =	sadd.s32 s21, s14  }
0x211: {  	[hbm4b:s1+s7] =	stream.linear.scatter [tilespmem:s22], [sflag:$0xA], $0x200, $0x38;
	[tilespmem:$0xD600] =	vst v63  }
.Ltmp9:
0x212: {  	s25 =	rddreg [dreg:$0x5];
	s24 =	sshll.u32 s24, $0x8;
	(pc) =	sbr.rel .LBB2_12-.Ltmp9, $4  }
0x213: {  	s28 =	rddreg [dreg:$0x4];
	s26 =	simm.s32 $0xBE00;
	s2 =	sadd.s32 s25, s24  }
0x214: {  	[hbm4b:s2+s7] =	stream.linear.scatter [tilespmem:s26], [sflag:$0xA], $0x800, $0x38;
	[tilespmem:$0xD600] =	vst v63  }
0x215: {  	s29 =	simm.s32 $0xCE00;
	s1 =	sadd.s32 s28, s24  }
0x216: {  	[hbm4b:s1+s7] =	stream.linear.scatter [tilespmem:s29], [sflag:$0xA], $0x800, $0x38;
	[tilespmem:$0xD600] =	vst v63  }
.LBB2_14:
0x217: {  	_ =	sfence.sel $0x180000  }
0x218: {  	[bflag:$0x0] =	sbarrier.arrive $0xFFFF  }
0x219: {  	_ =	strace $0x9000004A  }
0x21a: {  	s0 =	stileid.u32;
	[bflag:$0x2] =	sbarrier.arrive $0xFFFF  }
0x21b: {  	p0 =	sne.s32 s0, $0x0;
	s0 =	rddreg [dreg:$0x6]  }
0x21c: {  	s0 =	sadd.s32 @!p0 $0x100000, s0  }
0x21d: {  	[sflag:s0] =	ssyncadd.tile.s32 @!p0 $0x1;
	_ =	shalt  }
.Lfunc_end2:
_tile_overlayer_lowered:
.L_overlay_start_2:
0x21e: {  	(tag) =	ssettag $0x2  }
0x21f: {  	s0 =	rddreg [dreg:$0x0];
	s2 =	stileid.u32  }
0x220: {  	s1 =	rddreg [dreg:$0x1];
	p0 =	sne.s32 s2, $0x0  }
0x221: {  	s3 =	rddreg [dreg:$0x2];
	[bflag:$0x3] =	sbarrier.arrive $0xFFFF;
	s2 =	simm.s32 @!p0 $0x1C0B  }
0x222: {  	[timem:s3], [sflag:s2] =	dma.local @!p0 [hbm:s0], s1  }
0x223: {  	s0 =	simm.s32 @!p0 $0xB  }
0x224: {  	_ =	swait.ge @!p0 [sflag:s0], s1  }
0x225: {  	s1 =	ssub.s32 @!p0 $0x0, s1;
	[sflag:s0] =	ssyncset.done @!p0 $0x0  }
0x226: {  	[sflag:s0] =	ssyncadd.s32 @!p0 s1  }
0x227: {  	[bflag:$0x3] =	sbarrier.arrive $0xFFFF  }
0x228: {  	_ =	shalt  }

</sc_bundles>
